<compile_context>
chip_gen: v7x
topology: tpu7x:2x2x1
jax: 0.10.2.dev20260603
libtpu: 0.0.44.dev20260713+nightly
codegen_flags: <defaults>
</compile_context>

<pallas_src>
import functools
import jax
import jax.numpy as jnp
from jax import lax
from jax.experimental import pallas as pl
from jax.experimental.pallas import tpu as pltpu
from jax.experimental.pallas import tpu_sc as plsc

_NUM_CLASSES = 80
_HW = ((80, 80), (40, 40), (20, 20))
_B = 8
_G = 32
_NB = _B * _G
_GCH = 128


def _floor_i32(x):
    i = x.astype(jnp.int32)
    return i - (i.astype(jnp.float32) > x).astype(jnp.int32)



def _sc_gather(out0f, out1f, out2f, boxes_flat):
    mesh = plsc.VectorSubcoreMesh(core_axis_name="c", subcore_axis_name="s")

    @functools.partial(
        pl.kernel,
        mesh=mesh,
        out_type=jax.ShapeDtypeStruct((_NB, _GCH), jnp.float32),
        scratch_types=[
            pltpu.VMEM((4 * 8,), jnp.float32),
            pltpu.VMEM((8, _GCH), jnp.int32),
            pltpu.VMEM((8, _GCH), jnp.float32),
            pltpu.SemaphoreType.DMA,
        ],
    )
    def k(o0_hbm, o1_hbm, o2_hbm, bx_hbm, gath_hbm, bx_v, idx_v, gath_v, sem):
        wid = lax.axis_index("s") * 2 + lax.axis_index("c")
        pltpu.sync_copy(bx_hbm.at[pl.ds(wid * 32, 32)], bx_v)
        outs = (o0_hbm, o1_hbm, o2_hbm)
        chunks = (bx_v[pl.ds(0, 16)], bx_v[pl.ds(16, 16)])
        prefs = []
        for j in range(8):
            vec = chunks[j // 4]
            off = (4 * j) % 16
            x = vec[off + 0]
            y = vec[off + 1]
            w = vec[off + 2]
            h = vec[off + 3]
            area = w * h
            pref = jnp.where(area < 0.02, 0, jnp.where(area < 0.1, 1, 2))
            Wf = jnp.where(pref == 0, 80.0, jnp.where(pref == 1, 40.0, 20.0))
            Wi = jnp.where(pref == 0, 80, jnp.where(pref == 1, 40, 20))
            gx = _floor_i32(jnp.clip(x * Wf, 0.0, Wf - 1.0))
            gy = _floor_i32(jnp.clip(y * Wf, 0.0, Wf - 1.0))
            hw = Wi * Wi
            b = (wid * 8 + j) // 32
            base = (b * 85 * Wi + gy) * Wi + gx
            for c in range(_GCH // 16):
                ch = lax.iota(jnp.int32, 16) + 16 * c
                ch = jnp.where(ch < 85, ch, 0)
                idx_v[j, pl.ds(16 * c, 16)] = base + ch * hw
            prefs.append(pref)
        for j in range(8):
            for s in range(3):
                @pl.when(prefs[j] == s)
                def _(j=j, s=s):
                    pltpu.async_copy(outs[s].at[idx_v.at[j]], gath_v.at[j], sem)
        for j in range(8):
            pltpu.make_async_copy(o0_hbm.at[idx_v.at[j]], gath_v.at[j], sem).wait()
        pltpu.sync_copy(gath_v, gath_hbm.at[pl.ds(wid * 8, 8)])

    return k(out0f, out1f, out2f, boxes_flat)



def _softplus(x):
    return jnp.maximum(x, 0.0) + jnp.log1p(jnp.exp(-jnp.abs(x)))


def _tc_body(obj0, obj1, obj2, gath, bx, bxT, lab, o_tot, o_obj, o_box, o_cls):
    objs = (obj0, obj1, obj2)

    def box_geom(x, y, w, h):
        area = w * h
        pref = jnp.where(area < 0.02, 0, jnp.where(area < 0.1, 1, 2))
        Wf = jnp.where(pref == 0, 80.0, jnp.where(pref == 1, 40.0, 20.0))
        gx = _floor_i32(jnp.clip(x * Wf, 0.0, Wf - 1.0))
        gy = _floor_i32(jnp.clip(y * Wf, 0.0, Wf - 1.0))
        return pref, gx, gy

    bxv = bx[...]
    bxTv = bxT[...]
    gv = gath[...]
    labv = lab[...]

    pref_c, gx_c, gy_c = box_geom(bxv[:, 0:1], bxv[:, 1:2], bxv[:, 2:3], bxv[:, 3:4])
    bidx_c = lax.broadcasted_iota(jnp.int32, (_NB, 1), 0) // _G
    key_c = ((bidx_c * 3 + pref_c) * 128 + gy_c) * 128 + gx_c
    pref_r, gx_r, gy_r = box_geom(bxTv[0:1, :], bxTv[1:2, :], bxTv[2:3, :], bxTv[3:4, :])
    bidx_r = lax.broadcasted_iota(jnp.int32, (1, _NB), 1) // _G
    key_r = ((bidx_r * 3 + pref_r) * 128 + gy_r) * 128 + gx_r

    ii = lax.broadcasted_iota(jnp.int32, (_NB, _NB), 0)
    jj = lax.broadcasted_iota(jnp.int32, (_NB, _NB), 1)
    clash = (key_c == key_r) & (jj < ii)
    winner = jnp.logical_not(jnp.any(clash, axis=1, keepdims=True))

    cls = gv[:, 5:85]
    kio = lax.broadcasted_iota(jnp.int32, (_NB, _NUM_CLASSES), 1)
    oneh = (labv == kio).astype(jnp.float32)
    cls_corr = (jnp.sum(_softplus(cls), axis=1, keepdims=True)
                - jnp.sum(oneh * cls, axis=1, keepdims=True))

    sig = 1.0 / (1.0 + jnp.exp(-gv[:, 0:4]))

    total_obj = jnp.float32(0.0)
    total_box = jnp.float32(0.0)
    total_cls = jnp.float32(0.0)
    for s, (H, W) in enumerate(_HW):
        dense = jnp.sum(_softplus(objs[s][...]))
        m = jnp.logical_and(winner, pref_c == s).astype(jnp.float32)
        cnt = jnp.sum(m)
        obj_loss = (dense - jnp.sum(m * gv[:, 4:5])) / (_B * H * W)

        cx = (sig[:, 0:1] + gx_c.astype(jnp.float32)) / W
        cy = (sig[:, 1:2] + gy_c.astype(jnp.float32)) / H
        pred = jnp.concatenate([cx, cy, sig[:, 2:3], sig[:, 3:4]], axis=1)
        d = pred - bxv
        ad = jnp.abs(d)
        sl1 = jnp.where(ad < 1.0, 0.5 * d * d, ad - 0.5)
        box_loss = jnp.sum(m * sl1) / jnp.maximum(cnt * 4.0, 1.0)
        cls_loss = jnp.sum(m * cls_corr) / jnp.maximum(cnt * _NUM_CLASSES, 1.0)
        total_obj += obj_loss
        total_box += box_loss
        total_cls += cls_loss

    o_obj[0, 0] = total_obj
    o_box[0, 0] = total_box
    o_cls[0, 0] = total_cls
    o_tot[0, 0] = 1.0 * total_obj + 5.0 * total_box + 1.0 * total_cls


def _tc_loss(out0, out1, out2, gathered, bx, bxT, lab, interpret=False):
    scalar = jax.ShapeDtypeStruct((1, 1), jnp.float32)
    res = pl.pallas_call(
        _tc_body,
        grid=(1,),
        in_specs=[
            pl.BlockSpec((_B, 1, 80, 80), lambda i: (0, 4, 0, 0)),
            pl.BlockSpec((_B, 1, 40, 40), lambda i: (0, 4, 0, 0)),
            pl.BlockSpec((_B, 1, 20, 20), lambda i: (0, 4, 0, 0)),
            pl.BlockSpec(gathered.shape, lambda i: (0, 0)),
            pl.BlockSpec(bx.shape, lambda i: (0, 0)),
            pl.BlockSpec(bxT.shape, lambda i: (0, 0)),
            pl.BlockSpec(lab.shape, lambda i: (0, 0)),
        ],
        out_specs=[pl.BlockSpec(memory_space=pltpu.SMEM)] * 4,
        out_shape=[scalar] * 4,
        interpret=interpret,
    )(out0, out1, out2, gathered, bx, bxT, lab)
    return res


def kernel(out0, out1, out2, boxes, labels):
    bx = boxes.reshape(_NB, 4)
    bxT = bx.T
    lab = labels.reshape(_NB, 1).astype(jnp.int32)
    gathered = _sc_gather(
        out0.reshape(-1), out1.reshape(-1), out2.reshape(-1), bx.reshape(-1))
    t, o, b, c = _tc_loss(out0, out1, out2, gathered, bx, bxT, lab)
    return (t.reshape(()), o.reshape(()), b.reshape(()), c.reshape(()))

# --- scband reference (transcript-rebuilt; emitter-appended) ---
"""Pipeline reference for scband-multi-scale-yolo-loss-56693568307631 (READ-ONLY COPY).

The authoritative reference and input builder live on the scoring server;
editing this copy changes nothing except your own understanding.
"""

import jax, jax.numpy as jnp
import numpy as np

NUM_CLASSES = 80
OBJ_W, BOX_W, CLS_W = 1.0, 5.0, 1.0
SCALE_W = [1.0, 1.0, 1.0]


def setup_inputs(seed: int = 0) -> dict:
    key = jax.random.key(seed)
    k0, k1, k2, kb, kl = jax.random.split(key, 5)
    out0 = jax.random.normal(k0, (8, 85, 80, 80), dtype=jnp.float32)
    out1 = jax.random.normal(k1, (8, 85, 40, 40), dtype=jnp.float32)
    out2 = jax.random.normal(k2, (8, 85, 20, 20), dtype=jnp.float32)
    boxes = jax.random.uniform(kb, (8, 32, 4), dtype=jnp.float32)
    labels = jax.random.randint(kl, (8, 32), 0, NUM_CLASSES)
    return {"out0": out0, "out1": out1, "out2": out2, "boxes": boxes, "labels": labels}


def _bce_logits(x, z):
    return jnp.maximum(x, 0.0) - x * z + jnp.log1p(jnp.exp(-jnp.abs(x)))


def _smooth_l1(d):
    ad = jnp.abs(d)
    return jnp.where(ad < 1.0, 0.5 * d * d, ad - 0.5)


def _decode_boxes(pred):
    b, _, h, w = pred.shape
    gy, gx = jnp.meshgrid(jnp.arange(h), jnp.arange(w), indexing='ij')
    cx = (jax.nn.sigmoid(pred[:, 0]) + gx) / max(w, 1)
    cy = (jax.nn.sigmoid(pred[:, 1]) + gy) / max(h, 1)
    bw = jax.nn.sigmoid(pred[:, 2])
    bh = jax.nn.sigmoid(pred[:, 3])
    return jnp.stack((cx, cy, bw, bh), axis=1)


def _build_targets(boxes, labels, H, W, scale_idx):
    # vectorized replication of the per-GT assignment loop (first GT wins per cell)
    B, G, _ = boxes.shape
    area = boxes[..., 2] * boxes[..., 3]
    pref = jnp.where(area < 0.02, 0, jnp.where(area < 0.1, 1, 2))  # num_scales == 3
    valid = (pref == scale_idx)
    gx = jnp.clip(boxes[..., 0] * W, 0, W - 1).astype(jnp.int32)
    gy = jnp.clip(boxes[..., 1] * H, 0, H - 1).astype(jnp.int32)
    bidx = jnp.arange(B, dtype=jnp.int32)[:, None]
    lin = jnp.where(valid, bidx * (H * W) + gy * W + gx, B * H * W)
    lin_f = lin.reshape(-1)
    fid = jnp.arange(B * G, dtype=jnp.int32)
    BIG = B * G + 1
    winner = jnp.full(B * H * W + 1, BIG, dtype=jnp.int32).at[lin_f].min(fid)
    is_w = valid.reshape(-1) & (winner[lin_f] == fid)
    wf = is_w.astype(jnp.float32)
    obj = jnp.zeros(B * H * W + 1, dtype=jnp.float32).at[lin_f].add(wf)[:B * H * W].reshape(B, H, W)
    boxes_f = boxes.reshape(-1, 4)
    boxt = jnp.zeros((B * H * W + 1, 4), dtype=jnp.float32).at[lin_f].add(wf[:, None] * boxes_f)[:B * H * W].reshape(B, H, W, 4)
    oneh = jax.nn.one_hot(labels.reshape(-1), NUM_CLASSES, dtype=jnp.float32)
    clst = jnp.zeros((B * H * W + 1, NUM_CLASSES), dtype=jnp.float32).at[lin_f].add(wf[:, None] * oneh)[:B * H * W].reshape(B, H, W, NUM_CLASSES)
    pos = obj > 0.5
    return obj, boxt, clst, pos


def _yolo_loss(out0, out1, out2, boxes, labels):
    outputs = [out0, out1, out2]
    total_obj = jnp.float32(0.0)
    total_box = jnp.float32(0.0)
    total_cls = jnp.float32(0.0)
    for si, out in enumerate(outputs):
        B, C, H, W = out.shape
        obj_t, box_t, cls_t, pos = _build_targets(boxes, labels, H, W, si)
        obj_loss = jnp.mean(_bce_logits(out[:, 4], obj_t))
        pred = jnp.transpose(_decode_boxes(out), (0, 2, 3, 1))  # B,H,W,4
        cnt = jnp.sum(pos)
        m = pos[..., None].astype(jnp.float32)
        box_loss = jnp.sum(_smooth_l1(pred - box_t) * m) / jnp.maximum(cnt * 4, 1)
        pred_cls = jnp.transpose(out[:, 5:], (0, 2, 3, 1))  # B,H,W,K
        cls_loss = jnp.sum(_bce_logits(pred_cls, cls_t) * m) / jnp.maximum(cnt * NUM_CLASSES, 1)
        w = SCALE_W[min(si, len(SCALE_W) - 1)]
        total_obj = total_obj + obj_loss * w
        total_box = total_box + box_loss * w
        total_cls = total_cls + cls_loss * w
    total = OBJ_W * total_obj + BOX_W * total_box + CLS_W * total_cls
    return total, total_obj, total_box, total_cls


def reference(out0, out1, out2, boxes, labels):
    return _yolo_loss(out0, out1, out2, boxes, labels)

if __name__ == "__main__":
    import jax
    _d = setup_inputs()
    print(jax.jit(kernel)(*tuple(_d.values())))

</pallas_src>

<mosaic_0001>
#map = affine_map<(d0, d1) -> (0)>
#map1 = affine_map<(d0, d1) -> (0, 0)>
module attributes {stable_mosaic.version = 14 : i64} {
  func.func @k(%arg0: i32, %arg1: i32, %arg2: memref<4352000xf32, #tpu.memory_space<hbm>>, %arg3: memref<1088000xf32, #tpu.memory_space<hbm>>, %arg4: memref<272000xf32, #tpu.memory_space<hbm>>, %arg5: memref<1024xf32, #tpu.memory_space<hbm>>, %arg6: memref<256x128xf32, #tpu.memory_space<hbm>>, %arg7: memref<32xf32, #tpu.memory_space<vmem>>, %arg8: memref<8x128xi32, #tpu.memory_space<vmem>>, %arg9: memref<8x128xf32, #tpu.memory_space<vmem>>, %arg10: memref<!tpu.dma_semaphore, #tpu.memory_space<semaphore_mem>>) attributes {dimension_semantics = [#tpu.dimension_semantics<core_parallel>, #tpu.dimension_semantics<subcore_parallel>], iteration_bounds = array<i64: 2, 16>, scalar_prefetch = 0 : i64, scratch_operands = 4 : i64, tpu.core_type = #tpu.core_type<sc_vector_subcore>, window_params = [{transform_indices = #map}, {transform_indices = #map}, {transform_indices = #map}, {transform_indices = #map}, {transform_indices = #map1}]} {
    %mul3A = arith.constant 2 : i32
    %mul3A_0 = arith.muli %arg1, %mul3A : i32
    %add3A = arith.addi %mul3A_0, %arg0 : i32
    %mul3A_1 = arith.constant 32 : i32
    %mul3A_2 = arith.muli %add3A, %mul3A_1 : i32
    "tpu.region"() ({
      %run_scoped3A = tpu.sem_alloc : memref<!tpu.dma_semaphore, #tpu.memory_space<semaphore_mem>>
      %dma_start3A = tpu.memref_slice %arg5[%mul3A_2] : memref<1024xf32, #tpu.memory_space<hbm>> -> memref<32xf32, #tpu.memory_space<hbm>>
      %dma_start3A_2213 = tpu.memref_slice %arg5[%mul3A_2] : memref<1024xf32, #tpu.memory_space<hbm>> -> memref<32xf32, #tpu.memory_space<hbm>>
      tpu.enqueue_dma source(%dma_start3A_2213 : memref<32xf32, #tpu.memory_space<hbm>>) target(%arg7 : memref<32xf32, #tpu.memory_space<vmem>>) target_semaphore(%run_scoped3A : memref<!tpu.dma_semaphore, #tpu.memory_space<semaphore_mem>>)
      %dma_wait3A_2214 = tpu.memref_slice %arg5[%mul3A_2] : memref<1024xf32, #tpu.memory_space<hbm>> -> memref<32xf32, #tpu.memory_space<hbm>>
      %dma_wait3A_2215 = tpu.memref_slice %arg5[%mul3A_2] : memref<1024xf32, #tpu.memory_space<hbm>> -> memref<32xf32, #tpu.memory_space<hbm>>
      tpu.wait_dma2 semaphore(%run_scoped3A : memref<!tpu.dma_semaphore, #tpu.memory_space<semaphore_mem>>) src(%dma_wait3A_2215 : memref<32xf32, #tpu.memory_space<hbm>>) dst(%arg7 : memref<32xf32, #tpu.memory_space<vmem>>)
      tpu.yield
    }) : () -> ()
    %get3A = arith.constant 0 : index
    %get3A_3 = tpu.vector_load %arg7[%get3A] {strides = array<i32>} : memref<32xf32, #tpu.memory_space<vmem>>, vector<16xf32>,
    %get3A_4 = vector.shape_cast %get3A_3 : vector<16xf32> to vector<16xf32>
    %get3A_5 = arith.constant 16 : index
    %get3A_6 = tpu.vector_load %arg7[%get3A_5] {strides = array<i32>} : memref<32xf32, #tpu.memory_space<vmem>>, vector<16xf32>,
    %get3A_7 = vector.shape_cast %get3A_6 : vector<16xf32> to vector<16xf32>
    %slice3A = vector.extract_strided_slice %get3A_4 {offsets = [0], sizes = [1], strides = [1]} : vector<16xf32> to vector<1xf32>
    %squeeze3A = vector.extract %slice3A[0] : f32 from vector<1xf32>
    %slice3A_8 = vector.extract_strided_slice %get3A_4 {offsets = [1], sizes = [1], strides = [1]} : vector<16xf32> to vector<1xf32>
    %squeeze3A_9 = vector.extract %slice3A_8[0] : f32 from vector<1xf32>
    %slice3A_10 = vector.extract_strided_slice %get3A_4 {offsets = [2], sizes = [1], strides = [1]} : vector<16xf32> to vector<1xf32>
    %squeeze3A_11 = vector.extract %slice3A_10[0] : f32 from vector<1xf32>
    %slice3A_12 = vector.extract_strided_slice %get3A_4 {offsets = [3], sizes = [1], strides = [1]} : vector<16xf32> to vector<1xf32>
    %squeeze3A_13 = vector.extract %slice3A_12[0] : f32 from vector<1xf32>
    %mul3A_14 = arith.mulf %squeeze3A_11, %squeeze3A_13 : f32
    %lt3A = arith.constant 2.000000e-02 : f32
    %lt3A_15 = arith.cmpf olt, %mul3A_14, %lt3A : f32
    %lt3A_16 = arith.constant 1.000000e-01 : f32
    %lt3A_17 = arith.cmpf olt, %mul3A_14, %lt3A_16 : f32
    %jit3A = arith.constant 1 : i32
    %jit3A_18 = arith.constant 2 : i32
    %select_n3A = arith.select %lt3A_17, %jit3A, %jit3A_18 : i32
    %jit3A_19 = arith.constant 0 : i32
    %select_n3A_20 = arith.select %lt3A_15, %jit3A_19, %select_n3A : i32
    %eq3A = arith.constant 0 : i32
    %eq3A_21 = arith.cmpi eq, %select_n3A_20, %eq3A : i32
    %eq3A_22 = arith.constant 1 : i32
    %eq3A_23 = arith.cmpi eq, %select_n3A_20, %eq3A_22 : i32
    %jit3A_24 = arith.constant 4.000000e+01 : f32
    %jit3A_25 = arith.constant 2.000000e+01 : f32
    %select_n3A_26 = arith.select %eq3A_23, %jit3A_24, %jit3A_25 : f32
    %jit3A_27 = arith.constant 8.000000e+01 : f32
    %select_n3A_28 = arith.select %eq3A_21, %jit3A_27, %select_n3A_26 : f32
    %eq3A_29 = arith.constant 0 : i32
    %eq3A_30 = arith.cmpi eq, %select_n3A_20, %eq3A_29 : i32
    %eq3A_31 = arith.constant 1 : i32
    %eq3A_32 = arith.cmpi eq, %select_n3A_20, %eq3A_31 : i32
    %jit3A_33 = arith.constant 40 : i32
    %jit3A_34 = arith.constant 20 : i32
    %select_n3A_35 = arith.select %eq3A_32, %jit3A_33, %jit3A_34 : i32
    %jit3A_36 = arith.constant 80 : i32
    %select_n3A_37 = arith.select %eq3A_30, %jit3A_36, %select_n3A_35 : i32
    %mul3A_38 = arith.mulf %squeeze3A, %select_n3A_28 : f32
    %sub3A = arith.constant 1.000000e+00 : f32
    %sub3A_39 = arith.subf %select_n3A_28, %sub3A : f32
    %jit3A_40 = arith.constant 0.000000e+00 : f32
    %max3A = arith.maximumf %jit3A_40, %mul3A_38 : f32
    %min3A = arith.minimumf %sub3A_39, %max3A : f32
    %convert_element_type3A = arith.fptosi %min3A : f32 to i32
    %convert_element_type3A_41 = arith.sitofp %convert_element_type3A : i32 to f32
    %gt3A = arith.cmpf ogt, %convert_element_type3A_41, %min3A : f32
    %convert_element_type3A_42 = arith.extui %gt3A : i1 to i32
    %sub3A_43 = arith.subi %convert_element_type3A, %convert_element_type3A_42 : i32
    %mul3A_44 = arith.mulf %squeeze3A_9, %select_n3A_28 : f32
    %sub3A_45 = arith.constant 1.000000e+00 : f32
    %sub3A_46 = arith.subf %select_n3A_28, %sub3A_45 : f32
    %jit3A_47 = arith.constant 0.000000e+00 : f32
    %max3A_48 = arith.maximumf %jit3A_47, %mul3A_44 : f32
    %min3A_49 = arith.minimumf %sub3A_46, %max3A_48 : f32
    %convert_element_type3A_50 = arith.fptosi %min3A_49 : f32 to i32
    %convert_element_type3A_51 = arith.sitofp %convert_element_type3A_50 : i32 to f32
    %gt3A_52 = arith.cmpf ogt, %convert_element_type3A_51, %min3A_49 : f32
    %convert_element_type3A_53 = arith.extui %gt3A_52 : i1 to i32
    %sub3A_54 = arith.subi %convert_element_type3A_50, %convert_element_type3A_53 : i32
    %mul3A_55 = arith.muli %select_n3A_37, %select_n3A_37 : i32
    %mul3A_56 = arith.constant 8 : i32
    %mul3A_57 = arith.muli %add3A, %mul3A_56 : i32
    %add3A_58 = arith.constant 0 : i32
    %add3A_59 = arith.addi %mul3A_57, %add3A_58 : i32
    %jit3A_60 = arith.constant 32 : i32
    %div3A = arith.divsi %add3A_59, %jit3A_60 : i32
    %sign3A = arith.constant 0 : i32
    %sign3A_61 = arith.cmpi sgt, %add3A_59, %sign3A : i32
    %sign3A_62 = arith.extui %sign3A_61 : i1 to i32
    %sign3A_63 = arith.constant 0 : i32
    %sign3A_64 = arith.cmpi slt, %add3A_59, %sign3A_63 : i32
    %sign3A_65 = arith.extui %sign3A_64 : i1 to i32
    %sign3A_66 = arith.subi %sign3A_62, %sign3A_65 : i32
    %sign3A_67 = arith.constant 0 : i32
    %sign3A_68 = arith.cmpi sgt, %jit3A_60, %sign3A_67 : i32
    %sign3A_69 = arith.extui %sign3A_68 : i1 to i32
    %sign3A_70 = arith.constant 0 : i32
    %sign3A_71 = arith.cmpi slt, %jit3A_60, %sign3A_70 : i32
    %sign3A_72 = arith.extui %sign3A_71 : i1 to i32
    %sign3A_73 = arith.subi %sign3A_69, %sign3A_72 : i32
    %ne3A = arith.cmpi ne, %sign3A_66, %sign3A_73 : i32
    %rem3A = arith.remsi %add3A_59, %jit3A_60 : i32
    %ne3A_74 = arith.constant 0 : i32
    %ne3A_75 = arith.cmpi ne, %rem3A, %ne3A_74 : i32
    %and3A = arith.andi %ne3A, %ne3A_75 : i1
    %sub3A_76 = arith.constant 1 : i32
    %sub3A_77 = arith.subi %div3A, %sub3A_76 : i32
    %select_n3A_78 = arith.select %and3A, %sub3A_77, %div3A : i32
    %mul3A_79 = arith.constant 85 : i32
    %mul3A_80 = arith.muli %select_n3A_78, %mul3A_79 : i32
    %mul3A_81 = arith.muli %mul3A_80, %select_n3A_37 : i32
    %add3A_82 = arith.addi %mul3A_81, %sub3A_54 : i32
    %mul3A_83 = arith.muli %add3A_82, %select_n3A_37 : i32
    %add3A_84 = arith.addi %mul3A_83, %sub3A_43 : i32
    %iota3A = tpu.iota {dimensions = array<i32: 0>} : vector<16xi32>
    %add3A_85 = arith.constant 0 : i32
    %add3A_86 = vector.broadcast %add3A_85 : i32 to vector<16xi32>
    %add3A_87 = arith.addi %iota3A, %add3A_86 : vector<16xi32>
    %lt3A_88 = arith.constant 85 : i32
    %lt3A_89 = vector.broadcast %lt3A_88 : i32 to vector<16xi32>
    %lt3A_90 = arith.cmpi slt, %add3A_87, %lt3A_89 : vector<16xi32>
    %jit3A_91 = arith.constant 0 : i32
    %broadcast_in_dim3A = vector.broadcast %jit3A_91 : i32 to vector<16xi32>
    %select_n3A_92 = arith.select %lt3A_90, %add3A_87, %broadcast_in_dim3A : vector<16xi1>, vector<16xi32>
    %mul3A_93 = vector.broadcast %mul3A_55 : i32 to vector<16xi32>
    %mul3A_94 = arith.muli %select_n3A_92, %mul3A_93 : vector<16xi32>
    %add3A_95 = vector.broadcast %add3A_84 : i32 to vector<16xi32>
    %add3A_96 = arith.addi %add3A_95, %mul3A_94 : vector<16xi32>
    %swap3A = arith.constant 0 : i32
    %swap3A_97 = arith.index_cast %swap3A : i32 to index
    %swap3A_98 = arith.constant 0 : index
    %swap3A_99 = tpu.vector_load %arg8[%swap3A_97, %swap3A_98] {strides = array<i32>} : memref<8x128xi32, #tpu.memory_space<vmem>>, vector<1x16xi32>,
    %swap3A_100 = vector.shape_cast %swap3A_99 : vector<1x16xi32> to vector<16xi32>
    %swap3A_101 = vector.shape_cast %add3A_96 : vector<16xi32> to vector<1x16xi32>
    tpu.vector_store %arg8[%swap3A_97, %swap3A_98], %swap3A_101 {strides = array<i32>} : memref<8x128xi32, #tpu.memory_space<vmem>>, vector<1x16xi32>,
    %iota3A_102 = tpu.iota {dimensions = array<i32: 0>} : vector<16xi32>
    %add3A_103 = arith.constant 16 : i32
    %add3A_104 = vector.broadcast %add3A_103 : i32 to vector<16xi32>
    %add3A_105 = arith.addi %iota3A_102, %add3A_104 : vector<16xi32>
    %lt3A_106 = arith.constant 85 : i32
    %lt3A_107 = vector.broadcast %lt3A_106 : i32 to vector<16xi32>
    %lt3A_108 = arith.cmpi slt, %add3A_105, %lt3A_107 : vector<16xi32>
    %jit3A_109 = arith.constant 0 : i32
    %broadcast_in_dim3A_110 = vector.broadcast %jit3A_109 : i32 to vector<16xi32>
    %select_n3A_111 = arith.select %lt3A_108, %add3A_105, %broadcast_in_dim3A_110 : vector<16xi1>, vector<16xi32>
    %mul3A_112 = vector.broadcast %mul3A_55 : i32 to vector<16xi32>
    %mul3A_113 = arith.muli %select_n3A_111, %mul3A_112 : vector<16xi32>
    %add3A_114 = vector.broadcast %add3A_84 : i32 to vector<16xi32>
    %add3A_115 = arith.addi %add3A_114, %mul3A_113 : vector<16xi32>
    %swap3A_116 = arith.constant 0 : i32
    %swap3A_117 = arith.index_cast %swap3A_116 : i32 to index
    %swap3A_118 = arith.constant 16 : index
    %swap3A_119 = tpu.vector_load %arg8[%swap3A_117, %swap3A_118] {strides = array<i32>} : memref<8x128xi32, #tpu.memory_space<vmem>>, vector<1x16xi32>,
    %swap3A_120 = vector.shape_cast %swap3A_119 : vector<1x16xi32> to vector<16xi32>
    %swap3A_121 = vector.shape_cast %add3A_115 : vector<16xi32> to vector<1x16xi32>
    tpu.vector_store %arg8[%swap3A_117, %swap3A_118], %swap3A_121 {strides = array<i32>} : memref<8x128xi32, #tpu.memory_space<vmem>>, vector<1x16xi32>,
    %iota3A_122 = tpu.iota {dimensions = array<i32: 0>} : vector<16xi32>
    %add3A_123 = arith.constant 32 : i32
    %add3A_124 = vector.broadcast %add3A_123 : i32 to vector<16xi32>
    %add3A_125 = arith.addi %iota3A_122, %add3A_124 : vector<16xi32>
    %lt3A_126 = arith.constant 85 : i32
    %lt3A_127 = vector.broadcast %lt3A_126 : i32 to vector<16xi32>
    %lt3A_128 = arith.cmpi slt, %add3A_125, %lt3A_127 : vector<16xi32>
    %jit3A_129 = arith.constant 0 : i32
    %broadcast_in_dim3A_130 = vector.broadcast %jit3A_129 : i32 to vector<16xi32>
    %select_n3A_131 = arith.select %lt3A_128, %add3A_125, %broadcast_in_dim3A_130 : vector<16xi1>, vector<16xi32>
    %mul3A_132 = vector.broadcast %mul3A_55 : i32 to vector<16xi32>
    %mul3A_133 = arith.muli %select_n3A_131, %mul3A_132 : vector<16xi32>
    %add3A_134 = vector.broadcast %add3A_84 : i32 to vector<16xi32>
    %add3A_135 = arith.addi %add3A_134, %mul3A_133 : vector<16xi32>
    %swap3A_136 = arith.constant 0 : i32
    %swap3A_137 = arith.index_cast %swap3A_136 : i32 to index
    %swap3A_138 = arith.constant 32 : index
    %swap3A_139 = tpu.vector_load %arg8[%swap3A_137, %swap3A_138] {strides = array<i32>} : memref<8x128xi32, #tpu.memory_space<vmem>>, vector<1x16xi32>,
    %swap3A_140 = vector.shape_cast %swap3A_139 : vector<1x16xi32> to vector<16xi32>
    %swap3A_141 = vector.shape_cast %add3A_135 : vector<16xi32> to vector<1x16xi32>
    tpu.vector_store %arg8[%swap3A_137, %swap3A_138], %swap3A_141 {strides = array<i32>} : memref<8x128xi32, #tpu.memory_space<vmem>>, vector<1x16xi32>,
    %iota3A_142 = tpu.iota {dimensions = array<i32: 0>} : vector<16xi32>
    %add3A_143 = arith.constant 48 : i32
    %add3A_144 = vector.broadcast %add3A_143 : i32 to vector<16xi32>
    %add3A_145 = arith.addi %iota3A_142, %add3A_144 : vector<16xi32>
    %lt3A_146 = arith.constant 85 : i32
    %lt3A_147 = vector.broadcast %lt3A_146 : i32 to vector<16xi32>
    %lt3A_148 = arith.cmpi slt, %add3A_145, %lt3A_147 : vector<16xi32>
    %jit3A_149 = arith.constant 0 : i32
    %broadcast_in_dim3A_150 = vector.broadcast %jit3A_149 : i32 to vector<16xi32>
    %select_n3A_151 = arith.select %lt3A_148, %add3A_145, %broadcast_in_dim3A_150 : vector<16xi1>, vector<16xi32>
    %mul3A_152 = vector.broadcast %mul3A_55 : i32 to vector<16xi32>
    %mul3A_153 = arith.muli %select_n3A_151, %mul3A_152 : vector<16xi32>
    %add3A_154 = vector.broadcast %add3A_84 : i32 to vector<16xi32>
    %add3A_155 = arith.addi %add3A_154, %mul3A_153 : vector<16xi32>
    %swap3A_156 = arith.constant 0 : i32
    %swap3A_157 = arith.index_cast %swap3A_156 : i32 to index
    %swap3A_158 = arith.constant 48 : index
    %swap3A_159 = tpu.vector_load %arg8[%swap3A_157, %swap3A_158] {strides = array<i32>} : memref<8x128xi32, #tpu.memory_space<vmem>>, vector<1x16xi32>,
    %swap3A_160 = vector.shape_cast %swap3A_159 : vector<1x16xi32> to vector<16xi32>
    %swap3A_161 = vector.shape_cast %add3A_155 : vector<16xi32> to vector<1x16xi32>
    tpu.vector_store %arg8[%swap3A_157, %swap3A_158], %swap3A_161 {strides = array<i32>} : memref<8x128xi32, #tpu.memory_space<vmem>>, vector<1x16xi32>,
    %iota3A_162 = tpu.iota {dimensions = array<i32: 0>} : vector<16xi32>
    %add3A_163 = arith.constant 64 : i32
    %add3A_164 = vector.broadcast %add3A_163 : i32 to vector<16xi32>
    %add3A_165 = arith.addi %iota3A_162, %add3A_164 : vector<16xi32>
    %lt3A_166 = arith.constant 85 : i32
    %lt3A_167 = vector.broadcast %lt3A_166 : i32 to vector<16xi32>
    %lt3A_168 = arith.cmpi slt, %add3A_165, %lt3A_167 : vector<16xi32>
    %jit3A_169 = arith.constant 0 : i32
    %broadcast_in_dim3A_170 = vector.broadcast %jit3A_169 : i32 to vector<16xi32>
    %select_n3A_171 = arith.select %lt3A_168, %add3A_165, %broadcast_in_dim3A_170 : vector<16xi1>, vector<16xi32>
    %mul3A_172 = vector.broadcast %mul3A_55 : i32 to vector<16xi32>
    %mul3A_173 = arith.muli %select_n3A_171, %mul3A_172 : vector<16xi32>
    %add3A_174 = vector.broadcast %add3A_84 : i32 to vector<16xi32>
    %add3A_175 = arith.addi %add3A_174, %mul3A_173 : vector<16xi32>
    %swap3A_176 = arith.constant 0 : i32
    %swap3A_177 = arith.index_cast %swap3A_176 : i32 to index
    %swap3A_178 = arith.constant 64 : index
    %swap3A_179 = tpu.vector_load %arg8[%swap3A_177, %swap3A_178] {strides = array<i32>} : memref<8x128xi32, #tpu.memory_space<vmem>>, vector<1x16xi32>,
    %swap3A_180 = vector.shape_cast %swap3A_179 : vector<1x16xi32> to vector<16xi32>
    %swap3A_181 = vector.shape_cast %add3A_175 : vector<16xi32> to vector<1x16xi32>
    tpu.vector_store %arg8[%swap3A_177, %swap3A_178], %swap3A_181 {strides = array<i32>} : memref<8x128xi32, #tpu.memory_space<vmem>>, vector<1x16xi32>,
    %iota3A_182 = tpu.iota {dimensions = array<i32: 0>} : vector<16xi32>
    %add3A_183 = arith.constant 80 : i32
    %add3A_184 = vector.broadcast %add3A_183 : i32 to vector<16xi32>
    %add3A_185 = arith.addi %iota3A_182, %add3A_184 : vector<16xi32>
    %lt3A_186 = arith.constant 85 : i32
    %lt3A_187 = vector.broadcast %lt3A_186 : i32 to vector<16xi32>
    %lt3A_188 = arith.cmpi slt, %add3A_185, %lt3A_187 : vector<16xi32>
    %jit3A_189 = arith.constant 0 : i32
    %broadcast_in_dim3A_190 = vector.broadcast %jit3A_189 : i32 to vector<16xi32>
    %select_n3A_191 = arith.select %lt3A_188, %add3A_185, %broadcast_in_dim3A_190 : vector<16xi1>, vector<16xi32>
    %mul3A_192 = vector.broadcast %mul3A_55 : i32 to vector<16xi32>
    %mul3A_193 = arith.muli %select_n3A_191, %mul3A_192 : vector<16xi32>
    %add3A_194 = vector.broadcast %add3A_84 : i32 to vector<16xi32>
    %add3A_195 = arith.addi %add3A_194, %mul3A_193 : vector<16xi32>
    %swap3A_196 = arith.constant 0 : i32
    %swap3A_197 = arith.index_cast %swap3A_196 : i32 to index
    %swap3A_198 = arith.constant 80 : index
    %swap3A_199 = tpu.vector_load %arg8[%swap3A_197, %swap3A_198] {strides = array<i32>} : memref<8x128xi32, #tpu.memory_space<vmem>>, vector<1x16xi32>,
    %swap3A_200 = vector.shape_cast %swap3A_199 : vector<1x16xi32> to vector<16xi32>
    %swap3A_201 = vector.shape_cast %add3A_195 : vector<16xi32> to vector<1x16xi32>
    tpu.vector_store %arg8[%swap3A_197, %swap3A_198], %swap3A_201 {strides = array<i32>} : memref<8x128xi32, #tpu.memory_space<vmem>>, vector<1x16xi32>,
    %iota3A_202 = tpu.iota {dimensions = array<i32: 0>} : vector<16xi32>
    %add3A_203 = arith.constant 96 : i32
    %add3A_204 = vector.broadcast %add3A_203 : i32 to vector<16xi32>
    %add3A_205 = arith.addi %iota3A_202, %add3A_204 : vector<16xi32>
    %lt3A_206 = arith.constant 85 : i32
    %lt3A_207 = vector.broadcast %lt3A_206 : i32 to vector<16xi32>
    %lt3A_208 = arith.cmpi slt, %add3A_205, %lt3A_207 : vector<16xi32>
    %jit3A_209 = arith.constant 0 : i32
    %broadcast_in_dim3A_210 = vector.broadcast %jit3A_209 : i32 to vector<16xi32>
    %select_n3A_211 = arith.select %lt3A_208, %add3A_205, %broadcast_in_dim3A_210 : vector<16xi1>, vector<16xi32>
    %mul3A_212 = vector.broadcast %mul3A_55 : i32 to vector<16xi32>
    %mul3A_213 = arith.muli %select_n3A_211, %mul3A_212 : vector<16xi32>
    %add3A_214 = vector.broadcast %add3A_84 : i32 to vector<16xi32>
    %add3A_215 = arith.addi %add3A_214, %mul3A_213 : vector<16xi32>
    %swap3A_216 = arith.constant 0 : i32
    %swap3A_217 = arith.index_cast %swap3A_216 : i32 to index
    %swap3A_218 = arith.constant 96 : index
    %swap3A_219 = tpu.vector_load %arg8[%swap3A_217, %swap3A_218] {strides = array<i32>} : memref<8x128xi32, #tpu.memory_space<vmem>>, vector<1x16xi32>,
    %swap3A_220 = vector.shape_cast %swap3A_219 : vector<1x16xi32> to vector<16xi32>
    %swap3A_221 = vector.shape_cast %add3A_215 : vector<16xi32> to vector<1x16xi32>
    tpu.vector_store %arg8[%swap3A_217, %swap3A_218], %swap3A_221 {strides = array<i32>} : memref<8x128xi32, #tpu.memory_space<vmem>>, vector<1x16xi32>,
    %iota3A_222 = tpu.iota {dimensions = array<i32: 0>} : vector<16xi32>
    %add3A_223 = arith.constant 112 : i32
    %add3A_224 = vector.broadcast %add3A_223 : i32 to vector<16xi32>
    %add3A_225 = arith.addi %iota3A_222, %add3A_224 : vector<16xi32>
    %lt3A_226 = arith.constant 85 : i32
    %lt3A_227 = vector.broadcast %lt3A_226 : i32 to vector<16xi32>
    %lt3A_228 = arith.cmpi slt, %add3A_225, %lt3A_227 : vector<16xi32>
    %jit3A_229 = arith.constant 0 : i32
    %broadcast_in_dim3A_230 = vector.broadcast %jit3A_229 : i32 to vector<16xi32>
    %select_n3A_231 = arith.select %lt3A_228, %add3A_225, %broadcast_in_dim3A_230 : vector<16xi1>, vector<16xi32>
    %mul3A_232 = vector.broadcast %mul3A_55 : i32 to vector<16xi32>
    %mul3A_233 = arith.muli %select_n3A_231, %mul3A_232 : vector<16xi32>
    %add3A_234 = vector.broadcast %add3A_84 : i32 to vector<16xi32>
    %add3A_235 = arith.addi %add3A_234, %mul3A_233 : vector<16xi32>
    %swap3A_236 = arith.constant 0 : i32
    %swap3A_237 = arith.index_cast %swap3A_236 : i32 to index
    %swap3A_238 = arith.constant 112 : index
    %swap3A_239 = tpu.vector_load %arg8[%swap3A_237, %swap3A_238] {strides = array<i32>} : memref<8x128xi32, #tpu.memory_space<vmem>>, vector<1x16xi32>,
    %swap3A_240 = vector.shape_cast %swap3A_239 : vector<1x16xi32> to vector<16xi32>
    %swap3A_241 = vector.shape_cast %add3A_235 : vector<16xi32> to vector<1x16xi32>
    tpu.vector_store %arg8[%swap3A_237, %swap3A_238], %swap3A_241 {strides = array<i32>} : memref<8x128xi32, #tpu.memory_space<vmem>>, vector<1x16xi32>,
    %slice3A_242 = vector.extract_strided_slice %get3A_4 {offsets = [4], sizes = [1], strides = [1]} : vector<16xf32> to vector<1xf32>
    %squeeze3A_243 = vector.extract %slice3A_242[0] : f32 from vector<1xf32>
    %slice3A_244 = vector.extract_strided_slice %get3A_4 {offsets = [5], sizes = [1], strides = [1]} : vector<16xf32> to vector<1xf32>
    %squeeze3A_245 = vector.extract %slice3A_244[0] : f32 from vector<1xf32>
    %slice3A_246 = vector.extract_strided_slice %get3A_4 {offsets = [6], sizes = [1], strides = [1]} : vector<16xf32> to vector<1xf32>
    %squeeze3A_247 = vector.extract %slice3A_246[0] : f32 from vector<1xf32>
    %slice3A_248 = vector.extract_strided_slice %get3A_4 {offsets = [7], sizes = [1], strides = [1]} : vector<16xf32> to vector<1xf32>
    %squeeze3A_249 = vector.extract %slice3A_248[0] : f32 from vector<1xf32>
    %mul3A_250 = arith.mulf %squeeze3A_247, %squeeze3A_249 : f32
    %lt3A_251 = arith.constant 2.000000e-02 : f32
    %lt3A_252 = arith.cmpf olt, %mul3A_250, %lt3A_251 : f32
    %lt3A_253 = arith.constant 1.000000e-01 : f32
    %lt3A_254 = arith.cmpf olt, %mul3A_250, %lt3A_253 : f32
    %jit3A_255 = arith.constant 1 : i32
    %jit3A_256 = arith.constant 2 : i32
    %select_n3A_257 = arith.select %lt3A_254, %jit3A_255, %jit3A_256 : i32
    %jit3A_258 = arith.constant 0 : i32
    %select_n3A_259 = arith.select %lt3A_252, %jit3A_258, %select_n3A_257 : i32
    %eq3A_260 = arith.constant 0 : i32
    %eq3A_261 = arith.cmpi eq, %select_n3A_259, %eq3A_260 : i32
    %eq3A_262 = arith.constant 1 : i32
    %eq3A_263 = arith.cmpi eq, %select_n3A_259, %eq3A_262 : i32
    %jit3A_264 = arith.constant 4.000000e+01 : f32
    %jit3A_265 = arith.constant 2.000000e+01 : f32
    %select_n3A_266 = arith.select %eq3A_263, %jit3A_264, %jit3A_265 : f32
    %jit3A_267 = arith.constant 8.000000e+01 : f32
    %select_n3A_268 = arith.select %eq3A_261, %jit3A_267, %select_n3A_266 : f32
    %eq3A_269 = arith.constant 0 : i32
    %eq3A_270 = arith.cmpi eq, %select_n3A_259, %eq3A_269 : i32
    %eq3A_271 = arith.constant 1 : i32
    %eq3A_272 = arith.cmpi eq, %select_n3A_259, %eq3A_271 : i32
    %jit3A_273 = arith.constant 40 : i32
    %jit3A_274 = arith.constant 20 : i32
    %select_n3A_275 = arith.select %eq3A_272, %jit3A_273, %jit3A_274 : i32
    %jit3A_276 = arith.constant 80 : i32
    %select_n3A_277 = arith.select %eq3A_270, %jit3A_276, %select_n3A_275 : i32
    %mul3A_278 = arith.mulf %squeeze3A_243, %select_n3A_268 : f32
    %sub3A_279 = arith.constant 1.000000e+00 : f32
    %sub3A_280 = arith.subf %select_n3A_268, %sub3A_279 : f32
    %jit3A_281 = arith.constant 0.000000e+00 : f32
    %max3A_282 = arith.maximumf %jit3A_281, %mul3A_278 : f32
    %min3A_283 = arith.minimumf %sub3A_280, %max3A_282 : f32
    %convert_element_type3A_284 = arith.fptosi %min3A_283 : f32 to i32
    %convert_element_type3A_285 = arith.sitofp %convert_element_type3A_284 : i32 to f32
    %gt3A_286 = arith.cmpf ogt, %convert_element_type3A_285, %min3A_283 : f32
    %convert_element_type3A_287 = arith.extui %gt3A_286 : i1 to i32
    %sub3A_288 = arith.subi %convert_element_type3A_284, %convert_element_type3A_287 : i32
    %mul3A_289 = arith.mulf %squeeze3A_245, %select_n3A_268 : f32
    %sub3A_290 = arith.constant 1.000000e+00 : f32
    %sub3A_291 = arith.subf %select_n3A_268, %sub3A_290 : f32
    %jit3A_292 = arith.constant 0.000000e+00 : f32
    %max3A_293 = arith.maximumf %jit3A_292, %mul3A_289 : f32
    %min3A_294 = arith.minimumf %sub3A_291, %max3A_293 : f32
    %convert_element_type3A_295 = arith.fptosi %min3A_294 : f32 to i32
    %convert_element_type3A_296 = arith.sitofp %convert_element_type3A_295 : i32 to f32
    %gt3A_297 = arith.cmpf ogt, %convert_element_type3A_296, %min3A_294 : f32
    %convert_element_type3A_298 = arith.extui %gt3A_297 : i1 to i32
    %sub3A_299 = arith.subi %convert_element_type3A_295, %convert_element_type3A_298 : i32
    %mul3A_300 = arith.muli %select_n3A_277, %select_n3A_277 : i32
    %mul3A_301 = arith.constant 8 : i32
    %mul3A_302 = arith.muli %add3A, %mul3A_301 : i32
    %add3A_303 = arith.constant 1 : i32
    %add3A_304 = arith.addi %mul3A_302, %add3A_303 : i32
    %jit3A_305 = arith.constant 32 : i32
    %div3A_306 = arith.divsi %add3A_304, %jit3A_305 : i32
    %sign3A_307 = arith.constant 0 : i32
    %sign3A_308 = arith.cmpi sgt, %add3A_304, %sign3A_307 : i32
    %sign3A_309 = arith.extui %sign3A_308 : i1 to i32
    %sign3A_310 = arith.constant 0 : i32
    %sign3A_311 = arith.cmpi slt, %add3A_304, %sign3A_310 : i32
    %sign3A_312 = arith.extui %sign3A_311 : i1 to i32
    %sign3A_313 = arith.subi %sign3A_309, %sign3A_312 : i32
    %sign3A_314 = arith.constant 0 : i32
    %sign3A_315 = arith.cmpi sgt, %jit3A_305, %sign3A_314 : i32
    %sign3A_316 = arith.extui %sign3A_315 : i1 to i32
    %sign3A_317 = arith.constant 0 : i32
    %sign3A_318 = arith.cmpi slt, %jit3A_305, %sign3A_317 : i32
    %sign3A_319 = arith.extui %sign3A_318 : i1 to i32
    %sign3A_320 = arith.subi %sign3A_316, %sign3A_319 : i32
    %ne3A_321 = arith.cmpi ne, %sign3A_313, %sign3A_320 : i32
    %rem3A_322 = arith.remsi %add3A_304, %jit3A_305 : i32
    %ne3A_323 = arith.constant 0 : i32
    %ne3A_324 = arith.cmpi ne, %rem3A_322, %ne3A_323 : i32
    %and3A_325 = arith.andi %ne3A_321, %ne3A_324 : i1
    %sub3A_326 = arith.constant 1 : i32
    %sub3A_327 = arith.subi %div3A_306, %sub3A_326 : i32
    %select_n3A_328 = arith.select %and3A_325, %sub3A_327, %div3A_306 : i32
    %mul3A_329 = arith.constant 85 : i32
    %mul3A_330 = arith.muli %select_n3A_328, %mul3A_329 : i32
    %mul3A_331 = arith.muli %mul3A_330, %select_n3A_277 : i32
    %add3A_332 = arith.addi %mul3A_331, %sub3A_299 : i32
    %mul3A_333 = arith.muli %add3A_332, %select_n3A_277 : i32
    %add3A_334 = arith.addi %mul3A_333, %sub3A_288 : i32
    %iota3A_335 = tpu.iota {dimensions = array<i32: 0>} : vector<16xi32>
    %add3A_336 = arith.constant 0 : i32
    %add3A_337 = vector.broadcast %add3A_336 : i32 to vector<16xi32>
    %add3A_338 = arith.addi %iota3A_335, %add3A_337 : vector<16xi32>
    %lt3A_339 = arith.constant 85 : i32
    %lt3A_340 = vector.broadcast %lt3A_339 : i32 to vector<16xi32>
    %lt3A_341 = arith.cmpi slt, %add3A_338, %lt3A_340 : vector<16xi32>
    %jit3A_342 = arith.constant 0 : i32
    %broadcast_in_dim3A_343 = vector.broadcast %jit3A_342 : i32 to vector<16xi32>
    %select_n3A_344 = arith.select %lt3A_341, %add3A_338, %broadcast_in_dim3A_343 : vector<16xi1>, vector<16xi32>
    %mul3A_345 = vector.broadcast %mul3A_300 : i32 to vector<16xi32>
    %mul3A_346 = arith.muli %select_n3A_344, %mul3A_345 : vector<16xi32>
    %add3A_347 = vector.broadcast %add3A_334 : i32 to vector<16xi32>
    %add3A_348 = arith.addi %add3A_347, %mul3A_346 : vector<16xi32>
    %swap3A_349 = arith.constant 1 : i32
    %swap3A_350 = arith.index_cast %swap3A_349 : i32 to index
    %swap3A_351 = arith.constant 0 : index
    %swap3A_352 = tpu.vector_load %arg8[%swap3A_350, %swap3A_351] {strides = array<i32>} : memref<8x128xi32, #tpu.memory_space<vmem>>, vector<1x16xi32>,
    %swap3A_353 = vector.shape_cast %swap3A_352 : vector<1x16xi32> to vector<16xi32>
    %swap3A_354 = vector.shape_cast %add3A_348 : vector<16xi32> to vector<1x16xi32>
    tpu.vector_store %arg8[%swap3A_350, %swap3A_351], %swap3A_354 {strides = array<i32>} : memref<8x128xi32, #tpu.memory_space<vmem>>, vector<1x16xi32>,
    %iota3A_355 = tpu.iota {dimensions = array<i32: 0>} : vector<16xi32>
    %add3A_356 = arith.constant 16 : i32
    %add3A_357 = vector.broadcast %add3A_356 : i32 to vector<16xi32>
    %add3A_358 = arith.addi %iota3A_355, %add3A_357 : vector<16xi32>
    %lt3A_359 = arith.constant 85 : i32
    %lt3A_360 = vector.broadcast %lt3A_359 : i32 to vector<16xi32>
    %lt3A_361 = arith.cmpi slt, %add3A_358, %lt3A_360 : vector<16xi32>
    %jit3A_362 = arith.constant 0 : i32
    %broadcast_in_dim3A_363 = vector.broadcast %jit3A_362 : i32 to vector<16xi32>
    %select_n3A_364 = arith.select %lt3A_361, %add3A_358, %broadcast_in_dim3A_363 : vector<16xi1>, vector<16xi32>
    %mul3A_365 = vector.broadcast %mul3A_300 : i32 to vector<16xi32>
    %mul3A_366 = arith.muli %select_n3A_364, %mul3A_365 : vector<16xi32>
    %add3A_367 = vector.broadcast %add3A_334 : i32 to vector<16xi32>
    %add3A_368 = arith.addi %add3A_367, %mul3A_366 : vector<16xi32>
    %swap3A_369 = arith.constant 1 : i32
    %swap3A_370 = arith.index_cast %swap3A_369 : i32 to index
    %swap3A_371 = arith.constant 16 : index
    %swap3A_372 = tpu.vector_load %arg8[%swap3A_370, %swap3A_371] {strides = array<i32>} : memref<8x128xi32, #tpu.memory_space<vmem>>, vector<1x16xi32>,
    %swap3A_373 = vector.shape_cast %swap3A_372 : vector<1x16xi32> to vector<16xi32>
    %swap3A_374 = vector.shape_cast %add3A_368 : vector<16xi32> to vector<1x16xi32>
    tpu.vector_store %arg8[%swap3A_370, %swap3A_371], %swap3A_374 {strides = array<i32>} : memref<8x128xi32, #tpu.memory_space<vmem>>, vector<1x16xi32>,
    %iota3A_375 = tpu.iota {dimensions = array<i32: 0>} : vector<16xi32>
    %add3A_376 = arith.constant 32 : i32
    %add3A_377 = vector.broadcast %add3A_376 : i32 to vector<16xi32>
    %add3A_378 = arith.addi %iota3A_375, %add3A_377 : vector<16xi32>
    %lt3A_379 = arith.constant 85 : i32
    %lt3A_380 = vector.broadcast %lt3A_379 : i32 to vector<16xi32>
    %lt3A_381 = arith.cmpi slt, %add3A_378, %lt3A_380 : vector<16xi32>
    %jit3A_382 = arith.constant 0 : i32
    %broadcast_in_dim3A_383 = vector.broadcast %jit3A_382 : i32 to vector<16xi32>
    %select_n3A_384 = arith.select %lt3A_381, %add3A_378, %broadcast_in_dim3A_383 : vector<16xi1>, vector<16xi32>
    %mul3A_385 = vector.broadcast %mul3A_300 : i32 to vector<16xi32>
    %mul3A_386 = arith.muli %select_n3A_384, %mul3A_385 : vector<16xi32>
    %add3A_387 = vector.broadcast %add3A_334 : i32 to vector<16xi32>
    %add3A_388 = arith.addi %add3A_387, %mul3A_386 : vector<16xi32>
    %swap3A_389 = arith.constant 1 : i32
    %swap3A_390 = arith.index_cast %swap3A_389 : i32 to index
    %swap3A_391 = arith.constant 32 : index
    %swap3A_392 = tpu.vector_load %arg8[%swap3A_390, %swap3A_391] {strides = array<i32>} : memref<8x128xi32, #tpu.memory_space<vmem>>, vector<1x16xi32>,
    %swap3A_393 = vector.shape_cast %swap3A_392 : vector<1x16xi32> to vector<16xi32>
    %swap3A_394 = vector.shape_cast %add3A_388 : vector<16xi32> to vector<1x16xi32>
    tpu.vector_store %arg8[%swap3A_390, %swap3A_391], %swap3A_394 {strides = array<i32>} : memref<8x128xi32, #tpu.memory_space<vmem>>, vector<1x16xi32>,
    %iota3A_395 = tpu.iota {dimensions = array<i32: 0>} : vector<16xi32>
    %add3A_396 = arith.constant 48 : i32
    %add3A_397 = vector.broadcast %add3A_396 : i32 to vector<16xi32>
    %add3A_398 = arith.addi %iota3A_395, %add3A_397 : vector<16xi32>
    %lt3A_399 = arith.constant 85 : i32
    %lt3A_400 = vector.broadcast %lt3A_399 : i32 to vector<16xi32>
    %lt3A_401 = arith.cmpi slt, %add3A_398, %lt3A_400 : vector<16xi32>
    %jit3A_402 = arith.constant 0 : i32
    %broadcast_in_dim3A_403 = vector.broadcast %jit3A_402 : i32 to vector<16xi32>
    %select_n3A_404 = arith.select %lt3A_401, %add3A_398, %broadcast_in_dim3A_403 : vector<16xi1>, vector<16xi32>
    %mul3A_405 = vector.broadcast %mul3A_300 : i32 to vector<16xi32>
    %mul3A_406 = arith.muli %select_n3A_404, %mul3A_405 : vector<16xi32>
    %add3A_407 = vector.broadcast %add3A_334 : i32 to vector<16xi32>
    %add3A_408 = arith.addi %add3A_407, %mul3A_406 : vector<16xi32>
    %swap3A_409 = arith.constant 1 : i32
    %swap3A_410 = arith.index_cast %swap3A_409 : i32 to index
    %swap3A_411 = arith.constant 48 : index
    %swap3A_412 = tpu.vector_load %arg8[%swap3A_410, %swap3A_411] {strides = array<i32>} : memref<8x128xi32, #tpu.memory_space<vmem>>, vector<1x16xi32>,
    %swap3A_413 = vector.shape_cast %swap3A_412 : vector<1x16xi32> to vector<16xi32>
    %swap3A_414 = vector.shape_cast %add3A_408 : vector<16xi32> to vector<1x16xi32>
    tpu.vector_store %arg8[%swap3A_410, %swap3A_411], %swap3A_414 {strides = array<i32>} : memref<8x128xi32, #tpu.memory_space<vmem>>, vector<1x16xi32>,
    %iota3A_415 = tpu.iota {dimensions = array<i32: 0>} : vector<16xi32>
    %add3A_416 = arith.constant 64 : i32
    %add3A_417 = vector.broadcast %add3A_416 : i32 to vector<16xi32>
    %add3A_418 = arith.addi %iota3A_415, %add3A_417 : vector<16xi32>
    %lt3A_419 = arith.constant 85 : i32
    %lt3A_420 = vector.broadcast %lt3A_419 : i32 to vector<16xi32>
    %lt3A_421 = arith.cmpi slt, %add3A_418, %lt3A_420 : vector<16xi32>
    %jit3A_422 = arith.constant 0 : i32
    %broadcast_in_dim3A_423 = vector.broadcast %jit3A_422 : i32 to vector<16xi32>
    %select_n3A_424 = arith.select %lt3A_421, %add3A_418, %broadcast_in_dim3A_423 : vector<16xi1>, vector<16xi32>
    %mul3A_425 = vector.broadcast %mul3A_300 : i32 to vector<16xi32>
    %mul3A_426 = arith.muli %select_n3A_424, %mul3A_425 : vector<16xi32>
    %add3A_427 = vector.broadcast %add3A_334 : i32 to vector<16xi32>
    %add3A_428 = arith.addi %add3A_427, %mul3A_426 : vector<16xi32>
    %swap3A_429 = arith.constant 1 : i32
    %swap3A_430 = arith.index_cast %swap3A_429 : i32 to index
    %swap3A_431 = arith.constant 64 : index
    %swap3A_432 = tpu.vector_load %arg8[%swap3A_430, %swap3A_431] {strides = array<i32>} : memref<8x128xi32, #tpu.memory_space<vmem>>, vector<1x16xi32>,
    %swap3A_433 = vector.shape_cast %swap3A_432 : vector<1x16xi32> to vector<16xi32>
    %swap3A_434 = vector.shape_cast %add3A_428 : vector<16xi32> to vector<1x16xi32>
    tpu.vector_store %arg8[%swap3A_430, %swap3A_431], %swap3A_434 {strides = array<i32>} : memref<8x128xi32, #tpu.memory_space<vmem>>, vector<1x16xi32>,
    %iota3A_435 = tpu.iota {dimensions = array<i32: 0>} : vector<16xi32>
    %add3A_436 = arith.constant 80 : i32
    %add3A_437 = vector.broadcast %add3A_436 : i32 to vector<16xi32>
    %add3A_438 = arith.addi %iota3A_435, %add3A_437 : vector<16xi32>
    %lt3A_439 = arith.constant 85 : i32
    %lt3A_440 = vector.broadcast %lt3A_439 : i32 to vector<16xi32>
    %lt3A_441 = arith.cmpi slt, %add3A_438, %lt3A_440 : vector<16xi32>
    %jit3A_442 = arith.constant 0 : i32
    %broadcast_in_dim3A_443 = vector.broadcast %jit3A_442 : i32 to vector<16xi32>
    %select_n3A_444 = arith.select %lt3A_441, %add3A_438, %broadcast_in_dim3A_443 : vector<16xi1>, vector<16xi32>
    %mul3A_445 = vector.broadcast %mul3A_300 : i32 to vector<16xi32>
    %mul3A_446 = arith.muli %select_n3A_444, %mul3A_445 : vector<16xi32>
    %add3A_447 = vector.broadcast %add3A_334 : i32 to vector<16xi32>
    %add3A_448 = arith.addi %add3A_447, %mul3A_446 : vector<16xi32>
    %swap3A_449 = arith.constant 1 : i32
    %swap3A_450 = arith.index_cast %swap3A_449 : i32 to index
    %swap3A_451 = arith.constant 80 : index
    %swap3A_452 = tpu.vector_load %arg8[%swap3A_450, %swap3A_451] {strides = array<i32>} : memref<8x128xi32, #tpu.memory_space<vmem>>, vector<1x16xi32>,
    %swap3A_453 = vector.shape_cast %swap3A_452 : vector<1x16xi32> to vector<16xi32>
    %swap3A_454 = vector.shape_cast %add3A_448 : vector<16xi32> to vector<1x16xi32>
    tpu.vector_store %arg8[%swap3A_450, %swap3A_451], %swap3A_454 {strides = array<i32>} : memref<8x128xi32, #tpu.memory_space<vmem>>, vector<1x16xi32>,
    %iota3A_455 = tpu.iota {dimensions = array<i32: 0>} : vector<16xi32>
    %add3A_456 = arith.constant 96 : i32
    %add3A_457 = vector.broadcast %add3A_456 : i32 to vector<16xi32>
    %add3A_458 = arith.addi %iota3A_455, %add3A_457 : vector<16xi32>
    %lt3A_459 = arith.constant 85 : i32
    %lt3A_460 = vector.broadcast %lt3A_459 : i32 to vector<16xi32>
    %lt3A_461 = arith.cmpi slt, %add3A_458, %lt3A_460 : vector<16xi32>
    %jit3A_462 = arith.constant 0 : i32
    %broadcast_in_dim3A_463 = vector.broadcast %jit3A_462 : i32 to vector<16xi32>
    %select_n3A_464 = arith.select %lt3A_461, %add3A_458, %broadcast_in_dim3A_463 : vector<16xi1>, vector<16xi32>
    %mul3A_465 = vector.broadcast %mul3A_300 : i32 to vector<16xi32>
    %mul3A_466 = arith.muli %select_n3A_464, %mul3A_465 : vector<16xi32>
    %add3A_467 = vector.broadcast %add3A_334 : i32 to vector<16xi32>
    %add3A_468 = arith.addi %add3A_467, %mul3A_466 : vector<16xi32>
    %swap3A_469 = arith.constant 1 : i32
    %swap3A_470 = arith.index_cast %swap3A_469 : i32 to index
    %swap3A_471 = arith.constant 96 : index
    %swap3A_472 = tpu.vector_load %arg8[%swap3A_470, %swap3A_471] {strides = array<i32>} : memref<8x128xi32, #tpu.memory_space<vmem>>, vector<1x16xi32>,
    %swap3A_473 = vector.shape_cast %swap3A_472 : vector<1x16xi32> to vector<16xi32>
    %swap3A_474 = vector.shape_cast %add3A_468 : vector<16xi32> to vector<1x16xi32>
    tpu.vector_store %arg8[%swap3A_470, %swap3A_471], %swap3A_474 {strides = array<i32>} : memref<8x128xi32, #tpu.memory_space<vmem>>, vector<1x16xi32>,
    %iota3A_475 = tpu.iota {dimensions = array<i32: 0>} : vector<16xi32>
    %add3A_476 = arith.constant 112 : i32
    %add3A_477 = vector.broadcast %add3A_476 : i32 to vector<16xi32>
    %add3A_478 = arith.addi %iota3A_475, %add3A_477 : vector<16xi32>
    %lt3A_479 = arith.constant 85 : i32
    %lt3A_480 = vector.broadcast %lt3A_479 : i32 to vector<16xi32>
    %lt3A_481 = arith.cmpi slt, %add3A_478, %lt3A_480 : vector<16xi32>
    %jit3A_482 = arith.constant 0 : i32
    %broadcast_in_dim3A_483 = vector.broadcast %jit3A_482 : i32 to vector<16xi32>
    %select_n3A_484 = arith.select %lt3A_481, %add3A_478, %broadcast_in_dim3A_483 : vector<16xi1>, vector<16xi32>
    %mul3A_485 = vector.broadcast %mul3A_300 : i32 to vector<16xi32>
    %mul3A_486 = arith.muli %select_n3A_484, %mul3A_485 : vector<16xi32>
    %add3A_487 = vector.broadcast %add3A_334 : i32 to vector<16xi32>
    %add3A_488 = arith.addi %add3A_487, %mul3A_486 : vector<16xi32>
    %swap3A_489 = arith.constant 1 : i32
    %swap3A_490 = arith.index_cast %swap3A_489 : i32 to index
    %swap3A_491 = arith.constant 112 : index
    %swap3A_492 = tpu.vector_load %arg8[%swap3A_490, %swap3A_491] {strides = array<i32>} : memref<8x128xi32, #tpu.memory_space<vmem>>, vector<1x16xi32>,
    %swap3A_493 = vector.shape_cast %swap3A_492 : vector<1x16xi32> to vector<16xi32>
    %swap3A_494 = vector.shape_cast %add3A_488 : vector<16xi32> to vector<1x16xi32>
    tpu.vector_store %arg8[%swap3A_490, %swap3A_491], %swap3A_494 {strides = array<i32>} : memref<8x128xi32, #tpu.memory_space<vmem>>, vector<1x16xi32>,
    %slice3A_495 = vector.extract_strided_slice %get3A_4 {offsets = [8], sizes = [1], strides = [1]} : vector<16xf32> to vector<1xf32>
    %squeeze3A_496 = vector.extract %slice3A_495[0] : f32 from vector<1xf32>
    %slice3A_497 = vector.extract_strided_slice %get3A_4 {offsets = [9], sizes = [1], strides = [1]} : vector<16xf32> to vector<1xf32>
    %squeeze3A_498 = vector.extract %slice3A_497[0] : f32 from vector<1xf32>
    %slice3A_499 = vector.extract_strided_slice %get3A_4 {offsets = [10], sizes = [1], strides = [1]} : vector<16xf32> to vector<1xf32>
    %squeeze3A_500 = vector.extract %slice3A_499[0] : f32 from vector<1xf32>
    %slice3A_501 = vector.extract_strided_slice %get3A_4 {offsets = [11], sizes = [1], strides = [1]} : vector<16xf32> to vector<1xf32>
    %squeeze3A_502 = vector.extract %slice3A_501[0] : f32 from vector<1xf32>
    %mul3A_503 = arith.mulf %squeeze3A_500, %squeeze3A_502 : f32
    %lt3A_504 = arith.constant 2.000000e-02 : f32
    %lt3A_505 = arith.cmpf olt, %mul3A_503, %lt3A_504 : f32
    %lt3A_506 = arith.constant 1.000000e-01 : f32
    %lt3A_507 = arith.cmpf olt, %mul3A_503, %lt3A_506 : f32
    %jit3A_508 = arith.constant 1 : i32
    %jit3A_509 = arith.constant 2 : i32
    %select_n3A_510 = arith.select %lt3A_507, %jit3A_508, %jit3A_509 : i32
    %jit3A_511 = arith.constant 0 : i32
    %select_n3A_512 = arith.select %lt3A_505, %jit3A_511, %select_n3A_510 : i32
    %eq3A_513 = arith.constant 0 : i32
    %eq3A_514 = arith.cmpi eq, %select_n3A_512, %eq3A_513 : i32
    %eq3A_515 = arith.constant 1 : i32
    %eq3A_516 = arith.cmpi eq, %select_n3A_512, %eq3A_515 : i32
    %jit3A_517 = arith.constant 4.000000e+01 : f32
    %jit3A_518 = arith.constant 2.000000e+01 : f32
    %select_n3A_519 = arith.select %eq3A_516, %jit3A_517, %jit3A_518 : f32
    %jit3A_520 = arith.constant 8.000000e+01 : f32
    %select_n3A_521 = arith.select %eq3A_514, %jit3A_520, %select_n3A_519 : f32
    %eq3A_522 = arith.constant 0 : i32
    %eq3A_523 = arith.cmpi eq, %select_n3A_512, %eq3A_522 : i32
    %eq3A_524 = arith.constant 1 : i32
    %eq3A_525 = arith.cmpi eq, %select_n3A_512, %eq3A_524 : i32
    %jit3A_526 = arith.constant 40 : i32
    %jit3A_527 = arith.constant 20 : i32
    %select_n3A_528 = arith.select %eq3A_525, %jit3A_526, %jit3A_527 : i32
    %jit3A_529 = arith.constant 80 : i32
    %select_n3A_530 = arith.select %eq3A_523, %jit3A_529, %select_n3A_528 : i32
    %mul3A_531 = arith.mulf %squeeze3A_496, %select_n3A_521 : f32
    %sub3A_532 = arith.constant 1.000000e+00 : f32
    %sub3A_533 = arith.subf %select_n3A_521, %sub3A_532 : f32
    %jit3A_534 = arith.constant 0.000000e+00 : f32
    %max3A_535 = arith.maximumf %jit3A_534, %mul3A_531 : f32
    %min3A_536 = arith.minimumf %sub3A_533, %max3A_535 : f32
    %convert_element_type3A_537 = arith.fptosi %min3A_536 : f32 to i32
    %convert_element_type3A_538 = arith.sitofp %convert_element_type3A_537 : i32 to f32
    %gt3A_539 = arith.cmpf ogt, %convert_element_type3A_538, %min3A_536 : f32
    %convert_element_type3A_540 = arith.extui %gt3A_539 : i1 to i32
    %sub3A_541 = arith.subi %convert_element_type3A_537, %convert_element_type3A_540 : i32
    %mul3A_542 = arith.mulf %squeeze3A_498, %select_n3A_521 : f32
    %sub3A_543 = arith.constant 1.000000e+00 : f32
    %sub3A_544 = arith.subf %select_n3A_521, %sub3A_543 : f32
    %jit3A_545 = arith.constant 0.000000e+00 : f32
    %max3A_546 = arith.maximumf %jit3A_545, %mul3A_542 : f32
    %min3A_547 = arith.minimumf %sub3A_544, %max3A_546 : f32
    %convert_element_type3A_548 = arith.fptosi %min3A_547 : f32 to i32
    %convert_element_type3A_549 = arith.sitofp %convert_element_type3A_548 : i32 to f32
    %gt3A_550 = arith.cmpf ogt, %convert_element_type3A_549, %min3A_547 : f32
    %convert_element_type3A_551 = arith.extui %gt3A_550 : i1 to i32
    %sub3A_552 = arith.subi %convert_element_type3A_548, %convert_element_type3A_551 : i32
    %mul3A_553 = arith.muli %select_n3A_530, %select_n3A_530 : i32
    %mul3A_554 = arith.constant 8 : i32
    %mul3A_555 = arith.muli %add3A, %mul3A_554 : i32
    %add3A_556 = arith.constant 2 : i32
    %add3A_557 = arith.addi %mul3A_555, %add3A_556 : i32
    %jit3A_558 = arith.constant 32 : i32
    %div3A_559 = arith.divsi %add3A_557, %jit3A_558 : i32
    %sign3A_560 = arith.constant 0 : i32
    %sign3A_561 = arith.cmpi sgt, %add3A_557, %sign3A_560 : i32
    %sign3A_562 = arith.extui %sign3A_561 : i1 to i32
    %sign3A_563 = arith.constant 0 : i32
    %sign3A_564 = arith.cmpi slt, %add3A_557, %sign3A_563 : i32
    %sign3A_565 = arith.extui %sign3A_564 : i1 to i32
    %sign3A_566 = arith.subi %sign3A_562, %sign3A_565 : i32
    %sign3A_567 = arith.constant 0 : i32
    %sign3A_568 = arith.cmpi sgt, %jit3A_558, %sign3A_567 : i32
    %sign3A_569 = arith.extui %sign3A_568 : i1 to i32
    %sign3A_570 = arith.constant 0 : i32
    %sign3A_571 = arith.cmpi slt, %jit3A_558, %sign3A_570 : i32
    %sign3A_572 = arith.extui %sign3A_571 : i1 to i32
    %sign3A_573 = arith.subi %sign3A_569, %sign3A_572 : i32
    %ne3A_574 = arith.cmpi ne, %sign3A_566, %sign3A_573 : i32
    %rem3A_575 = arith.remsi %add3A_557, %jit3A_558 : i32
    %ne3A_576 = arith.constant 0 : i32
    %ne3A_577 = arith.cmpi ne, %rem3A_575, %ne3A_576 : i32
    %and3A_578 = arith.andi %ne3A_574, %ne3A_577 : i1
    %sub3A_579 = arith.constant 1 : i32
    %sub3A_580 = arith.subi %div3A_559, %sub3A_579 : i32
    %select_n3A_581 = arith.select %and3A_578, %sub3A_580, %div3A_559 : i32
    %mul3A_582 = arith.constant 85 : i32
    %mul3A_583 = arith.muli %select_n3A_581, %mul3A_582 : i32
    %mul3A_584 = arith.muli %mul3A_583, %select_n3A_530 : i32
    %add3A_585 = arith.addi %mul3A_584, %sub3A_552 : i32
    %mul3A_586 = arith.muli %add3A_585, %select_n3A_530 : i32
    %add3A_587 = arith.addi %mul3A_586, %sub3A_541 : i32
    %iota3A_588 = tpu.iota {dimensions = array<i32: 0>} : vector<16xi32>
    %add3A_589 = arith.constant 0 : i32
    %add3A_590 = vector.broadcast %add3A_589 : i32 to vector<16xi32>
    %add3A_591 = arith.addi %iota3A_588, %add3A_590 : vector<16xi32>
    %lt3A_592 = arith.constant 85 : i32
    %lt3A_593 = vector.broadcast %lt3A_592 : i32 to vector<16xi32>
    %lt3A_594 = arith.cmpi slt, %add3A_591, %lt3A_593 : vector<16xi32>
    %jit3A_595 = arith.constant 0 : i32
    %broadcast_in_dim3A_596 = vector.broadcast %jit3A_595 : i32 to vector<16xi32>
    %select_n3A_597 = arith.select %lt3A_594, %add3A_591, %broadcast_in_dim3A_596 : vector<16xi1>, vector<16xi32>
    %mul3A_598 = vector.broadcast %mul3A_553 : i32 to vector<16xi32>
    %mul3A_599 = arith.muli %select_n3A_597, %mul3A_598 : vector<16xi32>
    %add3A_600 = vector.broadcast %add3A_587 : i32 to vector<16xi32>
    %add3A_601 = arith.addi %add3A_600, %mul3A_599 : vector<16xi32>
    %swap3A_602 = arith.constant 2 : i32
    %swap3A_603 = arith.index_cast %swap3A_602 : i32 to index
    %swap3A_604 = arith.constant 0 : index
    %swap3A_605 = tpu.vector_load %arg8[%swap3A_603, %swap3A_604] {strides = array<i32>} : memref<8x128xi32, #tpu.memory_space<vmem>>, vector<1x16xi32>,
    %swap3A_606 = vector.shape_cast %swap3A_605 : vector<1x16xi32> to vector<16xi32>
    %swap3A_607 = vector.shape_cast %add3A_601 : vector<16xi32> to vector<1x16xi32>
    tpu.vector_store %arg8[%swap3A_603, %swap3A_604], %swap3A_607 {strides = array<i32>} : memref<8x128xi32, #tpu.memory_space<vmem>>, vector<1x16xi32>,
    %iota3A_608 = tpu.iota {dimensions = array<i32: 0>} : vector<16xi32>
    %add3A_609 = arith.constant 16 : i32
    %add3A_610 = vector.broadcast %add3A_609 : i32 to vector<16xi32>
    %add3A_611 = arith.addi %iota3A_608, %add3A_610 : vector<16xi32>
    %lt3A_612 = arith.constant 85 : i32
    %lt3A_613 = vector.broadcast %lt3A_612 : i32 to vector<16xi32>
    %lt3A_614 = arith.cmpi slt, %add3A_611, %lt3A_613 : vector<16xi32>
    %jit3A_615 = arith.constant 0 : i32
    %broadcast_in_dim3A_616 = vector.broadcast %jit3A_615 : i32 to vector<16xi32>
    %select_n3A_617 = arith.select %lt3A_614, %add3A_611, %broadcast_in_dim3A_616 : vector<16xi1>, vector<16xi32>
    %mul3A_618 = vector.broadcast %mul3A_553 : i32 to vector<16xi32>
    %mul3A_619 = arith.muli %select_n3A_617, %mul3A_618 : vector<16xi32>
    %add3A_620 = vector.broadcast %add3A_587 : i32 to vector<16xi32>
    %add3A_621 = arith.addi %add3A_620, %mul3A_619 : vector<16xi32>
    %swap3A_622 = arith.constant 2 : i32
    %swap3A_623 = arith.index_cast %swap3A_622 : i32 to index
    %swap3A_624 = arith.constant 16 : index
    %swap3A_625 = tpu.vector_load %arg8[%swap3A_623, %swap3A_624] {strides = array<i32>} : memref<8x128xi32, #tpu.memory_space<vmem>>, vector<1x16xi32>,
    %swap3A_626 = vector.shape_cast %swap3A_625 : vector<1x16xi32> to vector<16xi32>
    %swap3A_627 = vector.shape_cast %add3A_621 : vector<16xi32> to vector<1x16xi32>
    tpu.vector_store %arg8[%swap3A_623, %swap3A_624], %swap3A_627 {strides = array<i32>} : memref<8x128xi32, #tpu.memory_space<vmem>>, vector<1x16xi32>,
    %iota3A_628 = tpu.iota {dimensions = array<i32: 0>} : vector<16xi32>
    %add3A_629 = arith.constant 32 : i32
    %add3A_630 = vector.broadcast %add3A_629 : i32 to vector<16xi32>
    %add3A_631 = arith.addi %iota3A_628, %add3A_630 : vector<16xi32>
    %lt3A_632 = arith.constant 85 : i32
    %lt3A_633 = vector.broadcast %lt3A_632 : i32 to vector<16xi32>
    %lt3A_634 = arith.cmpi slt, %add3A_631, %lt3A_633 : vector<16xi32>
    %jit3A_635 = arith.constant 0 : i32
    %broadcast_in_dim3A_636 = vector.broadcast %jit3A_635 : i32 to vector<16xi32>
    %select_n3A_637 = arith.select %lt3A_634, %add3A_631, %broadcast_in_dim3A_636 : vector<16xi1>, vector<16xi32>
    %mul3A_638 = vector.broadcast %mul3A_553 : i32 to vector<16xi32>
    %mul3A_639 = arith.muli %select_n3A_637, %mul3A_638 : vector<16xi32>
    %add3A_640 = vector.broadcast %add3A_587 : i32 to vector<16xi32>
    %add3A_641 = arith.addi %add3A_640, %mul3A_639 : vector<16xi32>
    %swap3A_642 = arith.constant 2 : i32
    %swap3A_643 = arith.index_cast %swap3A_642 : i32 to index
    %swap3A_644 = arith.constant 32 : index
    %swap3A_645 = tpu.vector_load %arg8[%swap3A_643, %swap3A_644] {strides = array<i32>} : memref<8x128xi32, #tpu.memory_space<vmem>>, vector<1x16xi32>,
    %swap3A_646 = vector.shape_cast %swap3A_645 : vector<1x16xi32> to vector<16xi32>
    %swap3A_647 = vector.shape_cast %add3A_641 : vector<16xi32> to vector<1x16xi32>
    tpu.vector_store %arg8[%swap3A_643, %swap3A_644], %swap3A_647 {strides = array<i32>} : memref<8x128xi32, #tpu.memory_space<vmem>>, vector<1x16xi32>,
    %iota3A_648 = tpu.iota {dimensions = array<i32: 0>} : vector<16xi32>
    %add3A_649 = arith.constant 48 : i32
    %add3A_650 = vector.broadcast %add3A_649 : i32 to vector<16xi32>
    %add3A_651 = arith.addi %iota3A_648, %add3A_650 : vector<16xi32>
    %lt3A_652 = arith.constant 85 : i32
    %lt3A_653 = vector.broadcast %lt3A_652 : i32 to vector<16xi32>
    %lt3A_654 = arith.cmpi slt, %add3A_651, %lt3A_653 : vector<16xi32>
    %jit3A_655 = arith.constant 0 : i32
    %broadcast_in_dim3A_656 = vector.broadcast %jit3A_655 : i32 to vector<16xi32>
    %select_n3A_657 = arith.select %lt3A_654, %add3A_651, %broadcast_in_dim3A_656 : vector<16xi1>, vector<16xi32>
    %mul3A_658 = vector.broadcast %mul3A_553 : i32 to vector<16xi32>
    %mul3A_659 = arith.muli %select_n3A_657, %mul3A_658 : vector<16xi32>
    %add3A_660 = vector.broadcast %add3A_587 : i32 to vector<16xi32>
    %add3A_661 = arith.addi %add3A_660, %mul3A_659 : vector<16xi32>
    %swap3A_662 = arith.constant 2 : i32
    %swap3A_663 = arith.index_cast %swap3A_662 : i32 to index
    %swap3A_664 = arith.constant 48 : index
    %swap3A_665 = tpu.vector_load %arg8[%swap3A_663, %swap3A_664] {strides = array<i32>} : memref<8x128xi32, #tpu.memory_space<vmem>>, vector<1x16xi32>,
    %swap3A_666 = vector.shape_cast %swap3A_665 : vector<1x16xi32> to vector<16xi32>
    %swap3A_667 = vector.shape_cast %add3A_661 : vector<16xi32> to vector<1x16xi32>
    tpu.vector_store %arg8[%swap3A_663, %swap3A_664], %swap3A_667 {strides = array<i32>} : memref<8x128xi32, #tpu.memory_space<vmem>>, vector<1x16xi32>,
    %iota3A_668 = tpu.iota {dimensions = array<i32: 0>} : vector<16xi32>
    %add3A_669 = arith.constant 64 : i32
    %add3A_670 = vector.broadcast %add3A_669 : i32 to vector<16xi32>
    %add3A_671 = arith.addi %iota3A_668, %add3A_670 : vector<16xi32>
    %lt3A_672 = arith.constant 85 : i32
    %lt3A_673 = vector.broadcast %lt3A_672 : i32 to vector<16xi32>
    %lt3A_674 = arith.cmpi slt, %add3A_671, %lt3A_673 : vector<16xi32>
    %jit3A_675 = arith.constant 0 : i32
    %broadcast_in_dim3A_676 = vector.broadcast %jit3A_675 : i32 to vector<16xi32>
    %select_n3A_677 = arith.select %lt3A_674, %add3A_671, %broadcast_in_dim3A_676 : vector<16xi1>, vector<16xi32>
    %mul3A_678 = vector.broadcast %mul3A_553 : i32 to vector<16xi32>
    %mul3A_679 = arith.muli %select_n3A_677, %mul3A_678 : vector<16xi32>
    %add3A_680 = vector.broadcast %add3A_587 : i32 to vector<16xi32>
    %add3A_681 = arith.addi %add3A_680, %mul3A_679 : vector<16xi32>
    %swap3A_682 = arith.constant 2 : i32
    %swap3A_683 = arith.index_cast %swap3A_682 : i32 to index
    %swap3A_684 = arith.constant 64 : index
    %swap3A_685 = tpu.vector_load %arg8[%swap3A_683, %swap3A_684] {strides = array<i32>} : memref<8x128xi32, #tpu.memory_space<vmem>>, vector<1x16xi32>,
    %swap3A_686 = vector.shape_cast %swap3A_685 : vector<1x16xi32> to vector<16xi32>
    %swap3A_687 = vector.shape_cast %add3A_681 : vector<16xi32> to vector<1x16xi32>
    tpu.vector_store %arg8[%swap3A_683, %swap3A_684], %swap3A_687 {strides = array<i32>} : memref<8x128xi32, #tpu.memory_space<vmem>>, vector<1x16xi32>,
    %iota3A_688 = tpu.iota {dimensions = array<i32: 0>} : vector<16xi32>
    %add3A_689 = arith.constant 80 : i32
    %add3A_690 = vector.broadcast %add3A_689 : i32 to vector<16xi32>
    %add3A_691 = arith.addi %iota3A_688, %add3A_690 : vector<16xi32>
    %lt3A_692 = arith.constant 85 : i32
    %lt3A_693 = vector.broadcast %lt3A_692 : i32 to vector<16xi32>
    %lt3A_694 = arith.cmpi slt, %add3A_691, %lt3A_693 : vector<16xi32>
    %jit3A_695 = arith.constant 0 : i32
    %broadcast_in_dim3A_696 = vector.broadcast %jit3A_695 : i32 to vector<16xi32>
    %select_n3A_697 = arith.select %lt3A_694, %add3A_691, %broadcast_in_dim3A_696 : vector<16xi1>, vector<16xi32>
    %mul3A_698 = vector.broadcast %mul3A_553 : i32 to vector<16xi32>
    %mul3A_699 = arith.muli %select_n3A_697, %mul3A_698 : vector<16xi32>
    %add3A_700 = vector.broadcast %add3A_587 : i32 to vector<16xi32>
    %add3A_701 = arith.addi %add3A_700, %mul3A_699 : vector<16xi32>
    %swap3A_702 = arith.constant 2 : i32
    %swap3A_703 = arith.index_cast %swap3A_702 : i32 to index
    %swap3A_704 = arith.constant 80 : index
    %swap3A_705 = tpu.vector_load %arg8[%swap3A_703, %swap3A_704] {strides = array<i32>} : memref<8x128xi32, #tpu.memory_space<vmem>>, vector<1x16xi32>,
    %swap3A_706 = vector.shape_cast %swap3A_705 : vector<1x16xi32> to vector<16xi32>
    %swap3A_707 = vector.shape_cast %add3A_701 : vector<16xi32> to vector<1x16xi32>
    tpu.vector_store %arg8[%swap3A_703, %swap3A_704], %swap3A_707 {strides = array<i32>} : memref<8x128xi32, #tpu.memory_space<vmem>>, vector<1x16xi32>,
    %iota3A_708 = tpu.iota {dimensions = array<i32: 0>} : vector<16xi32>
    %add3A_709 = arith.constant 96 : i32
    %add3A_710 = vector.broadcast %add3A_709 : i32 to vector<16xi32>
    %add3A_711 = arith.addi %iota3A_708, %add3A_710 : vector<16xi32>
    %lt3A_712 = arith.constant 85 : i32
    %lt3A_713 = vector.broadcast %lt3A_712 : i32 to vector<16xi32>
    %lt3A_714 = arith.cmpi slt, %add3A_711, %lt3A_713 : vector<16xi32>
    %jit3A_715 = arith.constant 0 : i32
    %broadcast_in_dim3A_716 = vector.broadcast %jit3A_715 : i32 to vector<16xi32>
    %select_n3A_717 = arith.select %lt3A_714, %add3A_711, %broadcast_in_dim3A_716 : vector<16xi1>, vector<16xi32>
    %mul3A_718 = vector.broadcast %mul3A_553 : i32 to vector<16xi32>
    %mul3A_719 = arith.muli %select_n3A_717, %mul3A_718 : vector<16xi32>
    %add3A_720 = vector.broadcast %add3A_587 : i32 to vector<16xi32>
    %add3A_721 = arith.addi %add3A_720, %mul3A_719 : vector<16xi32>
    %swap3A_722 = arith.constant 2 : i32
    %swap3A_723 = arith.index_cast %swap3A_722 : i32 to index
    %swap3A_724 = arith.constant 96 : index
    %swap3A_725 = tpu.vector_load %arg8[%swap3A_723, %swap3A_724] {strides = array<i32>} : memref<8x128xi32, #tpu.memory_space<vmem>>, vector<1x16xi32>,
    %swap3A_726 = vector.shape_cast %swap3A_725 : vector<1x16xi32> to vector<16xi32>
    %swap3A_727 = vector.shape_cast %add3A_721 : vector<16xi32> to vector<1x16xi32>
    tpu.vector_store %arg8[%swap3A_723, %swap3A_724], %swap3A_727 {strides = array<i32>} : memref<8x128xi32, #tpu.memory_space<vmem>>, vector<1x16xi32>,
    %iota3A_728 = tpu.iota {dimensions = array<i32: 0>} : vector<16xi32>
    %add3A_729 = arith.constant 112 : i32
    %add3A_730 = vector.broadcast %add3A_729 : i32 to vector<16xi32>
    %add3A_731 = arith.addi %iota3A_728, %add3A_730 : vector<16xi32>
    %lt3A_732 = arith.constant 85 : i32
    %lt3A_733 = vector.broadcast %lt3A_732 : i32 to vector<16xi32>
    %lt3A_734 = arith.cmpi slt, %add3A_731, %lt3A_733 : vector<16xi32>
    %jit3A_735 = arith.constant 0 : i32
    %broadcast_in_dim3A_736 = vector.broadcast %jit3A_735 : i32 to vector<16xi32>
    %select_n3A_737 = arith.select %lt3A_734, %add3A_731, %broadcast_in_dim3A_736 : vector<16xi1>, vector<16xi32>
    %mul3A_738 = vector.broadcast %mul3A_553 : i32 to vector<16xi32>
    %mul3A_739 = arith.muli %select_n3A_737, %mul3A_738 : vector<16xi32>
    %add3A_740 = vector.broadcast %add3A_587 : i32 to vector<16xi32>
    %add3A_741 = arith.addi %add3A_740, %mul3A_739 : vector<16xi32>
    %swap3A_742 = arith.constant 2 : i32
    %swap3A_743 = arith.index_cast %swap3A_742 : i32 to index
    %swap3A_744 = arith.constant 112 : index
    %swap3A_745 = tpu.vector_load %arg8[%swap3A_743, %swap3A_744] {strides = array<i32>} : memref<8x128xi32, #tpu.memory_space<vmem>>, vector<1x16xi32>,
    %swap3A_746 = vector.shape_cast %swap3A_745 : vector<1x16xi32> to vector<16xi32>
    %swap3A_747 = vector.shape_cast %add3A_741 : vector<16xi32> to vector<1x16xi32>
    tpu.vector_store %arg8[%swap3A_743, %swap3A_744], %swap3A_747 {strides = array<i32>} : memref<8x128xi32, #tpu.memory_space<vmem>>, vector<1x16xi32>,
    %slice3A_748 = vector.extract_strided_slice %get3A_4 {offsets = [12], sizes = [1], strides = [1]} : vector<16xf32> to vector<1xf32>
    %squeeze3A_749 = vector.extract %slice3A_748[0] : f32 from vector<1xf32>
    %slice3A_750 = vector.extract_strided_slice %get3A_4 {offsets = [13], sizes = [1], strides = [1]} : vector<16xf32> to vector<1xf32>
    %squeeze3A_751 = vector.extract %slice3A_750[0] : f32 from vector<1xf32>
    %slice3A_752 = vector.extract_strided_slice %get3A_4 {offsets = [14], sizes = [1], strides = [1]} : vector<16xf32> to vector<1xf32>
    %squeeze3A_753 = vector.extract %slice3A_752[0] : f32 from vector<1xf32>
    %slice3A_754 = vector.extract_strided_slice %get3A_4 {offsets = [15], sizes = [1], strides = [1]} : vector<16xf32> to vector<1xf32>
    %squeeze3A_755 = vector.extract %slice3A_754[0] : f32 from vector<1xf32>
    %mul3A_756 = arith.mulf %squeeze3A_753, %squeeze3A_755 : f32
    %lt3A_757 = arith.constant 2.000000e-02 : f32
    %lt3A_758 = arith.cmpf olt, %mul3A_756, %lt3A_757 : f32
    %lt3A_759 = arith.constant 1.000000e-01 : f32
    %lt3A_760 = arith.cmpf olt, %mul3A_756, %lt3A_759 : f32
    %jit3A_761 = arith.constant 1 : i32
    %jit3A_762 = arith.constant 2 : i32
    %select_n3A_763 = arith.select %lt3A_760, %jit3A_761, %jit3A_762 : i32
    %jit3A_764 = arith.constant 0 : i32
    %select_n3A_765 = arith.select %lt3A_758, %jit3A_764, %select_n3A_763 : i32
    %eq3A_766 = arith.constant 0 : i32
    %eq3A_767 = arith.cmpi eq, %select_n3A_765, %eq3A_766 : i32
    %eq3A_768 = arith.constant 1 : i32
    %eq3A_769 = arith.cmpi eq, %select_n3A_765, %eq3A_768 : i32
    %jit3A_770 = arith.constant 4.000000e+01 : f32
    %jit3A_771 = arith.constant 2.000000e+01 : f32
    %select_n3A_772 = arith.select %eq3A_769, %jit3A_770, %jit3A_771 : f32
    %jit3A_773 = arith.constant 8.000000e+01 : f32
    %select_n3A_774 = arith.select %eq3A_767, %jit3A_773, %select_n3A_772 : f32
    %eq3A_775 = arith.constant 0 : i32
    %eq3A_776 = arith.cmpi eq, %select_n3A_765, %eq3A_775 : i32
    %eq3A_777 = arith.constant 1 : i32
    %eq3A_778 = arith.cmpi eq, %select_n3A_765, %eq3A_777 : i32
    %jit3A_779 = arith.constant 40 : i32
    %jit3A_780 = arith.constant 20 : i32
    %select_n3A_781 = arith.select %eq3A_778, %jit3A_779, %jit3A_780 : i32
    %jit3A_782 = arith.constant 80 : i32
    %select_n3A_783 = arith.select %eq3A_776, %jit3A_782, %select_n3A_781 : i32
    %mul3A_784 = arith.mulf %squeeze3A_749, %select_n3A_774 : f32
    %sub3A_785 = arith.constant 1.000000e+00 : f32
    %sub3A_786 = arith.subf %select_n3A_774, %sub3A_785 : f32
    %jit3A_787 = arith.constant 0.000000e+00 : f32
    %max3A_788 = arith.maximumf %jit3A_787, %mul3A_784 : f32
    %min3A_789 = arith.minimumf %sub3A_786, %max3A_788 : f32
    %convert_element_type3A_790 = arith.fptosi %min3A_789 : f32 to i32
    %convert_element_type3A_791 = arith.sitofp %convert_element_type3A_790 : i32 to f32
    %gt3A_792 = arith.cmpf ogt, %convert_element_type3A_791, %min3A_789 : f32
    %convert_element_type3A_793 = arith.extui %gt3A_792 : i1 to i32
    %sub3A_794 = arith.subi %convert_element_type3A_790, %convert_element_type3A_793 : i32
    %mul3A_795 = arith.mulf %squeeze3A_751, %select_n3A_774 : f32
    %sub3A_796 = arith.constant 1.000000e+00 : f32
    %sub3A_797 = arith.subf %select_n3A_774, %sub3A_796 : f32
    %jit3A_798 = arith.constant 0.000000e+00 : f32
    %max3A_799 = arith.maximumf %jit3A_798, %mul3A_795 : f32
    %min3A_800 = arith.minimumf %sub3A_797, %max3A_799 : f32
    %convert_element_type3A_801 = arith.fptosi %min3A_800 : f32 to i32
    %convert_element_type3A_802 = arith.sitofp %convert_element_type3A_801 : i32 to f32
    %gt3A_803 = arith.cmpf ogt, %convert_element_type3A_802, %min3A_800 : f32
    %convert_element_type3A_804 = arith.extui %gt3A_803 : i1 to i32
    %sub3A_805 = arith.subi %convert_element_type3A_801, %convert_element_type3A_804 : i32
    %mul3A_806 = arith.muli %select_n3A_783, %select_n3A_783 : i32
    %mul3A_807 = arith.constant 8 : i32
    %mul3A_808 = arith.muli %add3A, %mul3A_807 : i32
    %add3A_809 = arith.constant 3 : i32
    %add3A_810 = arith.addi %mul3A_808, %add3A_809 : i32
    %jit3A_811 = arith.constant 32 : i32
    %div3A_812 = arith.divsi %add3A_810, %jit3A_811 : i32
    %sign3A_813 = arith.constant 0 : i32
    %sign3A_814 = arith.cmpi sgt, %add3A_810, %sign3A_813 : i32
    %sign3A_815 = arith.extui %sign3A_814 : i1 to i32
    %sign3A_816 = arith.constant 0 : i32
    %sign3A_817 = arith.cmpi slt, %add3A_810, %sign3A_816 : i32
    %sign3A_818 = arith.extui %sign3A_817 : i1 to i32
    %sign3A_819 = arith.subi %sign3A_815, %sign3A_818 : i32
    %sign3A_820 = arith.constant 0 : i32
    %sign3A_821 = arith.cmpi sgt, %jit3A_811, %sign3A_820 : i32
    %sign3A_822 = arith.extui %sign3A_821 : i1 to i32
    %sign3A_823 = arith.constant 0 : i32
    %sign3A_824 = arith.cmpi slt, %jit3A_811, %sign3A_823 : i32
    %sign3A_825 = arith.extui %sign3A_824 : i1 to i32
    %sign3A_826 = arith.subi %sign3A_822, %sign3A_825 : i32
    %ne3A_827 = arith.cmpi ne, %sign3A_819, %sign3A_826 : i32
    %rem3A_828 = arith.remsi %add3A_810, %jit3A_811 : i32
    %ne3A_829 = arith.constant 0 : i32
    %ne3A_830 = arith.cmpi ne, %rem3A_828, %ne3A_829 : i32
    %and3A_831 = arith.andi %ne3A_827, %ne3A_830 : i1
    %sub3A_832 = arith.constant 1 : i32
    %sub3A_833 = arith.subi %div3A_812, %sub3A_832 : i32
    %select_n3A_834 = arith.select %and3A_831, %sub3A_833, %div3A_812 : i32
    %mul3A_835 = arith.constant 85 : i32
    %mul3A_836 = arith.muli %select_n3A_834, %mul3A_835 : i32
    %mul3A_837 = arith.muli %mul3A_836, %select_n3A_783 : i32
    %add3A_838 = arith.addi %mul3A_837, %sub3A_805 : i32
    %mul3A_839 = arith.muli %add3A_838, %select_n3A_783 : i32
    %add3A_840 = arith.addi %mul3A_839, %sub3A_794 : i32
    %iota3A_841 = tpu.iota {dimensions = array<i32: 0>} : vector<16xi32>
    %add3A_842 = arith.constant 0 : i32
    %add3A_843 = vector.broadcast %add3A_842 : i32 to vector<16xi32>
    %add3A_844 = arith.addi %iota3A_841, %add3A_843 : vector<16xi32>
    %lt3A_845 = arith.constant 85 : i32
    %lt3A_846 = vector.broadcast %lt3A_845 : i32 to vector<16xi32>
    %lt3A_847 = arith.cmpi slt, %add3A_844, %lt3A_846 : vector<16xi32>
    %jit3A_848 = arith.constant 0 : i32
    %broadcast_in_dim3A_849 = vector.broadcast %jit3A_848 : i32 to vector<16xi32>
    %select_n3A_850 = arith.select %lt3A_847, %add3A_844, %broadcast_in_dim3A_849 : vector<16xi1>, vector<16xi32>
    %mul3A_851 = vector.broadcast %mul3A_806 : i32 to vector<16xi32>
    %mul3A_852 = arith.muli %select_n3A_850, %mul3A_851 : vector<16xi32>
    %add3A_853 = vector.broadcast %add3A_840 : i32 to vector<16xi32>
    %add3A_854 = arith.addi %add3A_853, %mul3A_852 : vector<16xi32>
    %swap3A_855 = arith.constant 3 : i32
    %swap3A_856 = arith.index_cast %swap3A_855 : i32 to index
    %swap3A_857 = arith.constant 0 : index
    %swap3A_858 = tpu.vector_load %arg8[%swap3A_856, %swap3A_857] {strides = array<i32>} : memref<8x128xi32, #tpu.memory_space<vmem>>, vector<1x16xi32>,
    %swap3A_859 = vector.shape_cast %swap3A_858 : vector<1x16xi32> to vector<16xi32>
    %swap3A_860 = vector.shape_cast %add3A_854 : vector<16xi32> to vector<1x16xi32>
    tpu.vector_store %arg8[%swap3A_856, %swap3A_857], %swap3A_860 {strides = array<i32>} : memref<8x128xi32, #tpu.memory_space<vmem>>, vector<1x16xi32>,
    %iota3A_861 = tpu.iota {dimensions = array<i32: 0>} : vector<16xi32>
    %add3A_862 = arith.constant 16 : i32
    %add3A_863 = vector.broadcast %add3A_862 : i32 to vector<16xi32>
    %add3A_864 = arith.addi %iota3A_861, %add3A_863 : vector<16xi32>
    %lt3A_865 = arith.constant 85 : i32
    %lt3A_866 = vector.broadcast %lt3A_865 : i32 to vector<16xi32>
    %lt3A_867 = arith.cmpi slt, %add3A_864, %lt3A_866 : vector<16xi32>
    %jit3A_868 = arith.constant 0 : i32
    %broadcast_in_dim3A_869 = vector.broadcast %jit3A_868 : i32 to vector<16xi32>
    %select_n3A_870 = arith.select %lt3A_867, %add3A_864, %broadcast_in_dim3A_869 : vector<16xi1>, vector<16xi32>
    %mul3A_871 = vector.broadcast %mul3A_806 : i32 to vector<16xi32>
    %mul3A_872 = arith.muli %select_n3A_870, %mul3A_871 : vector<16xi32>
    %add3A_873 = vector.broadcast %add3A_840 : i32 to vector<16xi32>
    %add3A_874 = arith.addi %add3A_873, %mul3A_872 : vector<16xi32>
    %swap3A_875 = arith.constant 3 : i32
    %swap3A_876 = arith.index_cast %swap3A_875 : i32 to index
    %swap3A_877 = arith.constant 16 : index
    %swap3A_878 = tpu.vector_load %arg8[%swap3A_876, %swap3A_877] {strides = array<i32>} : memref<8x128xi32, #tpu.memory_space<vmem>>, vector<1x16xi32>,
    %swap3A_879 = vector.shape_cast %swap3A_878 : vector<1x16xi32> to vector<16xi32>
    %swap3A_880 = vector.shape_cast %add3A_874 : vector<16xi32> to vector<1x16xi32>
    tpu.vector_store %arg8[%swap3A_876, %swap3A_877], %swap3A_880 {strides = array<i32>} : memref<8x128xi32, #tpu.memory_space<vmem>>, vector<1x16xi32>,
    %iota3A_881 = tpu.iota {dimensions = array<i32: 0>} : vector<16xi32>
    %add3A_882 = arith.constant 32 : i32
    %add3A_883 = vector.broadcast %add3A_882 : i32 to vector<16xi32>
    %add3A_884 = arith.addi %iota3A_881, %add3A_883 : vector<16xi32>
    %lt3A_885 = arith.constant 85 : i32
    %lt3A_886 = vector.broadcast %lt3A_885 : i32 to vector<16xi32>
    %lt3A_887 = arith.cmpi slt, %add3A_884, %lt3A_886 : vector<16xi32>
    %jit3A_888 = arith.constant 0 : i32
    %broadcast_in_dim3A_889 = vector.broadcast %jit3A_888 : i32 to vector<16xi32>
    %select_n3A_890 = arith.select %lt3A_887, %add3A_884, %broadcast_in_dim3A_889 : vector<16xi1>, vector<16xi32>
    %mul3A_891 = vector.broadcast %mul3A_806 : i32 to vector<16xi32>
    %mul3A_892 = arith.muli %select_n3A_890, %mul3A_891 : vector<16xi32>
    %add3A_893 = vector.broadcast %add3A_840 : i32 to vector<16xi32>
    %add3A_894 = arith.addi %add3A_893, %mul3A_892 : vector<16xi32>
    %swap3A_895 = arith.constant 3 : i32
    %swap3A_896 = arith.index_cast %swap3A_895 : i32 to index
    %swap3A_897 = arith.constant 32 : index
    %swap3A_898 = tpu.vector_load %arg8[%swap3A_896, %swap3A_897] {strides = array<i32>} : memref<8x128xi32, #tpu.memory_space<vmem>>, vector<1x16xi32>,
    %swap3A_899 = vector.shape_cast %swap3A_898 : vector<1x16xi32> to vector<16xi32>
    %swap3A_900 = vector.shape_cast %add3A_894 : vector<16xi32> to vector<1x16xi32>
    tpu.vector_store %arg8[%swap3A_896, %swap3A_897], %swap3A_900 {strides = array<i32>} : memref<8x128xi32, #tpu.memory_space<vmem>>, vector<1x16xi32>,
    %iota3A_901 = tpu.iota {dimensions = array<i32: 0>} : vector<16xi32>
    %add3A_902 = arith.constant 48 : i32
    %add3A_903 = vector.broadcast %add3A_902 : i32 to vector<16xi32>
    %add3A_904 = arith.addi %iota3A_901, %add3A_903 : vector<16xi32>
    %lt3A_905 = arith.constant 85 : i32
    %lt3A_906 = vector.broadcast %lt3A_905 : i32 to vector<16xi32>
    %lt3A_907 = arith.cmpi slt, %add3A_904, %lt3A_906 : vector<16xi32>
    %jit3A_908 = arith.constant 0 : i32
    %broadcast_in_dim3A_909 = vector.broadcast %jit3A_908 : i32 to vector<16xi32>
    %select_n3A_910 = arith.select %lt3A_907, %add3A_904, %broadcast_in_dim3A_909 : vector<16xi1>, vector<16xi32>
    %mul3A_911 = vector.broadcast %mul3A_806 : i32 to vector<16xi32>
    %mul3A_912 = arith.muli %select_n3A_910, %mul3A_911 : vector<16xi32>
    %add3A_913 = vector.broadcast %add3A_840 : i32 to vector<16xi32>
    %add3A_914 = arith.addi %add3A_913, %mul3A_912 : vector<16xi32>
    %swap3A_915 = arith.constant 3 : i32
    %swap3A_916 = arith.index_cast %swap3A_915 : i32 to index
    %swap3A_917 = arith.constant 48 : index
    %swap3A_918 = tpu.vector_load %arg8[%swap3A_916, %swap3A_917] {strides = array<i32>} : memref<8x128xi32, #tpu.memory_space<vmem>>, vector<1x16xi32>,
    %swap3A_919 = vector.shape_cast %swap3A_918 : vector<1x16xi32> to vector<16xi32>
    %swap3A_920 = vector.shape_cast %add3A_914 : vector<16xi32> to vector<1x16xi32>
    tpu.vector_store %arg8[%swap3A_916, %swap3A_917], %swap3A_920 {strides = array<i32>} : memref<8x128xi32, #tpu.memory_space<vmem>>, vector<1x16xi32>,
    %iota3A_921 = tpu.iota {dimensions = array<i32: 0>} : vector<16xi32>
    %add3A_922 = arith.constant 64 : i32
    %add3A_923 = vector.broadcast %add3A_922 : i32 to vector<16xi32>
    %add3A_924 = arith.addi %iota3A_921, %add3A_923 : vector<16xi32>
    %lt3A_925 = arith.constant 85 : i32
    %lt3A_926 = vector.broadcast %lt3A_925 : i32 to vector<16xi32>
    %lt3A_927 = arith.cmpi slt, %add3A_924, %lt3A_926 : vector<16xi32>
    %jit3A_928 = arith.constant 0 : i32
    %broadcast_in_dim3A_929 = vector.broadcast %jit3A_928 : i32 to vector<16xi32>
    %select_n3A_930 = arith.select %lt3A_927, %add3A_924, %broadcast_in_dim3A_929 : vector<16xi1>, vector<16xi32>
    %mul3A_931 = vector.broadcast %mul3A_806 : i32 to vector<16xi32>
    %mul3A_932 = arith.muli %select_n3A_930, %mul3A_931 : vector<16xi32>
    %add3A_933 = vector.broadcast %add3A_840 : i32 to vector<16xi32>
    %add3A_934 = arith.addi %add3A_933, %mul3A_932 : vector<16xi32>
    %swap3A_935 = arith.constant 3 : i32
    %swap3A_936 = arith.index_cast %swap3A_935 : i32 to index
    %swap3A_937 = arith.constant 64 : index
    %swap3A_938 = tpu.vector_load %arg8[%swap3A_936, %swap3A_937] {strides = array<i32>} : memref<8x128xi32, #tpu.memory_space<vmem>>, vector<1x16xi32>,
    %swap3A_939 = vector.shape_cast %swap3A_938 : vector<1x16xi32> to vector<16xi32>
    %swap3A_940 = vector.shape_cast %add3A_934 : vector<16xi32> to vector<1x16xi32>
    tpu.vector_store %arg8[%swap3A_936, %swap3A_937], %swap3A_940 {strides = array<i32>} : memref<8x128xi32, #tpu.memory_space<vmem>>, vector<1x16xi32>,
    %iota3A_941 = tpu.iota {dimensions = array<i32: 0>} : vector<16xi32>
    %add3A_942 = arith.constant 80 : i32
    %add3A_943 = vector.broadcast %add3A_942 : i32 to vector<16xi32>
    %add3A_944 = arith.addi %iota3A_941, %add3A_943 : vector<16xi32>
    %lt3A_945 = arith.constant 85 : i32
    %lt3A_946 = vector.broadcast %lt3A_945 : i32 to vector<16xi32>
    %lt3A_947 = arith.cmpi slt, %add3A_944, %lt3A_946 : vector<16xi32>
    %jit3A_948 = arith.constant 0 : i32
    %broadcast_in_dim3A_949 = vector.broadcast %jit3A_948 : i32 to vector<16xi32>
    %select_n3A_950 = arith.select %lt3A_947, %add3A_944, %broadcast_in_dim3A_949 : vector<16xi1>, vector<16xi32>
    %mul3A_951 = vector.broadcast %mul3A_806 : i32 to vector<16xi32>
    %mul3A_952 = arith.muli %select_n3A_950, %mul3A_951 : vector<16xi32>
    %add3A_953 = vector.broadcast %add3A_840 : i32 to vector<16xi32>
    %add3A_954 = arith.addi %add3A_953, %mul3A_952 : vector<16xi32>
    %swap3A_955 = arith.constant 3 : i32
    %swap3A_956 = arith.index_cast %swap3A_955 : i32 to index
    %swap3A_957 = arith.constant 80 : index
    %swap3A_958 = tpu.vector_load %arg8[%swap3A_956, %swap3A_957] {strides = array<i32>} : memref<8x128xi32, #tpu.memory_space<vmem>>, vector<1x16xi32>,
    %swap3A_959 = vector.shape_cast %swap3A_958 : vector<1x16xi32> to vector<16xi32>
    %swap3A_960 = vector.shape_cast %add3A_954 : vector<16xi32> to vector<1x16xi32>
    tpu.vector_store %arg8[%swap3A_956, %swap3A_957], %swap3A_960 {strides = array<i32>} : memref<8x128xi32, #tpu.memory_space<vmem>>, vector<1x16xi32>,
    %iota3A_961 = tpu.iota {dimensions = array<i32: 0>} : vector<16xi32>
    %add3A_962 = arith.constant 96 : i32
    %add3A_963 = vector.broadcast %add3A_962 : i32 to vector<16xi32>
    %add3A_964 = arith.addi %iota3A_961, %add3A_963 : vector<16xi32>
    %lt3A_965 = arith.constant 85 : i32
    %lt3A_966 = vector.broadcast %lt3A_965 : i32 to vector<16xi32>
    %lt3A_967 = arith.cmpi slt, %add3A_964, %lt3A_966 : vector<16xi32>
    %jit3A_968 = arith.constant 0 : i32
    %broadcast_in_dim3A_969 = vector.broadcast %jit3A_968 : i32 to vector<16xi32>
    %select_n3A_970 = arith.select %lt3A_967, %add3A_964, %broadcast_in_dim3A_969 : vector<16xi1>, vector<16xi32>
    %mul3A_971 = vector.broadcast %mul3A_806 : i32 to vector<16xi32>
    %mul3A_972 = arith.muli %select_n3A_970, %mul3A_971 : vector<16xi32>
    %add3A_973 = vector.broadcast %add3A_840 : i32 to vector<16xi32>
    %add3A_974 = arith.addi %add3A_973, %mul3A_972 : vector<16xi32>
    %swap3A_975 = arith.constant 3 : i32
    %swap3A_976 = arith.index_cast %swap3A_975 : i32 to index
    %swap3A_977 = arith.constant 96 : index
    %swap3A_978 = tpu.vector_load %arg8[%swap3A_976, %swap3A_977] {strides = array<i32>} : memref<8x128xi32, #tpu.memory_space<vmem>>, vector<1x16xi32>,
    %swap3A_979 = vector.shape_cast %swap3A_978 : vector<1x16xi32> to vector<16xi32>
    %swap3A_980 = vector.shape_cast %add3A_974 : vector<16xi32> to vector<1x16xi32>
    tpu.vector_store %arg8[%swap3A_976, %swap3A_977], %swap3A_980 {strides = array<i32>} : memref<8x128xi32, #tpu.memory_space<vmem>>, vector<1x16xi32>,
    %iota3A_981 = tpu.iota {dimensions = array<i32: 0>} : vector<16xi32>
    %add3A_982 = arith.constant 112 : i32
    %add3A_983 = vector.broadcast %add3A_982 : i32 to vector<16xi32>
    %add3A_984 = arith.addi %iota3A_981, %add3A_983 : vector<16xi32>
    %lt3A_985 = arith.constant 85 : i32
    %lt3A_986 = vector.broadcast %lt3A_985 : i32 to vector<16xi32>
    %lt3A_987 = arith.cmpi slt, %add3A_984, %lt3A_986 : vector<16xi32>
    %jit3A_988 = arith.constant 0 : i32
    %broadcast_in_dim3A_989 = vector.broadcast %jit3A_988 : i32 to vector<16xi32>
    %select_n3A_990 = arith.select %lt3A_987, %add3A_984, %broadcast_in_dim3A_989 : vector<16xi1>, vector<16xi32>
    %mul3A_991 = vector.broadcast %mul3A_806 : i32 to vector<16xi32>
    %mul3A_992 = arith.muli %select_n3A_990, %mul3A_991 : vector<16xi32>
    %add3A_993 = vector.broadcast %add3A_840 : i32 to vector<16xi32>
    %add3A_994 = arith.addi %add3A_993, %mul3A_992 : vector<16xi32>
    %swap3A_995 = arith.constant 3 : i32
    %swap3A_996 = arith.index_cast %swap3A_995 : i32 to index
    %swap3A_997 = arith.constant 112 : index
    %swap3A_998 = tpu.vector_load %arg8[%swap3A_996, %swap3A_997] {strides = array<i32>} : memref<8x128xi32, #tpu.memory_space<vmem>>, vector<1x16xi32>,
    %swap3A_999 = vector.shape_cast %swap3A_998 : vector<1x16xi32> to vector<16xi32>
    %swap3A_1000 = vector.shape_cast %add3A_994 : vector<16xi32> to vector<1x16xi32>
    tpu.vector_store %arg8[%swap3A_996, %swap3A_997], %swap3A_1000 {strides = array<i32>} : memref<8x128xi32, #tpu.memory_space<vmem>>, vector<1x16xi32>,
    %slice3A_1001 = vector.extract_strided_slice %get3A_7 {offsets = [0], sizes = [1], strides = [1]} : vector<16xf32> to vector<1xf32>
    %squeeze3A_1002 = vector.extract %slice3A_1001[0] : f32 from vector<1xf32>
    %slice3A_1003 = vector.extract_strided_slice %get3A_7 {offsets = [1], sizes = [1], strides = [1]} : vector<16xf32> to vector<1xf32>
    %squeeze3A_1004 = vector.extract %slice3A_1003[0] : f32 from vector<1xf32>
    %slice3A_1005 = vector.extract_strided_slice %get3A_7 {offsets = [2], sizes = [1], strides = [1]} : vector<16xf32> to vector<1xf32>
    %squeeze3A_1006 = vector.extract %slice3A_1005[0] : f32 from vector<1xf32>
    %slice3A_1007 = vector.extract_strided_slice %get3A_7 {offsets = [3], sizes = [1], strides = [1]} : vector<16xf32> to vector<1xf32>
    %squeeze3A_1008 = vector.extract %slice3A_1007[0] : f32 from vector<1xf32>
    %mul3A_1009 = arith.mulf %squeeze3A_1006, %squeeze3A_1008 : f32
    %lt3A_1010 = arith.constant 2.000000e-02 : f32
    %lt3A_1011 = arith.cmpf olt, %mul3A_1009, %lt3A_1010 : f32
    %lt3A_1012 = arith.constant 1.000000e-01 : f32
    %lt3A_1013 = arith.cmpf olt, %mul3A_1009, %lt3A_1012 : f32
    %jit3A_1014 = arith.constant 1 : i32
    %jit3A_1015 = arith.constant 2 : i32
    %select_n3A_1016 = arith.select %lt3A_1013, %jit3A_1014, %jit3A_1015 : i32
    %jit3A_1017 = arith.constant 0 : i32
    %select_n3A_1018 = arith.select %lt3A_1011, %jit3A_1017, %select_n3A_1016 : i32
    %eq3A_1019 = arith.constant 0 : i32
    %eq3A_1020 = arith.cmpi eq, %select_n3A_1018, %eq3A_1019 : i32
    %eq3A_1021 = arith.constant 1 : i32
    %eq3A_1022 = arith.cmpi eq, %select_n3A_1018, %eq3A_1021 : i32
    %jit3A_1023 = arith.constant 4.000000e+01 : f32
    %jit3A_1024 = arith.constant 2.000000e+01 : f32
    %select_n3A_1025 = arith.select %eq3A_1022, %jit3A_1023, %jit3A_1024 : f32
    %jit3A_1026 = arith.constant 8.000000e+01 : f32
    %select_n3A_1027 = arith.select %eq3A_1020, %jit3A_1026, %select_n3A_1025 : f32
    %eq3A_1028 = arith.constant 0 : i32
    %eq3A_1029 = arith.cmpi eq, %select_n3A_1018, %eq3A_1028 : i32
    %eq3A_1030 = arith.constant 1 : i32
    %eq3A_1031 = arith.cmpi eq, %select_n3A_1018, %eq3A_1030 : i32
    %jit3A_1032 = arith.constant 40 : i32
    %jit3A_1033 = arith.constant 20 : i32
    %select_n3A_1034 = arith.select %eq3A_1031, %jit3A_1032, %jit3A_1033 : i32
    %jit3A_1035 = arith.constant 80 : i32
    %select_n3A_1036 = arith.select %eq3A_1029, %jit3A_1035, %select_n3A_1034 : i32
    %mul3A_1037 = arith.mulf %squeeze3A_1002, %select_n3A_1027 : f32
    %sub3A_1038 = arith.constant 1.000000e+00 : f32
    %sub3A_1039 = arith.subf %select_n3A_1027, %sub3A_1038 : f32
    %jit3A_1040 = arith.constant 0.000000e+00 : f32
    %max3A_1041 = arith.maximumf %jit3A_1040, %mul3A_1037 : f32
    %min3A_1042 = arith.minimumf %sub3A_1039, %max3A_1041 : f32
    %convert_element_type3A_1043 = arith.fptosi %min3A_1042 : f32 to i32
    %convert_element_type3A_1044 = arith.sitofp %convert_element_type3A_1043 : i32 to f32
    %gt3A_1045 = arith.cmpf ogt, %convert_element_type3A_1044, %min3A_1042 : f32
    %convert_element_type3A_1046 = arith.extui %gt3A_1045 : i1 to i32
    %sub3A_1047 = arith.subi %convert_element_type3A_1043, %convert_element_type3A_1046 : i32
    %mul3A_1048 = arith.mulf %squeeze3A_1004, %select_n3A_1027 : f32
    %sub3A_1049 = arith.constant 1.000000e+00 : f32
    %sub3A_1050 = arith.subf %select_n3A_1027, %sub3A_1049 : f32
    %jit3A_1051 = arith.constant 0.000000e+00 : f32
    %max3A_1052 = arith.maximumf %jit3A_1051, %mul3A_1048 : f32
    %min3A_1053 = arith.minimumf %sub3A_1050, %max3A_1052 : f32
    %convert_element_type3A_1054 = arith.fptosi %min3A_1053 : f32 to i32
    %convert_element_type3A_1055 = arith.sitofp %convert_element_type3A_1054 : i32 to f32
    %gt3A_1056 = arith.cmpf ogt, %convert_element_type3A_1055, %min3A_1053 : f32
    %convert_element_type3A_1057 = arith.extui %gt3A_1056 : i1 to i32
    %sub3A_1058 = arith.subi %convert_element_type3A_1054, %convert_element_type3A_1057 : i32
    %mul3A_1059 = arith.muli %select_n3A_1036, %select_n3A_1036 : i32
    %mul3A_1060 = arith.constant 8 : i32
    %mul3A_1061 = arith.muli %add3A, %mul3A_1060 : i32
    %add3A_1062 = arith.constant 4 : i32
    %add3A_1063 = arith.addi %mul3A_1061, %add3A_1062 : i32
    %jit3A_1064 = arith.constant 32 : i32
    %div3A_1065 = arith.divsi %add3A_1063, %jit3A_1064 : i32
    %sign3A_1066 = arith.constant 0 : i32
    %sign3A_1067 = arith.cmpi sgt, %add3A_1063, %sign3A_1066 : i32
    %sign3A_1068 = arith.extui %sign3A_1067 : i1 to i32
    %sign3A_1069 = arith.constant 0 : i32
    %sign3A_1070 = arith.cmpi slt, %add3A_1063, %sign3A_1069 : i32
    %sign3A_1071 = arith.extui %sign3A_1070 : i1 to i32
    %sign3A_1072 = arith.subi %sign3A_1068, %sign3A_1071 : i32
    %sign3A_1073 = arith.constant 0 : i32
    %sign3A_1074 = arith.cmpi sgt, %jit3A_1064, %sign3A_1073 : i32
    %sign3A_1075 = arith.extui %sign3A_1074 : i1 to i32
    %sign3A_1076 = arith.constant 0 : i32
    %sign3A_1077 = arith.cmpi slt, %jit3A_1064, %sign3A_1076 : i32
    %sign3A_1078 = arith.extui %sign3A_1077 : i1 to i32
    %sign3A_1079 = arith.subi %sign3A_1075, %sign3A_1078 : i32
    %ne3A_1080 = arith.cmpi ne, %sign3A_1072, %sign3A_1079 : i32
    %rem3A_1081 = arith.remsi %add3A_1063, %jit3A_1064 : i32
    %ne3A_1082 = arith.constant 0 : i32
    %ne3A_1083 = arith.cmpi ne, %rem3A_1081, %ne3A_1082 : i32
    %and3A_1084 = arith.andi %ne3A_1080, %ne3A_1083 : i1
    %sub3A_1085 = arith.constant 1 : i32
    %sub3A_1086 = arith.subi %div3A_1065, %sub3A_1085 : i32
    %select_n3A_1087 = arith.select %and3A_1084, %sub3A_1086, %div3A_1065 : i32
    %mul3A_1088 = arith.constant 85 : i32
    %mul3A_1089 = arith.muli %select_n3A_1087, %mul3A_1088 : i32
    %mul3A_1090 = arith.muli %mul3A_1089, %select_n3A_1036 : i32
    %add3A_1091 = arith.addi %mul3A_1090, %sub3A_1058 : i32
    %mul3A_1092 = arith.muli %add3A_1091, %select_n3A_1036 : i32
    %add3A_1093 = arith.addi %mul3A_1092, %sub3A_1047 : i32
    %iota3A_1094 = tpu.iota {dimensions = array<i32: 0>} : vector<16xi32>
    %add3A_1095 = arith.constant 0 : i32
    %add3A_1096 = vector.broadcast %add3A_1095 : i32 to vector<16xi32>
    %add3A_1097 = arith.addi %iota3A_1094, %add3A_1096 : vector<16xi32>
    %lt3A_1098 = arith.constant 85 : i32
    %lt3A_1099 = vector.broadcast %lt3A_1098 : i32 to vector<16xi32>
    %lt3A_1100 = arith.cmpi slt, %add3A_1097, %lt3A_1099 : vector<16xi32>
    %jit3A_1101 = arith.constant 0 : i32
    %broadcast_in_dim3A_1102 = vector.broadcast %jit3A_1101 : i32 to vector<16xi32>
    %select_n3A_1103 = arith.select %lt3A_1100, %add3A_1097, %broadcast_in_dim3A_1102 : vector<16xi1>, vector<16xi32>
    %mul3A_1104 = vector.broadcast %mul3A_1059 : i32 to vector<16xi32>
    %mul3A_1105 = arith.muli %select_n3A_1103, %mul3A_1104 : vector<16xi32>
    %add3A_1106 = vector.broadcast %add3A_1093 : i32 to vector<16xi32>
    %add3A_1107 = arith.addi %add3A_1106, %mul3A_1105 : vector<16xi32>
    %swap3A_1108 = arith.constant 4 : i32
    %swap3A_1109 = arith.index_cast %swap3A_1108 : i32 to index
    %swap3A_1110 = arith.constant 0 : index
    %swap3A_1111 = tpu.vector_load %arg8[%swap3A_1109, %swap3A_1110] {strides = array<i32>} : memref<8x128xi32, #tpu.memory_space<vmem>>, vector<1x16xi32>,
    %swap3A_1112 = vector.shape_cast %swap3A_1111 : vector<1x16xi32> to vector<16xi32>
    %swap3A_1113 = vector.shape_cast %add3A_1107 : vector<16xi32> to vector<1x16xi32>
    tpu.vector_store %arg8[%swap3A_1109, %swap3A_1110], %swap3A_1113 {strides = array<i32>} : memref<8x128xi32, #tpu.memory_space<vmem>>, vector<1x16xi32>,
    %iota3A_1114 = tpu.iota {dimensions = array<i32: 0>} : vector<16xi32>
    %add3A_1115 = arith.constant 16 : i32
    %add3A_1116 = vector.broadcast %add3A_1115 : i32 to vector<16xi32>
    %add3A_1117 = arith.addi %iota3A_1114, %add3A_1116 : vector<16xi32>
    %lt3A_1118 = arith.constant 85 : i32
    %lt3A_1119 = vector.broadcast %lt3A_1118 : i32 to vector<16xi32>
    %lt3A_1120 = arith.cmpi slt, %add3A_1117, %lt3A_1119 : vector<16xi32>
    %jit3A_1121 = arith.constant 0 : i32
    %broadcast_in_dim3A_1122 = vector.broadcast %jit3A_1121 : i32 to vector<16xi32>
    %select_n3A_1123 = arith.select %lt3A_1120, %add3A_1117, %broadcast_in_dim3A_1122 : vector<16xi1>, vector<16xi32>
    %mul3A_1124 = vector.broadcast %mul3A_1059 : i32 to vector<16xi32>
    %mul3A_1125 = arith.muli %select_n3A_1123, %mul3A_1124 : vector<16xi32>
    %add3A_1126 = vector.broadcast %add3A_1093 : i32 to vector<16xi32>
    %add3A_1127 = arith.addi %add3A_1126, %mul3A_1125 : vector<16xi32>
    %swap3A_1128 = arith.constant 4 : i32
    %swap3A_1129 = arith.index_cast %swap3A_1128 : i32 to index
    %swap3A_1130 = arith.constant 16 : index
    %swap3A_1131 = tpu.vector_load %arg8[%swap3A_1129, %swap3A_1130] {strides = array<i32>} : memref<8x128xi32, #tpu.memory_space<vmem>>, vector<1x16xi32>,
    %swap3A_1132 = vector.shape_cast %swap3A_1131 : vector<1x16xi32> to vector<16xi32>
    %swap3A_1133 = vector.shape_cast %add3A_1127 : vector<16xi32> to vector<1x16xi32>
    tpu.vector_store %arg8[%swap3A_1129, %swap3A_1130], %swap3A_1133 {strides = array<i32>} : memref<8x128xi32, #tpu.memory_space<vmem>>, vector<1x16xi32>,
    %iota3A_1134 = tpu.iota {dimensions = array<i32: 0>} : vector<16xi32>
    %add3A_1135 = arith.constant 32 : i32
    %add3A_1136 = vector.broadcast %add3A_1135 : i32 to vector<16xi32>
    %add3A_1137 = arith.addi %iota3A_1134, %add3A_1136 : vector<16xi32>
    %lt3A_1138 = arith.constant 85 : i32
    %lt3A_1139 = vector.broadcast %lt3A_1138 : i32 to vector<16xi32>
    %lt3A_1140 = arith.cmpi slt, %add3A_1137, %lt3A_1139 : vector<16xi32>
    %jit3A_1141 = arith.constant 0 : i32
    %broadcast_in_dim3A_1142 = vector.broadcast %jit3A_1141 : i32 to vector<16xi32>
    %select_n3A_1143 = arith.select %lt3A_1140, %add3A_1137, %broadcast_in_dim3A_1142 : vector<16xi1>, vector<16xi32>
    %mul3A_1144 = vector.broadcast %mul3A_1059 : i32 to vector<16xi32>
    %mul3A_1145 = arith.muli %select_n3A_1143, %mul3A_1144 : vector<16xi32>
    %add3A_1146 = vector.broadcast %add3A_1093 : i32 to vector<16xi32>
    %add3A_1147 = arith.addi %add3A_1146, %mul3A_1145 : vector<16xi32>
    %swap3A_1148 = arith.constant 4 : i32
    %swap3A_1149 = arith.index_cast %swap3A_1148 : i32 to index
    %swap3A_1150 = arith.constant 32 : index
    %swap3A_1151 = tpu.vector_load %arg8[%swap3A_1149, %swap3A_1150] {strides = array<i32>} : memref<8x128xi32, #tpu.memory_space<vmem>>, vector<1x16xi32>,
    %swap3A_1152 = vector.shape_cast %swap3A_1151 : vector<1x16xi32> to vector<16xi32>
    %swap3A_1153 = vector.shape_cast %add3A_1147 : vector<16xi32> to vector<1x16xi32>
    tpu.vector_store %arg8[%swap3A_1149, %swap3A_1150], %swap3A_1153 {strides = array<i32>} : memref<8x128xi32, #tpu.memory_space<vmem>>, vector<1x16xi32>,
    %iota3A_1154 = tpu.iota {dimensions = array<i32: 0>} : vector<16xi32>
    %add3A_1155 = arith.constant 48 : i32
    %add3A_1156 = vector.broadcast %add3A_1155 : i32 to vector<16xi32>
    %add3A_1157 = arith.addi %iota3A_1154, %add3A_1156 : vector<16xi32>
    %lt3A_1158 = arith.constant 85 : i32
    %lt3A_1159 = vector.broadcast %lt3A_1158 : i32 to vector<16xi32>
    %lt3A_1160 = arith.cmpi slt, %add3A_1157, %lt3A_1159 : vector<16xi32>
    %jit3A_1161 = arith.constant 0 : i32
    %broadcast_in_dim3A_1162 = vector.broadcast %jit3A_1161 : i32 to vector<16xi32>
    %select_n3A_1163 = arith.select %lt3A_1160, %add3A_1157, %broadcast_in_dim3A_1162 : vector<16xi1>, vector<16xi32>
    %mul3A_1164 = vector.broadcast %mul3A_1059 : i32 to vector<16xi32>
    %mul3A_1165 = arith.muli %select_n3A_1163, %mul3A_1164 : vector<16xi32>
    %add3A_1166 = vector.broadcast %add3A_1093 : i32 to vector<16xi32>
    %add3A_1167 = arith.addi %add3A_1166, %mul3A_1165 : vector<16xi32>
    %swap3A_1168 = arith.constant 4 : i32
    %swap3A_1169 = arith.index_cast %swap3A_1168 : i32 to index
    %swap3A_1170 = arith.constant 48 : index
    %swap3A_1171 = tpu.vector_load %arg8[%swap3A_1169, %swap3A_1170] {strides = array<i32>} : memref<8x128xi32, #tpu.memory_space<vmem>>, vector<1x16xi32>,
    %swap3A_1172 = vector.shape_cast %swap3A_1171 : vector<1x16xi32> to vector<16xi32>
    %swap3A_1173 = vector.shape_cast %add3A_1167 : vector<16xi32> to vector<1x16xi32>
    tpu.vector_store %arg8[%swap3A_1169, %swap3A_1170], %swap3A_1173 {strides = array<i32>} : memref<8x128xi32, #tpu.memory_space<vmem>>, vector<1x16xi32>,
    %iota3A_1174 = tpu.iota {dimensions = array<i32: 0>} : vector<16xi32>
    %add3A_1175 = arith.constant 64 : i32
    %add3A_1176 = vector.broadcast %add3A_1175 : i32 to vector<16xi32>
    %add3A_1177 = arith.addi %iota3A_1174, %add3A_1176 : vector<16xi32>
    %lt3A_1178 = arith.constant 85 : i32
    %lt3A_1179 = vector.broadcast %lt3A_1178 : i32 to vector<16xi32>
    %lt3A_1180 = arith.cmpi slt, %add3A_1177, %lt3A_1179 : vector<16xi32>
    %jit3A_1181 = arith.constant 0 : i32
    %broadcast_in_dim3A_1182 = vector.broadcast %jit3A_1181 : i32 to vector<16xi32>
    %select_n3A_1183 = arith.select %lt3A_1180, %add3A_1177, %broadcast_in_dim3A_1182 : vector<16xi1>, vector<16xi32>
    %mul3A_1184 = vector.broadcast %mul3A_1059 : i32 to vector<16xi32>
    %mul3A_1185 = arith.muli %select_n3A_1183, %mul3A_1184 : vector<16xi32>
    %add3A_1186 = vector.broadcast %add3A_1093 : i32 to vector<16xi32>
    %add3A_1187 = arith.addi %add3A_1186, %mul3A_1185 : vector<16xi32>
    %swap3A_1188 = arith.constant 4 : i32
    %swap3A_1189 = arith.index_cast %swap3A_1188 : i32 to index
    %swap3A_1190 = arith.constant 64 : index
    %swap3A_1191 = tpu.vector_load %arg8[%swap3A_1189, %swap3A_1190] {strides = array<i32>} : memref<8x128xi32, #tpu.memory_space<vmem>>, vector<1x16xi32>,
    %swap3A_1192 = vector.shape_cast %swap3A_1191 : vector<1x16xi32> to vector<16xi32>
    %swap3A_1193 = vector.shape_cast %add3A_1187 : vector<16xi32> to vector<1x16xi32>
    tpu.vector_store %arg8[%swap3A_1189, %swap3A_1190], %swap3A_1193 {strides = array<i32>} : memref<8x128xi32, #tpu.memory_space<vmem>>, vector<1x16xi32>,
    %iota3A_1194 = tpu.iota {dimensions = array<i32: 0>} : vector<16xi32>
    %add3A_1195 = arith.constant 80 : i32
    %add3A_1196 = vector.broadcast %add3A_1195 : i32 to vector<16xi32>
    %add3A_1197 = arith.addi %iota3A_1194, %add3A_1196 : vector<16xi32>
    %lt3A_1198 = arith.constant 85 : i32
    %lt3A_1199 = vector.broadcast %lt3A_1198 : i32 to vector<16xi32>
    %lt3A_1200 = arith.cmpi slt, %add3A_1197, %lt3A_1199 : vector<16xi32>
    %jit3A_1201 = arith.constant 0 : i32
    %broadcast_in_dim3A_1202 = vector.broadcast %jit3A_1201 : i32 to vector<16xi32>
    %select_n3A_1203 = arith.select %lt3A_1200, %add3A_1197, %broadcast_in_dim3A_1202 : vector<16xi1>, vector<16xi32>
    %mul3A_1204 = vector.broadcast %mul3A_1059 : i32 to vector<16xi32>
    %mul3A_1205 = arith.muli %select_n3A_1203, %mul3A_1204 : vector<16xi32>
    %add3A_1206 = vector.broadcast %add3A_1093 : i32 to vector<16xi32>
    %add3A_1207 = arith.addi %add3A_1206, %mul3A_1205 : vector<16xi32>
    %swap3A_1208 = arith.constant 4 : i32
    %swap3A_1209 = arith.index_cast %swap3A_1208 : i32 to index
    %swap3A_1210 = arith.constant 80 : index
    %swap3A_1211 = tpu.vector_load %arg8[%swap3A_1209, %swap3A_1210] {strides = array<i32>} : memref<8x128xi32, #tpu.memory_space<vmem>>, vector<1x16xi32>,
    %swap3A_1212 = vector.shape_cast %swap3A_1211 : vector<1x16xi32> to vector<16xi32>
    %swap3A_1213 = vector.shape_cast %add3A_1207 : vector<16xi32> to vector<1x16xi32>
    tpu.vector_store %arg8[%swap3A_1209, %swap3A_1210], %swap3A_1213 {strides = array<i32>} : memref<8x128xi32, #tpu.memory_space<vmem>>, vector<1x16xi32>,
    %iota3A_1214 = tpu.iota {dimensions = array<i32: 0>} : vector<16xi32>
    %add3A_1215 = arith.constant 96 : i32
    %add3A_1216 = vector.broadcast %add3A_1215 : i32 to vector<16xi32>
    %add3A_1217 = arith.addi %iota3A_1214, %add3A_1216 : vector<16xi32>
    %lt3A_1218 = arith.constant 85 : i32
    %lt3A_1219 = vector.broadcast %lt3A_1218 : i32 to vector<16xi32>
    %lt3A_1220 = arith.cmpi slt, %add3A_1217, %lt3A_1219 : vector<16xi32>
    %jit3A_1221 = arith.constant 0 : i32
    %broadcast_in_dim3A_1222 = vector.broadcast %jit3A_1221 : i32 to vector<16xi32>
    %select_n3A_1223 = arith.select %lt3A_1220, %add3A_1217, %broadcast_in_dim3A_1222 : vector<16xi1>, vector<16xi32>
    %mul3A_1224 = vector.broadcast %mul3A_1059 : i32 to vector<16xi32>
    %mul3A_1225 = arith.muli %select_n3A_1223, %mul3A_1224 : vector<16xi32>
    %add3A_1226 = vector.broadcast %add3A_1093 : i32 to vector<16xi32>
    %add3A_1227 = arith.addi %add3A_1226, %mul3A_1225 : vector<16xi32>
    %swap3A_1228 = arith.constant 4 : i32
    %swap3A_1229 = arith.index_cast %swap3A_1228 : i32 to index
    %swap3A_1230 = arith.constant 96 : index
    %swap3A_1231 = tpu.vector_load %arg8[%swap3A_1229, %swap3A_1230] {strides = array<i32>} : memref<8x128xi32, #tpu.memory_space<vmem>>, vector<1x16xi32>,
    %swap3A_1232 = vector.shape_cast %swap3A_1231 : vector<1x16xi32> to vector<16xi32>
    %swap3A_1233 = vector.shape_cast %add3A_1227 : vector<16xi32> to vector<1x16xi32>
    tpu.vector_store %arg8[%swap3A_1229, %swap3A_1230], %swap3A_1233 {strides = array<i32>} : memref<8x128xi32, #tpu.memory_space<vmem>>, vector<1x16xi32>,
    %iota3A_1234 = tpu.iota {dimensions = array<i32: 0>} : vector<16xi32>
    %add3A_1235 = arith.constant 112 : i32
    %add3A_1236 = vector.broadcast %add3A_1235 : i32 to vector<16xi32>
    %add3A_1237 = arith.addi %iota3A_1234, %add3A_1236 : vector<16xi32>
    %lt3A_1238 = arith.constant 85 : i32
    %lt3A_1239 = vector.broadcast %lt3A_1238 : i32 to vector<16xi32>
    %lt3A_1240 = arith.cmpi slt, %add3A_1237, %lt3A_1239 : vector<16xi32>
    %jit3A_1241 = arith.constant 0 : i32
    %broadcast_in_dim3A_1242 = vector.broadcast %jit3A_1241 : i32 to vector<16xi32>
    %select_n3A_1243 = arith.select %lt3A_1240, %add3A_1237, %broadcast_in_dim3A_1242 : vector<16xi1>, vector<16xi32>
    %mul3A_1244 = vector.broadcast %mul3A_1059 : i32 to vector<16xi32>
    %mul3A_1245 = arith.muli %select_n3A_1243, %mul3A_1244 : vector<16xi32>
    %add3A_1246 = vector.broadcast %add3A_1093 : i32 to vector<16xi32>
    %add3A_1247 = arith.addi %add3A_1246, %mul3A_1245 : vector<16xi32>
    %swap3A_1248 = arith.constant 4 : i32
    %swap3A_1249 = arith.index_cast %swap3A_1248 : i32 to index
    %swap3A_1250 = arith.constant 112 : index
    %swap3A_1251 = tpu.vector_load %arg8[%swap3A_1249, %swap3A_1250] {strides = array<i32>} : memref<8x128xi32, #tpu.memory_space<vmem>>, vector<1x16xi32>,
    %swap3A_1252 = vector.shape_cast %swap3A_1251 : vector<1x16xi32> to vector<16xi32>
    %swap3A_1253 = vector.shape_cast %add3A_1247 : vector<16xi32> to vector<1x16xi32>
    tpu.vector_store %arg8[%swap3A_1249, %swap3A_1250], %swap3A_1253 {strides = array<i32>} : memref<8x128xi32, #tpu.memory_space<vmem>>, vector<1x16xi32>,
    %slice3A_1254 = vector.extract_strided_slice %get3A_7 {offsets = [4], sizes = [1], strides = [1]} : vector<16xf32> to vector<1xf32>
    %squeeze3A_1255 = vector.extract %slice3A_1254[0] : f32 from vector<1xf32>
    %slice3A_1256 = vector.extract_strided_slice %get3A_7 {offsets = [5], sizes = [1], strides = [1]} : vector<16xf32> to vector<1xf32>
    %squeeze3A_1257 = vector.extract %slice3A_1256[0] : f32 from vector<1xf32>
    %slice3A_1258 = vector.extract_strided_slice %get3A_7 {offsets = [6], sizes = [1], strides = [1]} : vector<16xf32> to vector<1xf32>
    %squeeze3A_1259 = vector.extract %slice3A_1258[0] : f32 from vector<1xf32>
    %slice3A_1260 = vector.extract_strided_slice %get3A_7 {offsets = [7], sizes = [1], strides = [1]} : vector<16xf32> to vector<1xf32>
    %squeeze3A_1261 = vector.extract %slice3A_1260[0] : f32 from vector<1xf32>
    %mul3A_1262 = arith.mulf %squeeze3A_1259, %squeeze3A_1261 : f32
    %lt3A_1263 = arith.constant 2.000000e-02 : f32
    %lt3A_1264 = arith.cmpf olt, %mul3A_1262, %lt3A_1263 : f32
    %lt3A_1265 = arith.constant 1.000000e-01 : f32
    %lt3A_1266 = arith.cmpf olt, %mul3A_1262, %lt3A_1265 : f32
    %jit3A_1267 = arith.constant 1 : i32
    %jit3A_1268 = arith.constant 2 : i32
    %select_n3A_1269 = arith.select %lt3A_1266, %jit3A_1267, %jit3A_1268 : i32
    %jit3A_1270 = arith.constant 0 : i32
    %select_n3A_1271 = arith.select %lt3A_1264, %jit3A_1270, %select_n3A_1269 : i32
    %eq3A_1272 = arith.constant 0 : i32
    %eq3A_1273 = arith.cmpi eq, %select_n3A_1271, %eq3A_1272 : i32
    %eq3A_1274 = arith.constant 1 : i32
    %eq3A_1275 = arith.cmpi eq, %select_n3A_1271, %eq3A_1274 : i32
    %jit3A_1276 = arith.constant 4.000000e+01 : f32
    %jit3A_1277 = arith.constant 2.000000e+01 : f32
    %select_n3A_1278 = arith.select %eq3A_1275, %jit3A_1276, %jit3A_1277 : f32
    %jit3A_1279 = arith.constant 8.000000e+01 : f32
    %select_n3A_1280 = arith.select %eq3A_1273, %jit3A_1279, %select_n3A_1278 : f32
    %eq3A_1281 = arith.constant 0 : i32
    %eq3A_1282 = arith.cmpi eq, %select_n3A_1271, %eq3A_1281 : i32
    %eq3A_1283 = arith.constant 1 : i32
    %eq3A_1284 = arith.cmpi eq, %select_n3A_1271, %eq3A_1283 : i32
    %jit3A_1285 = arith.constant 40 : i32
    %jit3A_1286 = arith.constant 20 : i32
    %select_n3A_1287 = arith.select %eq3A_1284, %jit3A_1285, %jit3A_1286 : i32
    %jit3A_1288 = arith.constant 80 : i32
    %select_n3A_1289 = arith.select %eq3A_1282, %jit3A_1288, %select_n3A_1287 : i32
    %mul3A_1290 = arith.mulf %squeeze3A_1255, %select_n3A_1280 : f32
    %sub3A_1291 = arith.constant 1.000000e+00 : f32
    %sub3A_1292 = arith.subf %select_n3A_1280, %sub3A_1291 : f32
    %jit3A_1293 = arith.constant 0.000000e+00 : f32
    %max3A_1294 = arith.maximumf %jit3A_1293, %mul3A_1290 : f32
    %min3A_1295 = arith.minimumf %sub3A_1292, %max3A_1294 : f32
    %convert_element_type3A_1296 = arith.fptosi %min3A_1295 : f32 to i32
    %convert_element_type3A_1297 = arith.sitofp %convert_element_type3A_1296 : i32 to f32
    %gt3A_1298 = arith.cmpf ogt, %convert_element_type3A_1297, %min3A_1295 : f32
    %convert_element_type3A_1299 = arith.extui %gt3A_1298 : i1 to i32
    %sub3A_1300 = arith.subi %convert_element_type3A_1296, %convert_element_type3A_1299 : i32
    %mul3A_1301 = arith.mulf %squeeze3A_1257, %select_n3A_1280 : f32
    %sub3A_1302 = arith.constant 1.000000e+00 : f32
    %sub3A_1303 = arith.subf %select_n3A_1280, %sub3A_1302 : f32
    %jit3A_1304 = arith.constant 0.000000e+00 : f32
    %max3A_1305 = arith.maximumf %jit3A_1304, %mul3A_1301 : f32
    %min3A_1306 = arith.minimumf %sub3A_1303, %max3A_1305 : f32
    %convert_element_type3A_1307 = arith.fptosi %min3A_1306 : f32 to i32
    %convert_element_type3A_1308 = arith.sitofp %convert_element_type3A_1307 : i32 to f32
    %gt3A_1309 = arith.cmpf ogt, %convert_element_type3A_1308, %min3A_1306 : f32
    %convert_element_type3A_1310 = arith.extui %gt3A_1309 : i1 to i32
    %sub3A_1311 = arith.subi %convert_element_type3A_1307, %convert_element_type3A_1310 : i32
    %mul3A_1312 = arith.muli %select_n3A_1289, %select_n3A_1289 : i32
    %mul3A_1313 = arith.constant 8 : i32
    %mul3A_1314 = arith.muli %add3A, %mul3A_1313 : i32
    %add3A_1315 = arith.constant 5 : i32
    %add3A_1316 = arith.addi %mul3A_1314, %add3A_1315 : i32
    %jit3A_1317 = arith.constant 32 : i32
    %div3A_1318 = arith.divsi %add3A_1316, %jit3A_1317 : i32
    %sign3A_1319 = arith.constant 0 : i32
    %sign3A_1320 = arith.cmpi sgt, %add3A_1316, %sign3A_1319 : i32
    %sign3A_1321 = arith.extui %sign3A_1320 : i1 to i32
    %sign3A_1322 = arith.constant 0 : i32
    %sign3A_1323 = arith.cmpi slt, %add3A_1316, %sign3A_1322 : i32
    %sign3A_1324 = arith.extui %sign3A_1323 : i1 to i32
    %sign3A_1325 = arith.subi %sign3A_1321, %sign3A_1324 : i32
    %sign3A_1326 = arith.constant 0 : i32
    %sign3A_1327 = arith.cmpi sgt, %jit3A_1317, %sign3A_1326 : i32
    %sign3A_1328 = arith.extui %sign3A_1327 : i1 to i32
    %sign3A_1329 = arith.constant 0 : i32
    %sign3A_1330 = arith.cmpi slt, %jit3A_1317, %sign3A_1329 : i32
    %sign3A_1331 = arith.extui %sign3A_1330 : i1 to i32
    %sign3A_1332 = arith.subi %sign3A_1328, %sign3A_1331 : i32
    %ne3A_1333 = arith.cmpi ne, %sign3A_1325, %sign3A_1332 : i32
    %rem3A_1334 = arith.remsi %add3A_1316, %jit3A_1317 : i32
    %ne3A_1335 = arith.constant 0 : i32
    %ne3A_1336 = arith.cmpi ne, %rem3A_1334, %ne3A_1335 : i32
    %and3A_1337 = arith.andi %ne3A_1333, %ne3A_1336 : i1
    %sub3A_1338 = arith.constant 1 : i32
    %sub3A_1339 = arith.subi %div3A_1318, %sub3A_1338 : i32
    %select_n3A_1340 = arith.select %and3A_1337, %sub3A_1339, %div3A_1318 : i32
    %mul3A_1341 = arith.constant 85 : i32
    %mul3A_1342 = arith.muli %select_n3A_1340, %mul3A_1341 : i32
    %mul3A_1343 = arith.muli %mul3A_1342, %select_n3A_1289 : i32
    %add3A_1344 = arith.addi %mul3A_1343, %sub3A_1311 : i32
    %mul3A_1345 = arith.muli %add3A_1344, %select_n3A_1289 : i32
    %add3A_1346 = arith.addi %mul3A_1345, %sub3A_1300 : i32
    %iota3A_1347 = tpu.iota {dimensions = array<i32: 0>} : vector<16xi32>
    %add3A_1348 = arith.constant 0 : i32
    %add3A_1349 = vector.broadcast %add3A_1348 : i32 to vector<16xi32>
    %add3A_1350 = arith.addi %iota3A_1347, %add3A_1349 : vector<16xi32>
    %lt3A_1351 = arith.constant 85 : i32
    %lt3A_1352 = vector.broadcast %lt3A_1351 : i32 to vector<16xi32>
    %lt3A_1353 = arith.cmpi slt, %add3A_1350, %lt3A_1352 : vector<16xi32>
    %jit3A_1354 = arith.constant 0 : i32
    %broadcast_in_dim3A_1355 = vector.broadcast %jit3A_1354 : i32 to vector<16xi32>
    %select_n3A_1356 = arith.select %lt3A_1353, %add3A_1350, %broadcast_in_dim3A_1355 : vector<16xi1>, vector<16xi32>
    %mul3A_1357 = vector.broadcast %mul3A_1312 : i32 to vector<16xi32>
    %mul3A_1358 = arith.muli %select_n3A_1356, %mul3A_1357 : vector<16xi32>
    %add3A_1359 = vector.broadcast %add3A_1346 : i32 to vector<16xi32>
    %add3A_1360 = arith.addi %add3A_1359, %mul3A_1358 : vector<16xi32>
    %swap3A_1361 = arith.constant 5 : i32
    %swap3A_1362 = arith.index_cast %swap3A_1361 : i32 to index
    %swap3A_1363 = arith.constant 0 : index
    %swap3A_1364 = tpu.vector_load %arg8[%swap3A_1362, %swap3A_1363] {strides = array<i32>} : memref<8x128xi32, #tpu.memory_space<vmem>>, vector<1x16xi32>,
    %swap3A_1365 = vector.shape_cast %swap3A_1364 : vector<1x16xi32> to vector<16xi32>
    %swap3A_1366 = vector.shape_cast %add3A_1360 : vector<16xi32> to vector<1x16xi32>
    tpu.vector_store %arg8[%swap3A_1362, %swap3A_1363], %swap3A_1366 {strides = array<i32>} : memref<8x128xi32, #tpu.memory_space<vmem>>, vector<1x16xi32>,
    %iota3A_1367 = tpu.iota {dimensions = array<i32: 0>} : vector<16xi32>
    %add3A_1368 = arith.constant 16 : i32
    %add3A_1369 = vector.broadcast %add3A_1368 : i32 to vector<16xi32>
    %add3A_1370 = arith.addi %iota3A_1367, %add3A_1369 : vector<16xi32>
    %lt3A_1371 = arith.constant 85 : i32
    %lt3A_1372 = vector.broadcast %lt3A_1371 : i32 to vector<16xi32>
    %lt3A_1373 = arith.cmpi slt, %add3A_1370, %lt3A_1372 : vector<16xi32>
    %jit3A_1374 = arith.constant 0 : i32
    %broadcast_in_dim3A_1375 = vector.broadcast %jit3A_1374 : i32 to vector<16xi32>
    %select_n3A_1376 = arith.select %lt3A_1373, %add3A_1370, %broadcast_in_dim3A_1375 : vector<16xi1>, vector<16xi32>
    %mul3A_1377 = vector.broadcast %mul3A_1312 : i32 to vector<16xi32>
    %mul3A_1378 = arith.muli %select_n3A_1376, %mul3A_1377 : vector<16xi32>
    %add3A_1379 = vector.broadcast %add3A_1346 : i32 to vector<16xi32>
    %add3A_1380 = arith.addi %add3A_1379, %mul3A_1378 : vector<16xi32>
    %swap3A_1381 = arith.constant 5 : i32
    %swap3A_1382 = arith.index_cast %swap3A_1381 : i32 to index
    %swap3A_1383 = arith.constant 16 : index
    %swap3A_1384 = tpu.vector_load %arg8[%swap3A_1382, %swap3A_1383] {strides = array<i32>} : memref<8x128xi32, #tpu.memory_space<vmem>>, vector<1x16xi32>,
    %swap3A_1385 = vector.shape_cast %swap3A_1384 : vector<1x16xi32> to vector<16xi32>
    %swap3A_1386 = vector.shape_cast %add3A_1380 : vector<16xi32> to vector<1x16xi32>
    tpu.vector_store %arg8[%swap3A_1382, %swap3A_1383], %swap3A_1386 {strides = array<i32>} : memref<8x128xi32, #tpu.memory_space<vmem>>, vector<1x16xi32>,
    %iota3A_1387 = tpu.iota {dimensions = array<i32: 0>} : vector<16xi32>
    %add3A_1388 = arith.constant 32 : i32
    %add3A_1389 = vector.broadcast %add3A_1388 : i32 to vector<16xi32>
    %add3A_1390 = arith.addi %iota3A_1387, %add3A_1389 : vector<16xi32>
    %lt3A_1391 = arith.constant 85 : i32
    %lt3A_1392 = vector.broadcast %lt3A_1391 : i32 to vector<16xi32>
    %lt3A_1393 = arith.cmpi slt, %add3A_1390, %lt3A_1392 : vector<16xi32>
    %jit3A_1394 = arith.constant 0 : i32
    %broadcast_in_dim3A_1395 = vector.broadcast %jit3A_1394 : i32 to vector<16xi32>
    %select_n3A_1396 = arith.select %lt3A_1393, %add3A_1390, %broadcast_in_dim3A_1395 : vector<16xi1>, vector<16xi32>
    %mul3A_1397 = vector.broadcast %mul3A_1312 : i32 to vector<16xi32>
    %mul3A_1398 = arith.muli %select_n3A_1396, %mul3A_1397 : vector<16xi32>
    %add3A_1399 = vector.broadcast %add3A_1346 : i32 to vector<16xi32>
    %add3A_1400 = arith.addi %add3A_1399, %mul3A_1398 : vector<16xi32>
    %swap3A_1401 = arith.constant 5 : i32
    %swap3A_1402 = arith.index_cast %swap3A_1401 : i32 to index
    %swap3A_1403 = arith.constant 32 : index
    %swap3A_1404 = tpu.vector_load %arg8[%swap3A_1402, %swap3A_1403] {strides = array<i32>} : memref<8x128xi32, #tpu.memory_space<vmem>>, vector<1x16xi32>,
    %swap3A_1405 = vector.shape_cast %swap3A_1404 : vector<1x16xi32> to vector<16xi32>
    %swap3A_1406 = vector.shape_cast %add3A_1400 : vector<16xi32> to vector<1x16xi32>
    tpu.vector_store %arg8[%swap3A_1402, %swap3A_1403], %swap3A_1406 {strides = array<i32>} : memref<8x128xi32, #tpu.memory_space<vmem>>, vector<1x16xi32>,
    %iota3A_1407 = tpu.iota {dimensions = array<i32: 0>} : vector<16xi32>
    %add3A_1408 = arith.constant 48 : i32
    %add3A_1409 = vector.broadcast %add3A_1408 : i32 to vector<16xi32>
    %add3A_1410 = arith.addi %iota3A_1407, %add3A_1409 : vector<16xi32>
    %lt3A_1411 = arith.constant 85 : i32
    %lt3A_1412 = vector.broadcast %lt3A_1411 : i32 to vector<16xi32>
    %lt3A_1413 = arith.cmpi slt, %add3A_1410, %lt3A_1412 : vector<16xi32>
    %jit3A_1414 = arith.constant 0 : i32
    %broadcast_in_dim3A_1415 = vector.broadcast %jit3A_1414 : i32 to vector<16xi32>
    %select_n3A_1416 = arith.select %lt3A_1413, %add3A_1410, %broadcast_in_dim3A_1415 : vector<16xi1>, vector<16xi32>
    %mul3A_1417 = vector.broadcast %mul3A_1312 : i32 to vector<16xi32>
    %mul3A_1418 = arith.muli %select_n3A_1416, %mul3A_1417 : vector<16xi32>
    %add3A_1419 = vector.broadcast %add3A_1346 : i32 to vector<16xi32>
    %add3A_1420 = arith.addi %add3A_1419, %mul3A_1418 : vector<16xi32>
    %swap3A_1421 = arith.constant 5 : i32
    %swap3A_1422 = arith.index_cast %swap3A_1421 : i32 to index
    %swap3A_1423 = arith.constant 48 : index
    %swap3A_1424 = tpu.vector_load %arg8[%swap3A_1422, %swap3A_1423] {strides = array<i32>} : memref<8x128xi32, #tpu.memory_space<vmem>>, vector<1x16xi32>,
    %swap3A_1425 = vector.shape_cast %swap3A_1424 : vector<1x16xi32> to vector<16xi32>
    %swap3A_1426 = vector.shape_cast %add3A_1420 : vector<16xi32> to vector<1x16xi32>
    tpu.vector_store %arg8[%swap3A_1422, %swap3A_1423], %swap3A_1426 {strides = array<i32>} : memref<8x128xi32, #tpu.memory_space<vmem>>, vector<1x16xi32>,
    %iota3A_1427 = tpu.iota {dimensions = array<i32: 0>} : vector<16xi32>
    %add3A_1428 = arith.constant 64 : i32
    %add3A_1429 = vector.broadcast %add3A_1428 : i32 to vector<16xi32>
    %add3A_1430 = arith.addi %iota3A_1427, %add3A_1429 : vector<16xi32>
    %lt3A_1431 = arith.constant 85 : i32
    %lt3A_1432 = vector.broadcast %lt3A_1431 : i32 to vector<16xi32>
    %lt3A_1433 = arith.cmpi slt, %add3A_1430, %lt3A_1432 : vector<16xi32>
    %jit3A_1434 = arith.constant 0 : i32
    %broadcast_in_dim3A_1435 = vector.broadcast %jit3A_1434 : i32 to vector<16xi32>
    %select_n3A_1436 = arith.select %lt3A_1433, %add3A_1430, %broadcast_in_dim3A_1435 : vector<16xi1>, vector<16xi32>
    %mul3A_1437 = vector.broadcast %mul3A_1312 : i32 to vector<16xi32>
    %mul3A_1438 = arith.muli %select_n3A_1436, %mul3A_1437 : vector<16xi32>
    %add3A_1439 = vector.broadcast %add3A_1346 : i32 to vector<16xi32>
    %add3A_1440 = arith.addi %add3A_1439, %mul3A_1438 : vector<16xi32>
    %swap3A_1441 = arith.constant 5 : i32
    %swap3A_1442 = arith.index_cast %swap3A_1441 : i32 to index
    %swap3A_1443 = arith.constant 64 : index
    %swap3A_1444 = tpu.vector_load %arg8[%swap3A_1442, %swap3A_1443] {strides = array<i32>} : memref<8x128xi32, #tpu.memory_space<vmem>>, vector<1x16xi32>,
    %swap3A_1445 = vector.shape_cast %swap3A_1444 : vector<1x16xi32> to vector<16xi32>
    %swap3A_1446 = vector.shape_cast %add3A_1440 : vector<16xi32> to vector<1x16xi32>
    tpu.vector_store %arg8[%swap3A_1442, %swap3A_1443], %swap3A_1446 {strides = array<i32>} : memref<8x128xi32, #tpu.memory_space<vmem>>, vector<1x16xi32>,
    %iota3A_1447 = tpu.iota {dimensions = array<i32: 0>} : vector<16xi32>
    %add3A_1448 = arith.constant 80 : i32
    %add3A_1449 = vector.broadcast %add3A_1448 : i32 to vector<16xi32>
    %add3A_1450 = arith.addi %iota3A_1447, %add3A_1449 : vector<16xi32>
    %lt3A_1451 = arith.constant 85 : i32
    %lt3A_1452 = vector.broadcast %lt3A_1451 : i32 to vector<16xi32>
    %lt3A_1453 = arith.cmpi slt, %add3A_1450, %lt3A_1452 : vector<16xi32>
    %jit3A_1454 = arith.constant 0 : i32
    %broadcast_in_dim3A_1455 = vector.broadcast %jit3A_1454 : i32 to vector<16xi32>
    %select_n3A_1456 = arith.select %lt3A_1453, %add3A_1450, %broadcast_in_dim3A_1455 : vector<16xi1>, vector<16xi32>
    %mul3A_1457 = vector.broadcast %mul3A_1312 : i32 to vector<16xi32>
    %mul3A_1458 = arith.muli %select_n3A_1456, %mul3A_1457 : vector<16xi32>
    %add3A_1459 = vector.broadcast %add3A_1346 : i32 to vector<16xi32>
    %add3A_1460 = arith.addi %add3A_1459, %mul3A_1458 : vector<16xi32>
    %swap3A_1461 = arith.constant 5 : i32
    %swap3A_1462 = arith.index_cast %swap3A_1461 : i32 to index
    %swap3A_1463 = arith.constant 80 : index
    %swap3A_1464 = tpu.vector_load %arg8[%swap3A_1462, %swap3A_1463] {strides = array<i32>} : memref<8x128xi32, #tpu.memory_space<vmem>>, vector<1x16xi32>,
    %swap3A_1465 = vector.shape_cast %swap3A_1464 : vector<1x16xi32> to vector<16xi32>
    %swap3A_1466 = vector.shape_cast %add3A_1460 : vector<16xi32> to vector<1x16xi32>
    tpu.vector_store %arg8[%swap3A_1462, %swap3A_1463], %swap3A_1466 {strides = array<i32>} : memref<8x128xi32, #tpu.memory_space<vmem>>, vector<1x16xi32>,
    %iota3A_1467 = tpu.iota {dimensions = array<i32: 0>} : vector<16xi32>
    %add3A_1468 = arith.constant 96 : i32
    %add3A_1469 = vector.broadcast %add3A_1468 : i32 to vector<16xi32>
    %add3A_1470 = arith.addi %iota3A_1467, %add3A_1469 : vector<16xi32>
    %lt3A_1471 = arith.constant 85 : i32
    %lt3A_1472 = vector.broadcast %lt3A_1471 : i32 to vector<16xi32>
    %lt3A_1473 = arith.cmpi slt, %add3A_1470, %lt3A_1472 : vector<16xi32>
    %jit3A_1474 = arith.constant 0 : i32
    %broadcast_in_dim3A_1475 = vector.broadcast %jit3A_1474 : i32 to vector<16xi32>
    %select_n3A_1476 = arith.select %lt3A_1473, %add3A_1470, %broadcast_in_dim3A_1475 : vector<16xi1>, vector<16xi32>
    %mul3A_1477 = vector.broadcast %mul3A_1312 : i32 to vector<16xi32>
    %mul3A_1478 = arith.muli %select_n3A_1476, %mul3A_1477 : vector<16xi32>
    %add3A_1479 = vector.broadcast %add3A_1346 : i32 to vector<16xi32>
    %add3A_1480 = arith.addi %add3A_1479, %mul3A_1478 : vector<16xi32>
    %swap3A_1481 = arith.constant 5 : i32
    %swap3A_1482 = arith.index_cast %swap3A_1481 : i32 to index
    %swap3A_1483 = arith.constant 96 : index
    %swap3A_1484 = tpu.vector_load %arg8[%swap3A_1482, %swap3A_1483] {strides = array<i32>} : memref<8x128xi32, #tpu.memory_space<vmem>>, vector<1x16xi32>,
    %swap3A_1485 = vector.shape_cast %swap3A_1484 : vector<1x16xi32> to vector<16xi32>
    %swap3A_1486 = vector.shape_cast %add3A_1480 : vector<16xi32> to vector<1x16xi32>
    tpu.vector_store %arg8[%swap3A_1482, %swap3A_1483], %swap3A_1486 {strides = array<i32>} : memref<8x128xi32, #tpu.memory_space<vmem>>, vector<1x16xi32>,
    %iota3A_1487 = tpu.iota {dimensions = array<i32: 0>} : vector<16xi32>
    %add3A_1488 = arith.constant 112 : i32
    %add3A_1489 = vector.broadcast %add3A_1488 : i32 to vector<16xi32>
    %add3A_1490 = arith.addi %iota3A_1487, %add3A_1489 : vector<16xi32>
    %lt3A_1491 = arith.constant 85 : i32
    %lt3A_1492 = vector.broadcast %lt3A_1491 : i32 to vector<16xi32>
    %lt3A_1493 = arith.cmpi slt, %add3A_1490, %lt3A_1492 : vector<16xi32>
    %jit3A_1494 = arith.constant 0 : i32
    %broadcast_in_dim3A_1495 = vector.broadcast %jit3A_1494 : i32 to vector<16xi32>
    %select_n3A_1496 = arith.select %lt3A_1493, %add3A_1490, %broadcast_in_dim3A_1495 : vector<16xi1>, vector<16xi32>
    %mul3A_1497 = vector.broadcast %mul3A_1312 : i32 to vector<16xi32>
    %mul3A_1498 = arith.muli %select_n3A_1496, %mul3A_1497 : vector<16xi32>
    %add3A_1499 = vector.broadcast %add3A_1346 : i32 to vector<16xi32>
    %add3A_1500 = arith.addi %add3A_1499, %mul3A_1498 : vector<16xi32>
    %swap3A_1501 = arith.constant 5 : i32
    %swap3A_1502 = arith.index_cast %swap3A_1501 : i32 to index
    %swap3A_1503 = arith.constant 112 : index
    %swap3A_1504 = tpu.vector_load %arg8[%swap3A_1502, %swap3A_1503] {strides = array<i32>} : memref<8x128xi32, #tpu.memory_space<vmem>>, vector<1x16xi32>,
    %swap3A_1505 = vector.shape_cast %swap3A_1504 : vector<1x16xi32> to vector<16xi32>
    %swap3A_1506 = vector.shape_cast %add3A_1500 : vector<16xi32> to vector<1x16xi32>
    tpu.vector_store %arg8[%swap3A_1502, %swap3A_1503], %swap3A_1506 {strides = array<i32>} : memref<8x128xi32, #tpu.memory_space<vmem>>, vector<1x16xi32>,
    %slice3A_1507 = vector.extract_strided_slice %get3A_7 {offsets = [8], sizes = [1], strides = [1]} : vector<16xf32> to vector<1xf32>
    %squeeze3A_1508 = vector.extract %slice3A_1507[0] : f32 from vector<1xf32>
    %slice3A_1509 = vector.extract_strided_slice %get3A_7 {offsets = [9], sizes = [1], strides = [1]} : vector<16xf32> to vector<1xf32>
    %squeeze3A_1510 = vector.extract %slice3A_1509[0] : f32 from vector<1xf32>
    %slice3A_1511 = vector.extract_strided_slice %get3A_7 {offsets = [10], sizes = [1], strides = [1]} : vector<16xf32> to vector<1xf32>
    %squeeze3A_1512 = vector.extract %slice3A_1511[0] : f32 from vector<1xf32>
    %slice3A_1513 = vector.extract_strided_slice %get3A_7 {offsets = [11], sizes = [1], strides = [1]} : vector<16xf32> to vector<1xf32>
    %squeeze3A_1514 = vector.extract %slice3A_1513[0] : f32 from vector<1xf32>
    %mul3A_1515 = arith.mulf %squeeze3A_1512, %squeeze3A_1514 : f32
    %lt3A_1516 = arith.constant 2.000000e-02 : f32
    %lt3A_1517 = arith.cmpf olt, %mul3A_1515, %lt3A_1516 : f32
    %lt3A_1518 = arith.constant 1.000000e-01 : f32
    %lt3A_1519 = arith.cmpf olt, %mul3A_1515, %lt3A_1518 : f32
    %jit3A_1520 = arith.constant 1 : i32
    %jit3A_1521 = arith.constant 2 : i32
    %select_n3A_1522 = arith.select %lt3A_1519, %jit3A_1520, %jit3A_1521 : i32
    %jit3A_1523 = arith.constant 0 : i32
    %select_n3A_1524 = arith.select %lt3A_1517, %jit3A_1523, %select_n3A_1522 : i32
    %eq3A_1525 = arith.constant 0 : i32
    %eq3A_1526 = arith.cmpi eq, %select_n3A_1524, %eq3A_1525 : i32
    %eq3A_1527 = arith.constant 1 : i32
    %eq3A_1528 = arith.cmpi eq, %select_n3A_1524, %eq3A_1527 : i32
    %jit3A_1529 = arith.constant 4.000000e+01 : f32
    %jit3A_1530 = arith.constant 2.000000e+01 : f32
    %select_n3A_1531 = arith.select %eq3A_1528, %jit3A_1529, %jit3A_1530 : f32
    %jit3A_1532 = arith.constant 8.000000e+01 : f32
    %select_n3A_1533 = arith.select %eq3A_1526, %jit3A_1532, %select_n3A_1531 : f32
    %eq3A_1534 = arith.constant 0 : i32
    %eq3A_1535 = arith.cmpi eq, %select_n3A_1524, %eq3A_1534 : i32
    %eq3A_1536 = arith.constant 1 : i32
    %eq3A_1537 = arith.cmpi eq, %select_n3A_1524, %eq3A_1536 : i32
    %jit3A_1538 = arith.constant 40 : i32
    %jit3A_1539 = arith.constant 20 : i32
    %select_n3A_1540 = arith.select %eq3A_1537, %jit3A_1538, %jit3A_1539 : i32
    %jit3A_1541 = arith.constant 80 : i32
    %select_n3A_1542 = arith.select %eq3A_1535, %jit3A_1541, %select_n3A_1540 : i32
    %mul3A_1543 = arith.mulf %squeeze3A_1508, %select_n3A_1533 : f32
    %sub3A_1544 = arith.constant 1.000000e+00 : f32
    %sub3A_1545 = arith.subf %select_n3A_1533, %sub3A_1544 : f32
    %jit3A_1546 = arith.constant 0.000000e+00 : f32
    %max3A_1547 = arith.maximumf %jit3A_1546, %mul3A_1543 : f32
    %min3A_1548 = arith.minimumf %sub3A_1545, %max3A_1547 : f32
    %convert_element_type3A_1549 = arith.fptosi %min3A_1548 : f32 to i32
    %convert_element_type3A_1550 = arith.sitofp %convert_element_type3A_1549 : i32 to f32
    %gt3A_1551 = arith.cmpf ogt, %convert_element_type3A_1550, %min3A_1548 : f32
    %convert_element_type3A_1552 = arith.extui %gt3A_1551 : i1 to i32
    %sub3A_1553 = arith.subi %convert_element_type3A_1549, %convert_element_type3A_1552 : i32
    %mul3A_1554 = arith.mulf %squeeze3A_1510, %select_n3A_1533 : f32
    %sub3A_1555 = arith.constant 1.000000e+00 : f32
    %sub3A_1556 = arith.subf %select_n3A_1533, %sub3A_1555 : f32
    %jit3A_1557 = arith.constant 0.000000e+00 : f32
    %max3A_1558 = arith.maximumf %jit3A_1557, %mul3A_1554 : f32
    %min3A_1559 = arith.minimumf %sub3A_1556, %max3A_1558 : f32
    %convert_element_type3A_1560 = arith.fptosi %min3A_1559 : f32 to i32
    %convert_element_type3A_1561 = arith.sitofp %convert_element_type3A_1560 : i32 to f32
    %gt3A_1562 = arith.cmpf ogt, %convert_element_type3A_1561, %min3A_1559 : f32
    %convert_element_type3A_1563 = arith.extui %gt3A_1562 : i1 to i32
    %sub3A_1564 = arith.subi %convert_element_type3A_1560, %convert_element_type3A_1563 : i32
    %mul3A_1565 = arith.muli %select_n3A_1542, %select_n3A_1542 : i32
    %mul3A_1566 = arith.constant 8 : i32
    %mul3A_1567 = arith.muli %add3A, %mul3A_1566 : i32
    %add3A_1568 = arith.constant 6 : i32
    %add3A_1569 = arith.addi %mul3A_1567, %add3A_1568 : i32
    %jit3A_1570 = arith.constant 32 : i32
    %div3A_1571 = arith.divsi %add3A_1569, %jit3A_1570 : i32
    %sign3A_1572 = arith.constant 0 : i32
    %sign3A_1573 = arith.cmpi sgt, %add3A_1569, %sign3A_1572 : i32
    %sign3A_1574 = arith.extui %sign3A_1573 : i1 to i32
    %sign3A_1575 = arith.constant 0 : i32
    %sign3A_1576 = arith.cmpi slt, %add3A_1569, %sign3A_1575 : i32
    %sign3A_1577 = arith.extui %sign3A_1576 : i1 to i32
    %sign3A_1578 = arith.subi %sign3A_1574, %sign3A_1577 : i32
    %sign3A_1579 = arith.constant 0 : i32
    %sign3A_1580 = arith.cmpi sgt, %jit3A_1570, %sign3A_1579 : i32
    %sign3A_1581 = arith.extui %sign3A_1580 : i1 to i32
    %sign3A_1582 = arith.constant 0 : i32
    %sign3A_1583 = arith.cmpi slt, %jit3A_1570, %sign3A_1582 : i32
    %sign3A_1584 = arith.extui %sign3A_1583 : i1 to i32
    %sign3A_1585 = arith.subi %sign3A_1581, %sign3A_1584 : i32
    %ne3A_1586 = arith.cmpi ne, %sign3A_1578, %sign3A_1585 : i32
    %rem3A_1587 = arith.remsi %add3A_1569, %jit3A_1570 : i32
    %ne3A_1588 = arith.constant 0 : i32
    %ne3A_1589 = arith.cmpi ne, %rem3A_1587, %ne3A_1588 : i32
    %and3A_1590 = arith.andi %ne3A_1586, %ne3A_1589 : i1
    %sub3A_1591 = arith.constant 1 : i32
    %sub3A_1592 = arith.subi %div3A_1571, %sub3A_1591 : i32
    %select_n3A_1593 = arith.select %and3A_1590, %sub3A_1592, %div3A_1571 : i32
    %mul3A_1594 = arith.constant 85 : i32
    %mul3A_1595 = arith.muli %select_n3A_1593, %mul3A_1594 : i32
    %mul3A_1596 = arith.muli %mul3A_1595, %select_n3A_1542 : i32
    %add3A_1597 = arith.addi %mul3A_1596, %sub3A_1564 : i32
    %mul3A_1598 = arith.muli %add3A_1597, %select_n3A_1542 : i32
    %add3A_1599 = arith.addi %mul3A_1598, %sub3A_1553 : i32
    %iota3A_1600 = tpu.iota {dimensions = array<i32: 0>} : vector<16xi32>
    %add3A_1601 = arith.constant 0 : i32
    %add3A_1602 = vector.broadcast %add3A_1601 : i32 to vector<16xi32>
    %add3A_1603 = arith.addi %iota3A_1600, %add3A_1602 : vector<16xi32>
    %lt3A_1604 = arith.constant 85 : i32
    %lt3A_1605 = vector.broadcast %lt3A_1604 : i32 to vector<16xi32>
    %lt3A_1606 = arith.cmpi slt, %add3A_1603, %lt3A_1605 : vector<16xi32>
    %jit3A_1607 = arith.constant 0 : i32
    %broadcast_in_dim3A_1608 = vector.broadcast %jit3A_1607 : i32 to vector<16xi32>
    %select_n3A_1609 = arith.select %lt3A_1606, %add3A_1603, %broadcast_in_dim3A_1608 : vector<16xi1>, vector<16xi32>
    %mul3A_1610 = vector.broadcast %mul3A_1565 : i32 to vector<16xi32>
    %mul3A_1611 = arith.muli %select_n3A_1609, %mul3A_1610 : vector<16xi32>
    %add3A_1612 = vector.broadcast %add3A_1599 : i32 to vector<16xi32>
    %add3A_1613 = arith.addi %add3A_1612, %mul3A_1611 : vector<16xi32>
    %swap3A_1614 = arith.constant 6 : i32
    %swap3A_1615 = arith.index_cast %swap3A_1614 : i32 to index
    %swap3A_1616 = arith.constant 0 : index
    %swap3A_1617 = tpu.vector_load %arg8[%swap3A_1615, %swap3A_1616] {strides = array<i32>} : memref<8x128xi32, #tpu.memory_space<vmem>>, vector<1x16xi32>,
    %swap3A_1618 = vector.shape_cast %swap3A_1617 : vector<1x16xi32> to vector<16xi32>
    %swap3A_1619 = vector.shape_cast %add3A_1613 : vector<16xi32> to vector<1x16xi32>
    tpu.vector_store %arg8[%swap3A_1615, %swap3A_1616], %swap3A_1619 {strides = array<i32>} : memref<8x128xi32, #tpu.memory_space<vmem>>, vector<1x16xi32>,
    %iota3A_1620 = tpu.iota {dimensions = array<i32: 0>} : vector<16xi32>
    %add3A_1621 = arith.constant 16 : i32
    %add3A_1622 = vector.broadcast %add3A_1621 : i32 to vector<16xi32>
    %add3A_1623 = arith.addi %iota3A_1620, %add3A_1622 : vector<16xi32>
    %lt3A_1624 = arith.constant 85 : i32
    %lt3A_1625 = vector.broadcast %lt3A_1624 : i32 to vector<16xi32>
    %lt3A_1626 = arith.cmpi slt, %add3A_1623, %lt3A_1625 : vector<16xi32>
    %jit3A_1627 = arith.constant 0 : i32
    %broadcast_in_dim3A_1628 = vector.broadcast %jit3A_1627 : i32 to vector<16xi32>
    %select_n3A_1629 = arith.select %lt3A_1626, %add3A_1623, %broadcast_in_dim3A_1628 : vector<16xi1>, vector<16xi32>
    %mul3A_1630 = vector.broadcast %mul3A_1565 : i32 to vector<16xi32>
    %mul3A_1631 = arith.muli %select_n3A_1629, %mul3A_1630 : vector<16xi32>
    %add3A_1632 = vector.broadcast %add3A_1599 : i32 to vector<16xi32>
    %add3A_1633 = arith.addi %add3A_1632, %mul3A_1631 : vector<16xi32>
    %swap3A_1634 = arith.constant 6 : i32
    %swap3A_1635 = arith.index_cast %swap3A_1634 : i32 to index
    %swap3A_1636 = arith.constant 16 : index
    %swap3A_1637 = tpu.vector_load %arg8[%swap3A_1635, %swap3A_1636] {strides = array<i32>} : memref<8x128xi32, #tpu.memory_space<vmem>>, vector<1x16xi32>,
    %swap3A_1638 = vector.shape_cast %swap3A_1637 : vector<1x16xi32> to vector<16xi32>
    %swap3A_1639 = vector.shape_cast %add3A_1633 : vector<16xi32> to vector<1x16xi32>
    tpu.vector_store %arg8[%swap3A_1635, %swap3A_1636], %swap3A_1639 {strides = array<i32>} : memref<8x128xi32, #tpu.memory_space<vmem>>, vector<1x16xi32>,
    %iota3A_1640 = tpu.iota {dimensions = array<i32: 0>} : vector<16xi32>
    %add3A_1641 = arith.constant 32 : i32
    %add3A_1642 = vector.broadcast %add3A_1641 : i32 to vector<16xi32>
    %add3A_1643 = arith.addi %iota3A_1640, %add3A_1642 : vector<16xi32>
    %lt3A_1644 = arith.constant 85 : i32
    %lt3A_1645 = vector.broadcast %lt3A_1644 : i32 to vector<16xi32>
    %lt3A_1646 = arith.cmpi slt, %add3A_1643, %lt3A_1645 : vector<16xi32>
    %jit3A_1647 = arith.constant 0 : i32
    %broadcast_in_dim3A_1648 = vector.broadcast %jit3A_1647 : i32 to vector<16xi32>
    %select_n3A_1649 = arith.select %lt3A_1646, %add3A_1643, %broadcast_in_dim3A_1648 : vector<16xi1>, vector<16xi32>
    %mul3A_1650 = vector.broadcast %mul3A_1565 : i32 to vector<16xi32>
    %mul3A_1651 = arith.muli %select_n3A_1649, %mul3A_1650 : vector<16xi32>
    %add3A_1652 = vector.broadcast %add3A_1599 : i32 to vector<16xi32>
    %add3A_1653 = arith.addi %add3A_1652, %mul3A_1651 : vector<16xi32>
    %swap3A_1654 = arith.constant 6 : i32
    %swap3A_1655 = arith.index_cast %swap3A_1654 : i32 to index
    %swap3A_1656 = arith.constant 32 : index
    %swap3A_1657 = tpu.vector_load %arg8[%swap3A_1655, %swap3A_1656] {strides = array<i32>} : memref<8x128xi32, #tpu.memory_space<vmem>>, vector<1x16xi32>,
    %swap3A_1658 = vector.shape_cast %swap3A_1657 : vector<1x16xi32> to vector<16xi32>
    %swap3A_1659 = vector.shape_cast %add3A_1653 : vector<16xi32> to vector<1x16xi32>
    tpu.vector_store %arg8[%swap3A_1655, %swap3A_1656], %swap3A_1659 {strides = array<i32>} : memref<8x128xi32, #tpu.memory_space<vmem>>, vector<1x16xi32>,
    %iota3A_1660 = tpu.iota {dimensions = array<i32: 0>} : vector<16xi32>
    %add3A_1661 = arith.constant 48 : i32
    %add3A_1662 = vector.broadcast %add3A_1661 : i32 to vector<16xi32>
    %add3A_1663 = arith.addi %iota3A_1660, %add3A_1662 : vector<16xi32>
    %lt3A_1664 = arith.constant 85 : i32
    %lt3A_1665 = vector.broadcast %lt3A_1664 : i32 to vector<16xi32>
    %lt3A_1666 = arith.cmpi slt, %add3A_1663, %lt3A_1665 : vector<16xi32>
    %jit3A_1667 = arith.constant 0 : i32
    %broadcast_in_dim3A_1668 = vector.broadcast %jit3A_1667 : i32 to vector<16xi32>
    %select_n3A_1669 = arith.select %lt3A_1666, %add3A_1663, %broadcast_in_dim3A_1668 : vector<16xi1>, vector<16xi32>
    %mul3A_1670 = vector.broadcast %mul3A_1565 : i32 to vector<16xi32>
    %mul3A_1671 = arith.muli %select_n3A_1669, %mul3A_1670 : vector<16xi32>
    %add3A_1672 = vector.broadcast %add3A_1599 : i32 to vector<16xi32>
    %add3A_1673 = arith.addi %add3A_1672, %mul3A_1671 : vector<16xi32>
    %swap3A_1674 = arith.constant 6 : i32
    %swap3A_1675 = arith.index_cast %swap3A_1674 : i32 to index
    %swap3A_1676 = arith.constant 48 : index
    %swap3A_1677 = tpu.vector_load %arg8[%swap3A_1675, %swap3A_1676] {strides = array<i32>} : memref<8x128xi32, #tpu.memory_space<vmem>>, vector<1x16xi32>,
    %swap3A_1678 = vector.shape_cast %swap3A_1677 : vector<1x16xi32> to vector<16xi32>
    %swap3A_1679 = vector.shape_cast %add3A_1673 : vector<16xi32> to vector<1x16xi32>
    tpu.vector_store %arg8[%swap3A_1675, %swap3A_1676], %swap3A_1679 {strides = array<i32>} : memref<8x128xi32, #tpu.memory_space<vmem>>, vector<1x16xi32>,
    %iota3A_1680 = tpu.iota {dimensions = array<i32: 0>} : vector<16xi32>
    %add3A_1681 = arith.constant 64 : i32
    %add3A_1682 = vector.broadcast %add3A_1681 : i32 to vector<16xi32>
    %add3A_1683 = arith.addi %iota3A_1680, %add3A_1682 : vector<16xi32>
    %lt3A_1684 = arith.constant 85 : i32
    %lt3A_1685 = vector.broadcast %lt3A_1684 : i32 to vector<16xi32>
    %lt3A_1686 = arith.cmpi slt, %add3A_1683, %lt3A_1685 : vector<16xi32>
    %jit3A_1687 = arith.constant 0 : i32
    %broadcast_in_dim3A_1688 = vector.broadcast %jit3A_1687 : i32 to vector<16xi32>
    %select_n3A_1689 = arith.select %lt3A_1686, %add3A_1683, %broadcast_in_dim3A_1688 : vector<16xi1>, vector<16xi32>
    %mul3A_1690 = vector.broadcast %mul3A_1565 : i32 to vector<16xi32>
    %mul3A_1691 = arith.muli %select_n3A_1689, %mul3A_1690 : vector<16xi32>
    %add3A_1692 = vector.broadcast %add3A_1599 : i32 to vector<16xi32>
    %add3A_1693 = arith.addi %add3A_1692, %mul3A_1691 : vector<16xi32>
    %swap3A_1694 = arith.constant 6 : i32
    %swap3A_1695 = arith.index_cast %swap3A_1694 : i32 to index
    %swap3A_1696 = arith.constant 64 : index
    %swap3A_1697 = tpu.vector_load %arg8[%swap3A_1695, %swap3A_1696] {strides = array<i32>} : memref<8x128xi32, #tpu.memory_space<vmem>>, vector<1x16xi32>,
    %swap3A_1698 = vector.shape_cast %swap3A_1697 : vector<1x16xi32> to vector<16xi32>
    %swap3A_1699 = vector.shape_cast %add3A_1693 : vector<16xi32> to vector<1x16xi32>
    tpu.vector_store %arg8[%swap3A_1695, %swap3A_1696], %swap3A_1699 {strides = array<i32>} : memref<8x128xi32, #tpu.memory_space<vmem>>, vector<1x16xi32>,
    %iota3A_1700 = tpu.iota {dimensions = array<i32: 0>} : vector<16xi32>
    %add3A_1701 = arith.constant 80 : i32
    %add3A_1702 = vector.broadcast %add3A_1701 : i32 to vector<16xi32>
    %add3A_1703 = arith.addi %iota3A_1700, %add3A_1702 : vector<16xi32>
    %lt3A_1704 = arith.constant 85 : i32
    %lt3A_1705 = vector.broadcast %lt3A_1704 : i32 to vector<16xi32>
    %lt3A_1706 = arith.cmpi slt, %add3A_1703, %lt3A_1705 : vector<16xi32>
    %jit3A_1707 = arith.constant 0 : i32
    %broadcast_in_dim3A_1708 = vector.broadcast %jit3A_1707 : i32 to vector<16xi32>
    %select_n3A_1709 = arith.select %lt3A_1706, %add3A_1703, %broadcast_in_dim3A_1708 : vector<16xi1>, vector<16xi32>
    %mul3A_1710 = vector.broadcast %mul3A_1565 : i32 to vector<16xi32>
    %mul3A_1711 = arith.muli %select_n3A_1709, %mul3A_1710 : vector<16xi32>
    %add3A_1712 = vector.broadcast %add3A_1599 : i32 to vector<16xi32>
    %add3A_1713 = arith.addi %add3A_1712, %mul3A_1711 : vector<16xi32>
    %swap3A_1714 = arith.constant 6 : i32
    %swap3A_1715 = arith.index_cast %swap3A_1714 : i32 to index
    %swap3A_1716 = arith.constant 80 : index
    %swap3A_1717 = tpu.vector_load %arg8[%swap3A_1715, %swap3A_1716] {strides = array<i32>} : memref<8x128xi32, #tpu.memory_space<vmem>>, vector<1x16xi32>,
    %swap3A_1718 = vector.shape_cast %swap3A_1717 : vector<1x16xi32> to vector<16xi32>
    %swap3A_1719 = vector.shape_cast %add3A_1713 : vector<16xi32> to vector<1x16xi32>
    tpu.vector_store %arg8[%swap3A_1715, %swap3A_1716], %swap3A_1719 {strides = array<i32>} : memref<8x128xi32, #tpu.memory_space<vmem>>, vector<1x16xi32>,
    %iota3A_1720 = tpu.iota {dimensions = array<i32: 0>} : vector<16xi32>
    %add3A_1721 = arith.constant 96 : i32
    %add3A_1722 = vector.broadcast %add3A_1721 : i32 to vector<16xi32>
    %add3A_1723 = arith.addi %iota3A_1720, %add3A_1722 : vector<16xi32>
    %lt3A_1724 = arith.constant 85 : i32
    %lt3A_1725 = vector.broadcast %lt3A_1724 : i32 to vector<16xi32>
    %lt3A_1726 = arith.cmpi slt, %add3A_1723, %lt3A_1725 : vector<16xi32>
    %jit3A_1727 = arith.constant 0 : i32
    %broadcast_in_dim3A_1728 = vector.broadcast %jit3A_1727 : i32 to vector<16xi32>
    %select_n3A_1729 = arith.select %lt3A_1726, %add3A_1723, %broadcast_in_dim3A_1728 : vector<16xi1>, vector<16xi32>
    %mul3A_1730 = vector.broadcast %mul3A_1565 : i32 to vector<16xi32>
    %mul3A_1731 = arith.muli %select_n3A_1729, %mul3A_1730 : vector<16xi32>
    %add3A_1732 = vector.broadcast %add3A_1599 : i32 to vector<16xi32>
    %add3A_1733 = arith.addi %add3A_1732, %mul3A_1731 : vector<16xi32>
    %swap3A_1734 = arith.constant 6 : i32
    %swap3A_1735 = arith.index_cast %swap3A_1734 : i32 to index
    %swap3A_1736 = arith.constant 96 : index
    %swap3A_1737 = tpu.vector_load %arg8[%swap3A_1735, %swap3A_1736] {strides = array<i32>} : memref<8x128xi32, #tpu.memory_space<vmem>>, vector<1x16xi32>,
    %swap3A_1738 = vector.shape_cast %swap3A_1737 : vector<1x16xi32> to vector<16xi32>
    %swap3A_1739 = vector.shape_cast %add3A_1733 : vector<16xi32> to vector<1x16xi32>
    tpu.vector_store %arg8[%swap3A_1735, %swap3A_1736], %swap3A_1739 {strides = array<i32>} : memref<8x128xi32, #tpu.memory_space<vmem>>, vector<1x16xi32>,
    %iota3A_1740 = tpu.iota {dimensions = array<i32: 0>} : vector<16xi32>
    %add3A_1741 = arith.constant 112 : i32
    %add3A_1742 = vector.broadcast %add3A_1741 : i32 to vector<16xi32>
    %add3A_1743 = arith.addi %iota3A_1740, %add3A_1742 : vector<16xi32>
    %lt3A_1744 = arith.constant 85 : i32
    %lt3A_1745 = vector.broadcast %lt3A_1744 : i32 to vector<16xi32>
    %lt3A_1746 = arith.cmpi slt, %add3A_1743, %lt3A_1745 : vector<16xi32>
    %jit3A_1747 = arith.constant 0 : i32
    %broadcast_in_dim3A_1748 = vector.broadcast %jit3A_1747 : i32 to vector<16xi32>
    %select_n3A_1749 = arith.select %lt3A_1746, %add3A_1743, %broadcast_in_dim3A_1748 : vector<16xi1>, vector<16xi32>
    %mul3A_1750 = vector.broadcast %mul3A_1565 : i32 to vector<16xi32>
    %mul3A_1751 = arith.muli %select_n3A_1749, %mul3A_1750 : vector<16xi32>
    %add3A_1752 = vector.broadcast %add3A_1599 : i32 to vector<16xi32>
    %add3A_1753 = arith.addi %add3A_1752, %mul3A_1751 : vector<16xi32>
    %swap3A_1754 = arith.constant 6 : i32
    %swap3A_1755 = arith.index_cast %swap3A_1754 : i32 to index
    %swap3A_1756 = arith.constant 112 : index
    %swap3A_1757 = tpu.vector_load %arg8[%swap3A_1755, %swap3A_1756] {strides = array<i32>} : memref<8x128xi32, #tpu.memory_space<vmem>>, vector<1x16xi32>,
    %swap3A_1758 = vector.shape_cast %swap3A_1757 : vector<1x16xi32> to vector<16xi32>
    %swap3A_1759 = vector.shape_cast %add3A_1753 : vector<16xi32> to vector<1x16xi32>
    tpu.vector_store %arg8[%swap3A_1755, %swap3A_1756], %swap3A_1759 {strides = array<i32>} : memref<8x128xi32, #tpu.memory_space<vmem>>, vector<1x16xi32>,
    %slice3A_1760 = vector.extract_strided_slice %get3A_7 {offsets = [12], sizes = [1], strides = [1]} : vector<16xf32> to vector<1xf32>
    %squeeze3A_1761 = vector.extract %slice3A_1760[0] : f32 from vector<1xf32>
    %slice3A_1762 = vector.extract_strided_slice %get3A_7 {offsets = [13], sizes = [1], strides = [1]} : vector<16xf32> to vector<1xf32>
    %squeeze3A_1763 = vector.extract %slice3A_1762[0] : f32 from vector<1xf32>
    %slice3A_1764 = vector.extract_strided_slice %get3A_7 {offsets = [14], sizes = [1], strides = [1]} : vector<16xf32> to vector<1xf32>
    %squeeze3A_1765 = vector.extract %slice3A_1764[0] : f32 from vector<1xf32>
    %slice3A_1766 = vector.extract_strided_slice %get3A_7 {offsets = [15], sizes = [1], strides = [1]} : vector<16xf32> to vector<1xf32>
    %squeeze3A_1767 = vector.extract %slice3A_1766[0] : f32 from vector<1xf32>
    %mul3A_1768 = arith.mulf %squeeze3A_1765, %squeeze3A_1767 : f32
    %lt3A_1769 = arith.constant 2.000000e-02 : f32
    %lt3A_1770 = arith.cmpf olt, %mul3A_1768, %lt3A_1769 : f32
    %lt3A_1771 = arith.constant 1.000000e-01 : f32
    %lt3A_1772 = arith.cmpf olt, %mul3A_1768, %lt3A_1771 : f32
    %jit3A_1773 = arith.constant 1 : i32
    %jit3A_1774 = arith.constant 2 : i32
    %select_n3A_1775 = arith.select %lt3A_1772, %jit3A_1773, %jit3A_1774 : i32
    %jit3A_1776 = arith.constant 0 : i32
    %select_n3A_1777 = arith.select %lt3A_1770, %jit3A_1776, %select_n3A_1775 : i32
    %eq3A_1778 = arith.constant 0 : i32
    %eq3A_1779 = arith.cmpi eq, %select_n3A_1777, %eq3A_1778 : i32
    %eq3A_1780 = arith.constant 1 : i32
    %eq3A_1781 = arith.cmpi eq, %select_n3A_1777, %eq3A_1780 : i32
    %jit3A_1782 = arith.constant 4.000000e+01 : f32
    %jit3A_1783 = arith.constant 2.000000e+01 : f32
    %select_n3A_1784 = arith.select %eq3A_1781, %jit3A_1782, %jit3A_1783 : f32
    %jit3A_1785 = arith.constant 8.000000e+01 : f32
    %select_n3A_1786 = arith.select %eq3A_1779, %jit3A_1785, %select_n3A_1784 : f32
    %eq3A_1787 = arith.constant 0 : i32
    %eq3A_1788 = arith.cmpi eq, %select_n3A_1777, %eq3A_1787 : i32
    %eq3A_1789 = arith.constant 1 : i32
    %eq3A_1790 = arith.cmpi eq, %select_n3A_1777, %eq3A_1789 : i32
    %jit3A_1791 = arith.constant 40 : i32
    %jit3A_1792 = arith.constant 20 : i32
    %select_n3A_1793 = arith.select %eq3A_1790, %jit3A_1791, %jit3A_1792 : i32
    %jit3A_1794 = arith.constant 80 : i32
    %select_n3A_1795 = arith.select %eq3A_1788, %jit3A_1794, %select_n3A_1793 : i32
    %mul3A_1796 = arith.mulf %squeeze3A_1761, %select_n3A_1786 : f32
    %sub3A_1797 = arith.constant 1.000000e+00 : f32
    %sub3A_1798 = arith.subf %select_n3A_1786, %sub3A_1797 : f32
    %jit3A_1799 = arith.constant 0.000000e+00 : f32
    %max3A_1800 = arith.maximumf %jit3A_1799, %mul3A_1796 : f32
    %min3A_1801 = arith.minimumf %sub3A_1798, %max3A_1800 : f32
    %convert_element_type3A_1802 = arith.fptosi %min3A_1801 : f32 to i32
    %convert_element_type3A_1803 = arith.sitofp %convert_element_type3A_1802 : i32 to f32
    %gt3A_1804 = arith.cmpf ogt, %convert_element_type3A_1803, %min3A_1801 : f32
    %convert_element_type3A_1805 = arith.extui %gt3A_1804 : i1 to i32
    %sub3A_1806 = arith.subi %convert_element_type3A_1802, %convert_element_type3A_1805 : i32
    %mul3A_1807 = arith.mulf %squeeze3A_1763, %select_n3A_1786 : f32
    %sub3A_1808 = arith.constant 1.000000e+00 : f32
    %sub3A_1809 = arith.subf %select_n3A_1786, %sub3A_1808 : f32
    %jit3A_1810 = arith.constant 0.000000e+00 : f32
    %max3A_1811 = arith.maximumf %jit3A_1810, %mul3A_1807 : f32
    %min3A_1812 = arith.minimumf %sub3A_1809, %max3A_1811 : f32
    %convert_element_type3A_1813 = arith.fptosi %min3A_1812 : f32 to i32
    %convert_element_type3A_1814 = arith.sitofp %convert_element_type3A_1813 : i32 to f32
    %gt3A_1815 = arith.cmpf ogt, %convert_element_type3A_1814, %min3A_1812 : f32
    %convert_element_type3A_1816 = arith.extui %gt3A_1815 : i1 to i32
    %sub3A_1817 = arith.subi %convert_element_type3A_1813, %convert_element_type3A_1816 : i32
    %mul3A_1818 = arith.muli %select_n3A_1795, %select_n3A_1795 : i32
    %mul3A_1819 = arith.constant 8 : i32
    %mul3A_1820 = arith.muli %add3A, %mul3A_1819 : i32
    %add3A_1821 = arith.constant 7 : i32
    %add3A_1822 = arith.addi %mul3A_1820, %add3A_1821 : i32
    %jit3A_1823 = arith.constant 32 : i32
    %div3A_1824 = arith.divsi %add3A_1822, %jit3A_1823 : i32
    %sign3A_1825 = arith.constant 0 : i32
    %sign3A_1826 = arith.cmpi sgt, %add3A_1822, %sign3A_1825 : i32
    %sign3A_1827 = arith.extui %sign3A_1826 : i1 to i32
    %sign3A_1828 = arith.constant 0 : i32
    %sign3A_1829 = arith.cmpi slt, %add3A_1822, %sign3A_1828 : i32
    %sign3A_1830 = arith.extui %sign3A_1829 : i1 to i32
    %sign3A_1831 = arith.subi %sign3A_1827, %sign3A_1830 : i32
    %sign3A_1832 = arith.constant 0 : i32
    %sign3A_1833 = arith.cmpi sgt, %jit3A_1823, %sign3A_1832 : i32
    %sign3A_1834 = arith.extui %sign3A_1833 : i1 to i32
    %sign3A_1835 = arith.constant 0 : i32
    %sign3A_1836 = arith.cmpi slt, %jit3A_1823, %sign3A_1835 : i32
    %sign3A_1837 = arith.extui %sign3A_1836 : i1 to i32
    %sign3A_1838 = arith.subi %sign3A_1834, %sign3A_1837 : i32
    %ne3A_1839 = arith.cmpi ne, %sign3A_1831, %sign3A_1838 : i32
    %rem3A_1840 = arith.remsi %add3A_1822, %jit3A_1823 : i32
    %ne3A_1841 = arith.constant 0 : i32
    %ne3A_1842 = arith.cmpi ne, %rem3A_1840, %ne3A_1841 : i32
    %and3A_1843 = arith.andi %ne3A_1839, %ne3A_1842 : i1
    %sub3A_1844 = arith.constant 1 : i32
    %sub3A_1845 = arith.subi %div3A_1824, %sub3A_1844 : i32
    %select_n3A_1846 = arith.select %and3A_1843, %sub3A_1845, %div3A_1824 : i32
    %mul3A_1847 = arith.constant 85 : i32
    %mul3A_1848 = arith.muli %select_n3A_1846, %mul3A_1847 : i32
    %mul3A_1849 = arith.muli %mul3A_1848, %select_n3A_1795 : i32
    %add3A_1850 = arith.addi %mul3A_1849, %sub3A_1817 : i32
    %mul3A_1851 = arith.muli %add3A_1850, %select_n3A_1795 : i32
    %add3A_1852 = arith.addi %mul3A_1851, %sub3A_1806 : i32
    %iota3A_1853 = tpu.iota {dimensions = array<i32: 0>} : vector<16xi32>
    %add3A_1854 = arith.constant 0 : i32
    %add3A_1855 = vector.broadcast %add3A_1854 : i32 to vector<16xi32>
    %add3A_1856 = arith.addi %iota3A_1853, %add3A_1855 : vector<16xi32>
    %lt3A_1857 = arith.constant 85 : i32
    %lt3A_1858 = vector.broadcast %lt3A_1857 : i32 to vector<16xi32>
    %lt3A_1859 = arith.cmpi slt, %add3A_1856, %lt3A_1858 : vector<16xi32>
    %jit3A_1860 = arith.constant 0 : i32
    %broadcast_in_dim3A_1861 = vector.broadcast %jit3A_1860 : i32 to vector<16xi32>
    %select_n3A_1862 = arith.select %lt3A_1859, %add3A_1856, %broadcast_in_dim3A_1861 : vector<16xi1>, vector<16xi32>
    %mul3A_1863 = vector.broadcast %mul3A_1818 : i32 to vector<16xi32>
    %mul3A_1864 = arith.muli %select_n3A_1862, %mul3A_1863 : vector<16xi32>
    %add3A_1865 = vector.broadcast %add3A_1852 : i32 to vector<16xi32>
    %add3A_1866 = arith.addi %add3A_1865, %mul3A_1864 : vector<16xi32>
    %swap3A_1867 = arith.constant 7 : i32
    %swap3A_1868 = arith.index_cast %swap3A_1867 : i32 to index
    %swap3A_1869 = arith.constant 0 : index
    %swap3A_1870 = tpu.vector_load %arg8[%swap3A_1868, %swap3A_1869] {strides = array<i32>} : memref<8x128xi32, #tpu.memory_space<vmem>>, vector<1x16xi32>,
    %swap3A_1871 = vector.shape_cast %swap3A_1870 : vector<1x16xi32> to vector<16xi32>
    %swap3A_1872 = vector.shape_cast %add3A_1866 : vector<16xi32> to vector<1x16xi32>
    tpu.vector_store %arg8[%swap3A_1868, %swap3A_1869], %swap3A_1872 {strides = array<i32>} : memref<8x128xi32, #tpu.memory_space<vmem>>, vector<1x16xi32>,
    %iota3A_1873 = tpu.iota {dimensions = array<i32: 0>} : vector<16xi32>
    %add3A_1874 = arith.constant 16 : i32
    %add3A_1875 = vector.broadcast %add3A_1874 : i32 to vector<16xi32>
    %add3A_1876 = arith.addi %iota3A_1873, %add3A_1875 : vector<16xi32>
    %lt3A_1877 = arith.constant 85 : i32
    %lt3A_1878 = vector.broadcast %lt3A_1877 : i32 to vector<16xi32>
    %lt3A_1879 = arith.cmpi slt, %add3A_1876, %lt3A_1878 : vector<16xi32>
    %jit3A_1880 = arith.constant 0 : i32
    %broadcast_in_dim3A_1881 = vector.broadcast %jit3A_1880 : i32 to vector<16xi32>
    %select_n3A_1882 = arith.select %lt3A_1879, %add3A_1876, %broadcast_in_dim3A_1881 : vector<16xi1>, vector<16xi32>
    %mul3A_1883 = vector.broadcast %mul3A_1818 : i32 to vector<16xi32>
    %mul3A_1884 = arith.muli %select_n3A_1882, %mul3A_1883 : vector<16xi32>
    %add3A_1885 = vector.broadcast %add3A_1852 : i32 to vector<16xi32>
    %add3A_1886 = arith.addi %add3A_1885, %mul3A_1884 : vector<16xi32>
    %swap3A_1887 = arith.constant 7 : i32
    %swap3A_1888 = arith.index_cast %swap3A_1887 : i32 to index
    %swap3A_1889 = arith.constant 16 : index
    %swap3A_1890 = tpu.vector_load %arg8[%swap3A_1888, %swap3A_1889] {strides = array<i32>} : memref<8x128xi32, #tpu.memory_space<vmem>>, vector<1x16xi32>,
    %swap3A_1891 = vector.shape_cast %swap3A_1890 : vector<1x16xi32> to vector<16xi32>
    %swap3A_1892 = vector.shape_cast %add3A_1886 : vector<16xi32> to vector<1x16xi32>
    tpu.vector_store %arg8[%swap3A_1888, %swap3A_1889], %swap3A_1892 {strides = array<i32>} : memref<8x128xi32, #tpu.memory_space<vmem>>, vector<1x16xi32>,
    %iota3A_1893 = tpu.iota {dimensions = array<i32: 0>} : vector<16xi32>
    %add3A_1894 = arith.constant 32 : i32
    %add3A_1895 = vector.broadcast %add3A_1894 : i32 to vector<16xi32>
    %add3A_1896 = arith.addi %iota3A_1893, %add3A_1895 : vector<16xi32>
    %lt3A_1897 = arith.constant 85 : i32
    %lt3A_1898 = vector.broadcast %lt3A_1897 : i32 to vector<16xi32>
    %lt3A_1899 = arith.cmpi slt, %add3A_1896, %lt3A_1898 : vector<16xi32>
    %jit3A_1900 = arith.constant 0 : i32
    %broadcast_in_dim3A_1901 = vector.broadcast %jit3A_1900 : i32 to vector<16xi32>
    %select_n3A_1902 = arith.select %lt3A_1899, %add3A_1896, %broadcast_in_dim3A_1901 : vector<16xi1>, vector<16xi32>
    %mul3A_1903 = vector.broadcast %mul3A_1818 : i32 to vector<16xi32>
    %mul3A_1904 = arith.muli %select_n3A_1902, %mul3A_1903 : vector<16xi32>
    %add3A_1905 = vector.broadcast %add3A_1852 : i32 to vector<16xi32>
    %add3A_1906 = arith.addi %add3A_1905, %mul3A_1904 : vector<16xi32>
    %swap3A_1907 = arith.constant 7 : i32
    %swap3A_1908 = arith.index_cast %swap3A_1907 : i32 to index
    %swap3A_1909 = arith.constant 32 : index
    %swap3A_1910 = tpu.vector_load %arg8[%swap3A_1908, %swap3A_1909] {strides = array<i32>} : memref<8x128xi32, #tpu.memory_space<vmem>>, vector<1x16xi32>,
    %swap3A_1911 = vector.shape_cast %swap3A_1910 : vector<1x16xi32> to vector<16xi32>
    %swap3A_1912 = vector.shape_cast %add3A_1906 : vector<16xi32> to vector<1x16xi32>
    tpu.vector_store %arg8[%swap3A_1908, %swap3A_1909], %swap3A_1912 {strides = array<i32>} : memref<8x128xi32, #tpu.memory_space<vmem>>, vector<1x16xi32>,
    %iota3A_1913 = tpu.iota {dimensions = array<i32: 0>} : vector<16xi32>
    %add3A_1914 = arith.constant 48 : i32
    %add3A_1915 = vector.broadcast %add3A_1914 : i32 to vector<16xi32>
    %add3A_1916 = arith.addi %iota3A_1913, %add3A_1915 : vector<16xi32>
    %lt3A_1917 = arith.constant 85 : i32
    %lt3A_1918 = vector.broadcast %lt3A_1917 : i32 to vector<16xi32>
    %lt3A_1919 = arith.cmpi slt, %add3A_1916, %lt3A_1918 : vector<16xi32>
    %jit3A_1920 = arith.constant 0 : i32
    %broadcast_in_dim3A_1921 = vector.broadcast %jit3A_1920 : i32 to vector<16xi32>
    %select_n3A_1922 = arith.select %lt3A_1919, %add3A_1916, %broadcast_in_dim3A_1921 : vector<16xi1>, vector<16xi32>
    %mul3A_1923 = vector.broadcast %mul3A_1818 : i32 to vector<16xi32>
    %mul3A_1924 = arith.muli %select_n3A_1922, %mul3A_1923 : vector<16xi32>
    %add3A_1925 = vector.broadcast %add3A_1852 : i32 to vector<16xi32>
    %add3A_1926 = arith.addi %add3A_1925, %mul3A_1924 : vector<16xi32>
    %swap3A_1927 = arith.constant 7 : i32
    %swap3A_1928 = arith.index_cast %swap3A_1927 : i32 to index
    %swap3A_1929 = arith.constant 48 : index
    %swap3A_1930 = tpu.vector_load %arg8[%swap3A_1928, %swap3A_1929] {strides = array<i32>} : memref<8x128xi32, #tpu.memory_space<vmem>>, vector<1x16xi32>,
    %swap3A_1931 = vector.shape_cast %swap3A_1930 : vector<1x16xi32> to vector<16xi32>
    %swap3A_1932 = vector.shape_cast %add3A_1926 : vector<16xi32> to vector<1x16xi32>
    tpu.vector_store %arg8[%swap3A_1928, %swap3A_1929], %swap3A_1932 {strides = array<i32>} : memref<8x128xi32, #tpu.memory_space<vmem>>, vector<1x16xi32>,
    %iota3A_1933 = tpu.iota {dimensions = array<i32: 0>} : vector<16xi32>
    %add3A_1934 = arith.constant 64 : i32
    %add3A_1935 = vector.broadcast %add3A_1934 : i32 to vector<16xi32>
    %add3A_1936 = arith.addi %iota3A_1933, %add3A_1935 : vector<16xi32>
    %lt3A_1937 = arith.constant 85 : i32
    %lt3A_1938 = vector.broadcast %lt3A_1937 : i32 to vector<16xi32>
    %lt3A_1939 = arith.cmpi slt, %add3A_1936, %lt3A_1938 : vector<16xi32>
    %jit3A_1940 = arith.constant 0 : i32
    %broadcast_in_dim3A_1941 = vector.broadcast %jit3A_1940 : i32 to vector<16xi32>
    %select_n3A_1942 = arith.select %lt3A_1939, %add3A_1936, %broadcast_in_dim3A_1941 : vector<16xi1>, vector<16xi32>
    %mul3A_1943 = vector.broadcast %mul3A_1818 : i32 to vector<16xi32>
    %mul3A_1944 = arith.muli %select_n3A_1942, %mul3A_1943 : vector<16xi32>
    %add3A_1945 = vector.broadcast %add3A_1852 : i32 to vector<16xi32>
    %add3A_1946 = arith.addi %add3A_1945, %mul3A_1944 : vector<16xi32>
    %swap3A_1947 = arith.constant 7 : i32
    %swap3A_1948 = arith.index_cast %swap3A_1947 : i32 to index
    %swap3A_1949 = arith.constant 64 : index
    %swap3A_1950 = tpu.vector_load %arg8[%swap3A_1948, %swap3A_1949] {strides = array<i32>} : memref<8x128xi32, #tpu.memory_space<vmem>>, vector<1x16xi32>,
    %swap3A_1951 = vector.shape_cast %swap3A_1950 : vector<1x16xi32> to vector<16xi32>
    %swap3A_1952 = vector.shape_cast %add3A_1946 : vector<16xi32> to vector<1x16xi32>
    tpu.vector_store %arg8[%swap3A_1948, %swap3A_1949], %swap3A_1952 {strides = array<i32>} : memref<8x128xi32, #tpu.memory_space<vmem>>, vector<1x16xi32>,
    %iota3A_1953 = tpu.iota {dimensions = array<i32: 0>} : vector<16xi32>
    %add3A_1954 = arith.constant 80 : i32
    %add3A_1955 = vector.broadcast %add3A_1954 : i32 to vector<16xi32>
    %add3A_1956 = arith.addi %iota3A_1953, %add3A_1955 : vector<16xi32>
    %lt3A_1957 = arith.constant 85 : i32
    %lt3A_1958 = vector.broadcast %lt3A_1957 : i32 to vector<16xi32>
    %lt3A_1959 = arith.cmpi slt, %add3A_1956, %lt3A_1958 : vector<16xi32>
    %jit3A_1960 = arith.constant 0 : i32
    %broadcast_in_dim3A_1961 = vector.broadcast %jit3A_1960 : i32 to vector<16xi32>
    %select_n3A_1962 = arith.select %lt3A_1959, %add3A_1956, %broadcast_in_dim3A_1961 : vector<16xi1>, vector<16xi32>
    %mul3A_1963 = vector.broadcast %mul3A_1818 : i32 to vector<16xi32>
    %mul3A_1964 = arith.muli %select_n3A_1962, %mul3A_1963 : vector<16xi32>
    %add3A_1965 = vector.broadcast %add3A_1852 : i32 to vector<16xi32>
    %add3A_1966 = arith.addi %add3A_1965, %mul3A_1964 : vector<16xi32>
    %swap3A_1967 = arith.constant 7 : i32
    %swap3A_1968 = arith.index_cast %swap3A_1967 : i32 to index
    %swap3A_1969 = arith.constant 80 : index
    %swap3A_1970 = tpu.vector_load %arg8[%swap3A_1968, %swap3A_1969] {strides = array<i32>} : memref<8x128xi32, #tpu.memory_space<vmem>>, vector<1x16xi32>,
    %swap3A_1971 = vector.shape_cast %swap3A_1970 : vector<1x16xi32> to vector<16xi32>
    %swap3A_1972 = vector.shape_cast %add3A_1966 : vector<16xi32> to vector<1x16xi32>
    tpu.vector_store %arg8[%swap3A_1968, %swap3A_1969], %swap3A_1972 {strides = array<i32>} : memref<8x128xi32, #tpu.memory_space<vmem>>, vector<1x16xi32>,
    %iota3A_1973 = tpu.iota {dimensions = array<i32: 0>} : vector<16xi32>
    %add3A_1974 = arith.constant 96 : i32
    %add3A_1975 = vector.broadcast %add3A_1974 : i32 to vector<16xi32>
    %add3A_1976 = arith.addi %iota3A_1973, %add3A_1975 : vector<16xi32>
    %lt3A_1977 = arith.constant 85 : i32
    %lt3A_1978 = vector.broadcast %lt3A_1977 : i32 to vector<16xi32>
    %lt3A_1979 = arith.cmpi slt, %add3A_1976, %lt3A_1978 : vector<16xi32>
    %jit3A_1980 = arith.constant 0 : i32
    %broadcast_in_dim3A_1981 = vector.broadcast %jit3A_1980 : i32 to vector<16xi32>
    %select_n3A_1982 = arith.select %lt3A_1979, %add3A_1976, %broadcast_in_dim3A_1981 : vector<16xi1>, vector<16xi32>
    %mul3A_1983 = vector.broadcast %mul3A_1818 : i32 to vector<16xi32>
    %mul3A_1984 = arith.muli %select_n3A_1982, %mul3A_1983 : vector<16xi32>
    %add3A_1985 = vector.broadcast %add3A_1852 : i32 to vector<16xi32>
    %add3A_1986 = arith.addi %add3A_1985, %mul3A_1984 : vector<16xi32>
    %swap3A_1987 = arith.constant 7 : i32
    %swap3A_1988 = arith.index_cast %swap3A_1987 : i32 to index
    %swap3A_1989 = arith.constant 96 : index
    %swap3A_1990 = tpu.vector_load %arg8[%swap3A_1988, %swap3A_1989] {strides = array<i32>} : memref<8x128xi32, #tpu.memory_space<vmem>>, vector<1x16xi32>,
    %swap3A_1991 = vector.shape_cast %swap3A_1990 : vector<1x16xi32> to vector<16xi32>
    %swap3A_1992 = vector.shape_cast %add3A_1986 : vector<16xi32> to vector<1x16xi32>
    tpu.vector_store %arg8[%swap3A_1988, %swap3A_1989], %swap3A_1992 {strides = array<i32>} : memref<8x128xi32, #tpu.memory_space<vmem>>, vector<1x16xi32>,
    %iota3A_1993 = tpu.iota {dimensions = array<i32: 0>} : vector<16xi32>
    %add3A_1994 = arith.constant 112 : i32
    %add3A_1995 = vector.broadcast %add3A_1994 : i32 to vector<16xi32>
    %add3A_1996 = arith.addi %iota3A_1993, %add3A_1995 : vector<16xi32>
    %lt3A_1997 = arith.constant 85 : i32
    %lt3A_1998 = vector.broadcast %lt3A_1997 : i32 to vector<16xi32>
    %lt3A_1999 = arith.cmpi slt, %add3A_1996, %lt3A_1998 : vector<16xi32>
    %jit3A_2000 = arith.constant 0 : i32
    %broadcast_in_dim3A_2001 = vector.broadcast %jit3A_2000 : i32 to vector<16xi32>
    %select_n3A_2002 = arith.select %lt3A_1999, %add3A_1996, %broadcast_in_dim3A_2001 : vector<16xi1>, vector<16xi32>
    %mul3A_2003 = vector.broadcast %mul3A_1818 : i32 to vector<16xi32>
    %mul3A_2004 = arith.muli %select_n3A_2002, %mul3A_2003 : vector<16xi32>
    %add3A_2005 = vector.broadcast %add3A_1852 : i32 to vector<16xi32>
    %add3A_2006 = arith.addi %add3A_2005, %mul3A_2004 : vector<16xi32>
    %swap3A_2007 = arith.constant 7 : i32
    %swap3A_2008 = arith.index_cast %swap3A_2007 : i32 to index
    %swap3A_2009 = arith.constant 112 : index
    %swap3A_2010 = tpu.vector_load %arg8[%swap3A_2008, %swap3A_2009] {strides = array<i32>} : memref<8x128xi32, #tpu.memory_space<vmem>>, vector<1x16xi32>,
    %swap3A_2011 = vector.shape_cast %swap3A_2010 : vector<1x16xi32> to vector<16xi32>
    %swap3A_2012 = vector.shape_cast %add3A_2006 : vector<16xi32> to vector<1x16xi32>
    tpu.vector_store %arg8[%swap3A_2008, %swap3A_2009], %swap3A_2012 {strides = array<i32>} : memref<8x128xi32, #tpu.memory_space<vmem>>, vector<1x16xi32>,
    %eq3A_2013 = arith.constant 0 : i32
    %eq3A_2014 = arith.cmpi eq, %select_n3A_20, %eq3A_2013 : i32
    %convert_element_type3A_2015 = arith.extui %eq3A_2014 : i1 to i32
    %cond3A = arith.constant 0 : i32
    %cond3A_2016 = arith.cmpi ne, %convert_element_type3A_2015, %cond3A : i32
    scf.if %cond3A_2016 {
      %dma_start3A = arith.constant 0 : i32
      %dma_start3A_2213 = arith.constant 0 : i32
      %dma_start3A_2214 = arith.constant 0 : i32
      %dma_start3A_2215 = tpu.memref_slice %arg9[%dma_start3A_2213, %dma_start3A_2214] : memref<8x128xf32, #tpu.memory_space<vmem>> -> memref<1x128xf32, #tpu.memory_space<vmem>>
      %dma_start3A_2216 = tpu.memref_squeeze %dma_start3A_2215 : memref<1x128xf32, #tpu.memory_space<vmem>> -> memref<128xf32, #tpu.memory_space<vmem>>
      %dma_start3A_2217 = arith.constant 0 : i32
      %dma_start3A_2218 = tpu.memref_slice %arg8[%dma_start3A, %dma_start3A_2217] : memref<8x128xi32, #tpu.memory_space<vmem>> -> memref<1x128xi32, #tpu.memory_space<vmem>>
      %dma_start3A_2219 = tpu.memref_squeeze %dma_start3A_2218 : memref<1x128xi32, #tpu.memory_space<vmem>> -> memref<128xi32, #tpu.memory_space<vmem>>
      %dma_start3A_2220 = arith.constant 0 : i32
      %dma_start3A_2221 = tpu.memref_slice %arg2[%dma_start3A_2220] : memref<4352000xf32, #tpu.memory_space<hbm>> -> memref<4352000xf32, #tpu.memory_space<hbm>>
      tpu.enqueue_indirect_dma source(%dma_start3A_2221 : memref<4352000xf32, #tpu.memory_space<hbm>>) target(%dma_start3A_2216 : memref<128xf32, #tpu.memory_space<vmem>>) offsets(%dma_start3A_2219 : memref<128xi32, #tpu.memory_space<vmem>>) semaphore(%arg10 : memref<!tpu.dma_semaphore, #tpu.memory_space<semaphore_mem>>)
    } else {
    }
    %eq3A_2017 = arith.constant 1 : i32
    %eq3A_2018 = arith.cmpi eq, %select_n3A_20, %eq3A_2017 : i32
    %convert_element_type3A_2019 = arith.extui %eq3A_2018 : i1 to i32
    %cond3A_2020 = arith.constant 0 : i32
    %cond3A_2021 = arith.cmpi ne, %convert_element_type3A_2019, %cond3A_2020 : i32
    scf.if %cond3A_2021 {
      %dma_start3A = arith.constant 0 : i32
      %dma_start3A_2213 = arith.constant 0 : i32
      %dma_start3A_2214 = arith.constant 0 : i32
      %dma_start3A_2215 = tpu.memref_slice %arg9[%dma_start3A_2213, %dma_start3A_2214] : memref<8x128xf32, #tpu.memory_space<vmem>> -> memref<1x128xf32, #tpu.memory_space<vmem>>
      %dma_start3A_2216 = tpu.memref_squeeze %dma_start3A_2215 : memref<1x128xf32, #tpu.memory_space<vmem>> -> memref<128xf32, #tpu.memory_space<vmem>>
      %dma_start3A_2217 = arith.constant 0 : i32
      %dma_start3A_2218 = tpu.memref_slice %arg8[%dma_start3A, %dma_start3A_2217] : memref<8x128xi32, #tpu.memory_space<vmem>> -> memref<1x128xi32, #tpu.memory_space<vmem>>
      %dma_start3A_2219 = tpu.memref_squeeze %dma_start3A_2218 : memref<1x128xi32, #tpu.memory_space<vmem>> -> memref<128xi32, #tpu.memory_space<vmem>>
      %dma_start3A_2220 = arith.constant 0 : i32
      %dma_start3A_2221 = tpu.memref_slice %arg3[%dma_start3A_2220] : memref<1088000xf32, #tpu.memory_space<hbm>> -> memref<1088000xf32, #tpu.memory_space<hbm>>
      tpu.enqueue_indirect_dma source(%dma_start3A_2221 : memref<1088000xf32, #tpu.memory_space<hbm>>) target(%dma_start3A_2216 : memref<128xf32, #tpu.memory_space<vmem>>) offsets(%dma_start3A_2219 : memref<128xi32, #tpu.memory_space<vmem>>) semaphore(%arg10 : memref<!tpu.dma_semaphore, #tpu.memory_space<semaphore_mem>>)
    } else {
    }
    %eq3A_2022 = arith.constant 2 : i32
    %eq3A_2023 = arith.cmpi eq, %select_n3A_20, %eq3A_2022 : i32
    %convert_element_type3A_2024 = arith.extui %eq3A_2023 : i1 to i32
    %cond3A_2025 = arith.constant 0 : i32
    %cond3A_2026 = arith.cmpi ne, %convert_element_type3A_2024, %cond3A_2025 : i32
    scf.if %cond3A_2026 {
      %dma_start3A = arith.constant 0 : i32
      %dma_start3A_2213 = arith.constant 0 : i32
      %dma_start3A_2214 = arith.constant 0 : i32
      %dma_start3A_2215 = tpu.memref_slice %arg9[%dma_start3A_2213, %dma_start3A_2214] : memref<8x128xf32, #tpu.memory_space<vmem>> -> memref<1x128xf32, #tpu.memory_space<vmem>>
      %dma_start3A_2216 = tpu.memref_squeeze %dma_start3A_2215 : memref<1x128xf32, #tpu.memory_space<vmem>> -> memref<128xf32, #tpu.memory_space<vmem>>
      %dma_start3A_2217 = arith.constant 0 : i32
      %dma_start3A_2218 = tpu.memref_slice %arg8[%dma_start3A, %dma_start3A_2217] : memref<8x128xi32, #tpu.memory_space<vmem>> -> memref<1x128xi32, #tpu.memory_space<vmem>>
      %dma_start3A_2219 = tpu.memref_squeeze %dma_start3A_2218 : memref<1x128xi32, #tpu.memory_space<vmem>> -> memref<128xi32, #tpu.memory_space<vmem>>
      %dma_start3A_2220 = arith.constant 0 : i32
      %dma_start3A_2221 = tpu.memref_slice %arg4[%dma_start3A_2220] : memref<272000xf32, #tpu.memory_space<hbm>> -> memref<272000xf32, #tpu.memory_space<hbm>>
      tpu.enqueue_indirect_dma source(%dma_start3A_2221 : memref<272000xf32, #tpu.memory_space<hbm>>) target(%dma_start3A_2216 : memref<128xf32, #tpu.memory_space<vmem>>) offsets(%dma_start3A_2219 : memref<128xi32, #tpu.memory_space<vmem>>) semaphore(%arg10 : memref<!tpu.dma_semaphore, #tpu.memory_space<semaphore_mem>>)
    } else {
    }
    %eq3A_2027 = arith.constant 0 : i32
    %eq3A_2028 = arith.cmpi eq, %select_n3A_259, %eq3A_2027 : i32
    %convert_element_type3A_2029 = arith.extui %eq3A_2028 : i1 to i32
    %cond3A_2030 = arith.constant 0 : i32
    %cond3A_2031 = arith.cmpi ne, %convert_element_type3A_2029, %cond3A_2030 : i32
    scf.if %cond3A_2031 {
      %dma_start3A = arith.constant 1 : i32
      %dma_start3A_2213 = arith.constant 1 : i32
      %dma_start3A_2214 = arith.constant 0 : i32
      %dma_start3A_2215 = tpu.memref_slice %arg9[%dma_start3A_2213, %dma_start3A_2214] : memref<8x128xf32, #tpu.memory_space<vmem>> -> memref<1x128xf32, #tpu.memory_space<vmem>>
      %dma_start3A_2216 = tpu.memref_squeeze %dma_start3A_2215 : memref<1x128xf32, #tpu.memory_space<vmem>> -> memref<128xf32, #tpu.memory_space<vmem>>
      %dma_start3A_2217 = arith.constant 0 : i32
      %dma_start3A_2218 = tpu.memref_slice %arg8[%dma_start3A, %dma_start3A_2217] : memref<8x128xi32, #tpu.memory_space<vmem>> -> memref<1x128xi32, #tpu.memory_space<vmem>>
      %dma_start3A_2219 = tpu.memref_squeeze %dma_start3A_2218 : memref<1x128xi32, #tpu.memory_space<vmem>> -> memref<128xi32, #tpu.memory_space<vmem>>
      %dma_start3A_2220 = arith.constant 0 : i32
      %dma_start3A_2221 = tpu.memref_slice %arg2[%dma_start3A_2220] : memref<4352000xf32, #tpu.memory_space<hbm>> -> memref<4352000xf32, #tpu.memory_space<hbm>>
      tpu.enqueue_indirect_dma source(%dma_start3A_2221 : memref<4352000xf32, #tpu.memory_space<hbm>>) target(%dma_start3A_2216 : memref<128xf32, #tpu.memory_space<vmem>>) offsets(%dma_start3A_2219 : memref<128xi32, #tpu.memory_space<vmem>>) semaphore(%arg10 : memref<!tpu.dma_semaphore, #tpu.memory_space<semaphore_mem>>)
    } else {
    }
    %eq3A_2032 = arith.constant 1 : i32
    %eq3A_2033 = arith.cmpi eq, %select_n3A_259, %eq3A_2032 : i32
    %convert_element_type3A_2034 = arith.extui %eq3A_2033 : i1 to i32
    %cond3A_2035 = arith.constant 0 : i32
    %cond3A_2036 = arith.cmpi ne, %convert_element_type3A_2034, %cond3A_2035 : i32
    scf.if %cond3A_2036 {
      %dma_start3A = arith.constant 1 : i32
      %dma_start3A_2213 = arith.constant 1 : i32
      %dma_start3A_2214 = arith.constant 0 : i32
      %dma_start3A_2215 = tpu.memref_slice %arg9[%dma_start3A_2213, %dma_start3A_2214] : memref<8x128xf32, #tpu.memory_space<vmem>> -> memref<1x128xf32, #tpu.memory_space<vmem>>
      %dma_start3A_2216 = tpu.memref_squeeze %dma_start3A_2215 : memref<1x128xf32, #tpu.memory_space<vmem>> -> memref<128xf32, #tpu.memory_space<vmem>>
      %dma_start3A_2217 = arith.constant 0 : i32
      %dma_start3A_2218 = tpu.memref_slice %arg8[%dma_start3A, %dma_start3A_2217] : memref<8x128xi32, #tpu.memory_space<vmem>> -> memref<1x128xi32, #tpu.memory_space<vmem>>
      %dma_start3A_2219 = tpu.memref_squeeze %dma_start3A_2218 : memref<1x128xi32, #tpu.memory_space<vmem>> -> memref<128xi32, #tpu.memory_space<vmem>>
      %dma_start3A_2220 = arith.constant 0 : i32
      %dma_start3A_2221 = tpu.memref_slice %arg3[%dma_start3A_2220] : memref<1088000xf32, #tpu.memory_space<hbm>> -> memref<1088000xf32, #tpu.memory_space<hbm>>
      tpu.enqueue_indirect_dma source(%dma_start3A_2221 : memref<1088000xf32, #tpu.memory_space<hbm>>) target(%dma_start3A_2216 : memref<128xf32, #tpu.memory_space<vmem>>) offsets(%dma_start3A_2219 : memref<128xi32, #tpu.memory_space<vmem>>) semaphore(%arg10 : memref<!tpu.dma_semaphore, #tpu.memory_space<semaphore_mem>>)
    } else {
    }
    %eq3A_2037 = arith.constant 2 : i32
    %eq3A_2038 = arith.cmpi eq, %select_n3A_259, %eq3A_2037 : i32
    %convert_element_type3A_2039 = arith.extui %eq3A_2038 : i1 to i32
    %cond3A_2040 = arith.constant 0 : i32
    %cond3A_2041 = arith.cmpi ne, %convert_element_type3A_2039, %cond3A_2040 : i32
    scf.if %cond3A_2041 {
      %dma_start3A = arith.constant 1 : i32
      %dma_start3A_2213 = arith.constant 1 : i32
      %dma_start3A_2214 = arith.constant 0 : i32
      %dma_start3A_2215 = tpu.memref_slice %arg9[%dma_start3A_2213, %dma_start3A_2214] : memref<8x128xf32, #tpu.memory_space<vmem>> -> memref<1x128xf32, #tpu.memory_space<vmem>>
      %dma_start3A_2216 = tpu.memref_squeeze %dma_start3A_2215 : memref<1x128xf32, #tpu.memory_space<vmem>> -> memref<128xf32, #tpu.memory_space<vmem>>
      %dma_start3A_2217 = arith.constant 0 : i32
      %dma_start3A_2218 = tpu.memref_slice %arg8[%dma_start3A, %dma_start3A_2217] : memref<8x128xi32, #tpu.memory_space<vmem>> -> memref<1x128xi32, #tpu.memory_space<vmem>>
      %dma_start3A_2219 = tpu.memref_squeeze %dma_start3A_2218 : memref<1x128xi32, #tpu.memory_space<vmem>> -> memref<128xi32, #tpu.memory_space<vmem>>
      %dma_start3A_2220 = arith.constant 0 : i32
      %dma_start3A_2221 = tpu.memref_slice %arg4[%dma_start3A_2220] : memref<272000xf32, #tpu.memory_space<hbm>> -> memref<272000xf32, #tpu.memory_space<hbm>>
      tpu.enqueue_indirect_dma source(%dma_start3A_2221 : memref<272000xf32, #tpu.memory_space<hbm>>) target(%dma_start3A_2216 : memref<128xf32, #tpu.memory_space<vmem>>) offsets(%dma_start3A_2219 : memref<128xi32, #tpu.memory_space<vmem>>) semaphore(%arg10 : memref<!tpu.dma_semaphore, #tpu.memory_space<semaphore_mem>>)
    } else {
    }
    %eq3A_2042 = arith.constant 0 : i32
    %eq3A_2043 = arith.cmpi eq, %select_n3A_512, %eq3A_2042 : i32
    %convert_element_type3A_2044 = arith.extui %eq3A_2043 : i1 to i32
    %cond3A_2045 = arith.constant 0 : i32
    %cond3A_2046 = arith.cmpi ne, %convert_element_type3A_2044, %cond3A_2045 : i32
    scf.if %cond3A_2046 {
      %dma_start3A = arith.constant 2 : i32
      %dma_start3A_2213 = arith.constant 2 : i32
      %dma_start3A_2214 = arith.constant 0 : i32
      %dma_start3A_2215 = tpu.memref_slice %arg9[%dma_start3A_2213, %dma_start3A_2214] : memref<8x128xf32, #tpu.memory_space<vmem>> -> memref<1x128xf32, #tpu.memory_space<vmem>>
      %dma_start3A_2216 = tpu.memref_squeeze %dma_start3A_2215 : memref<1x128xf32, #tpu.memory_space<vmem>> -> memref<128xf32, #tpu.memory_space<vmem>>
      %dma_start3A_2217 = arith.constant 0 : i32
      %dma_start3A_2218 = tpu.memref_slice %arg8[%dma_start3A, %dma_start3A_2217] : memref<8x128xi32, #tpu.memory_space<vmem>> -> memref<1x128xi32, #tpu.memory_space<vmem>>
      %dma_start3A_2219 = tpu.memref_squeeze %dma_start3A_2218 : memref<1x128xi32, #tpu.memory_space<vmem>> -> memref<128xi32, #tpu.memory_space<vmem>>
      %dma_start3A_2220 = arith.constant 0 : i32
      %dma_start3A_2221 = tpu.memref_slice %arg2[%dma_start3A_2220] : memref<4352000xf32, #tpu.memory_space<hbm>> -> memref<4352000xf32, #tpu.memory_space<hbm>>
      tpu.enqueue_indirect_dma source(%dma_start3A_2221 : memref<4352000xf32, #tpu.memory_space<hbm>>) target(%dma_start3A_2216 : memref<128xf32, #tpu.memory_space<vmem>>) offsets(%dma_start3A_2219 : memref<128xi32, #tpu.memory_space<vmem>>) semaphore(%arg10 : memref<!tpu.dma_semaphore, #tpu.memory_space<semaphore_mem>>)
    } else {
    }
    %eq3A_2047 = arith.constant 1 : i32
    %eq3A_2048 = arith.cmpi eq, %select_n3A_512, %eq3A_2047 : i32
    %convert_element_type3A_2049 = arith.extui %eq3A_2048 : i1 to i32
    %cond3A_2050 = arith.constant 0 : i32
    %cond3A_2051 = arith.cmpi ne, %convert_element_type3A_2049, %cond3A_2050 : i32
    scf.if %cond3A_2051 {
      %dma_start3A = arith.constant 2 : i32
      %dma_start3A_2213 = arith.constant 2 : i32
      %dma_start3A_2214 = arith.constant 0 : i32
      %dma_start3A_2215 = tpu.memref_slice %arg9[%dma_start3A_2213, %dma_start3A_2214] : memref<8x128xf32, #tpu.memory_space<vmem>> -> memref<1x128xf32, #tpu.memory_space<vmem>>
      %dma_start3A_2216 = tpu.memref_squeeze %dma_start3A_2215 : memref<1x128xf32, #tpu.memory_space<vmem>> -> memref<128xf32, #tpu.memory_space<vmem>>
      %dma_start3A_2217 = arith.constant 0 : i32
      %dma_start3A_2218 = tpu.memref_slice %arg8[%dma_start3A, %dma_start3A_2217] : memref<8x128xi32, #tpu.memory_space<vmem>> -> memref<1x128xi32, #tpu.memory_space<vmem>>
      %dma_start3A_2219 = tpu.memref_squeeze %dma_start3A_2218 : memref<1x128xi32, #tpu.memory_space<vmem>> -> memref<128xi32, #tpu.memory_space<vmem>>
      %dma_start3A_2220 = arith.constant 0 : i32
      %dma_start3A_2221 = tpu.memref_slice %arg3[%dma_start3A_2220] : memref<1088000xf32, #tpu.memory_space<hbm>> -> memref<1088000xf32, #tpu.memory_space<hbm>>
      tpu.enqueue_indirect_dma source(%dma_start3A_2221 : memref<1088000xf32, #tpu.memory_space<hbm>>) target(%dma_start3A_2216 : memref<128xf32, #tpu.memory_space<vmem>>) offsets(%dma_start3A_2219 : memref<128xi32, #tpu.memory_space<vmem>>) semaphore(%arg10 : memref<!tpu.dma_semaphore, #tpu.memory_space<semaphore_mem>>)
    } else {
    }
    %eq3A_2052 = arith.constant 2 : i32
    %eq3A_2053 = arith.cmpi eq, %select_n3A_512, %eq3A_2052 : i32
    %convert_element_type3A_2054 = arith.extui %eq3A_2053 : i1 to i32
    %cond3A_2055 = arith.constant 0 : i32
    %cond3A_2056 = arith.cmpi ne, %convert_element_type3A_2054, %cond3A_2055 : i32
    scf.if %cond3A_2056 {
      %dma_start3A = arith.constant 2 : i32
      %dma_start3A_2213 = arith.constant 2 : i32
      %dma_start3A_2214 = arith.constant 0 : i32
      %dma_start3A_2215 = tpu.memref_slice %arg9[%dma_start3A_2213, %dma_start3A_2214] : memref<8x128xf32, #tpu.memory_space<vmem>> -> memref<1x128xf32, #tpu.memory_space<vmem>>
      %dma_start3A_2216 = tpu.memref_squeeze %dma_start3A_2215 : memref<1x128xf32, #tpu.memory_space<vmem>> -> memref<128xf32, #tpu.memory_space<vmem>>
      %dma_start3A_2217 = arith.constant 0 : i32
      %dma_start3A_2218 = tpu.memref_slice %arg8[%dma_start3A, %dma_start3A_2217] : memref<8x128xi32, #tpu.memory_space<vmem>> -> memref<1x128xi32, #tpu.memory_space<vmem>>
      %dma_start3A_2219 = tpu.memref_squeeze %dma_start3A_2218 : memref<1x128xi32, #tpu.memory_space<vmem>> -> memref<128xi32, #tpu.memory_space<vmem>>
      %dma_start3A_2220 = arith.constant 0 : i32
      %dma_start3A_2221 = tpu.memref_slice %arg4[%dma_start3A_2220] : memref<272000xf32, #tpu.memory_space<hbm>> -> memref<272000xf32, #tpu.memory_space<hbm>>
      tpu.enqueue_indirect_dma source(%dma_start3A_2221 : memref<272000xf32, #tpu.memory_space<hbm>>) target(%dma_start3A_2216 : memref<128xf32, #tpu.memory_space<vmem>>) offsets(%dma_start3A_2219 : memref<128xi32, #tpu.memory_space<vmem>>) semaphore(%arg10 : memref<!tpu.dma_semaphore, #tpu.memory_space<semaphore_mem>>)
    } else {
    }
    %eq3A_2057 = arith.constant 0 : i32
    %eq3A_2058 = arith.cmpi eq, %select_n3A_765, %eq3A_2057 : i32
    %convert_element_type3A_2059 = arith.extui %eq3A_2058 : i1 to i32
    %cond3A_2060 = arith.constant 0 : i32
    %cond3A_2061 = arith.cmpi ne, %convert_element_type3A_2059, %cond3A_2060 : i32
    scf.if %cond3A_2061 {
      %dma_start3A = arith.constant 3 : i32
      %dma_start3A_2213 = arith.constant 3 : i32
      %dma_start3A_2214 = arith.constant 0 : i32
      %dma_start3A_2215 = tpu.memref_slice %arg9[%dma_start3A_2213, %dma_start3A_2214] : memref<8x128xf32, #tpu.memory_space<vmem>> -> memref<1x128xf32, #tpu.memory_space<vmem>>
      %dma_start3A_2216 = tpu.memref_squeeze %dma_start3A_2215 : memref<1x128xf32, #tpu.memory_space<vmem>> -> memref<128xf32, #tpu.memory_space<vmem>>
      %dma_start3A_2217 = arith.constant 0 : i32
      %dma_start3A_2218 = tpu.memref_slice %arg8[%dma_start3A, %dma_start3A_2217] : memref<8x128xi32, #tpu.memory_space<vmem>> -> memref<1x128xi32, #tpu.memory_space<vmem>>
      %dma_start3A_2219 = tpu.memref_squeeze %dma_start3A_2218 : memref<1x128xi32, #tpu.memory_space<vmem>> -> memref<128xi32, #tpu.memory_space<vmem>>
      %dma_start3A_2220 = arith.constant 0 : i32
      %dma_start3A_2221 = tpu.memref_slice %arg2[%dma_start3A_2220] : memref<4352000xf32, #tpu.memory_space<hbm>> -> memref<4352000xf32, #tpu.memory_space<hbm>>
      tpu.enqueue_indirect_dma source(%dma_start3A_2221 : memref<4352000xf32, #tpu.memory_space<hbm>>) target(%dma_start3A_2216 : memref<128xf32, #tpu.memory_space<vmem>>) offsets(%dma_start3A_2219 : memref<128xi32, #tpu.memory_space<vmem>>) semaphore(%arg10 : memref<!tpu.dma_semaphore, #tpu.memory_space<semaphore_mem>>)
    } else {
    }
    %eq3A_2062 = arith.constant 1 : i32
    %eq3A_2063 = arith.cmpi eq, %select_n3A_765, %eq3A_2062 : i32
    %convert_element_type3A_2064 = arith.extui %eq3A_2063 : i1 to i32
    %cond3A_2065 = arith.constant 0 : i32
    %cond3A_2066 = arith.cmpi ne, %convert_element_type3A_2064, %cond3A_2065 : i32
    scf.if %cond3A_2066 {
      %dma_start3A = arith.constant 3 : i32
      %dma_start3A_2213 = arith.constant 3 : i32
      %dma_start3A_2214 = arith.constant 0 : i32
      %dma_start3A_2215 = tpu.memref_slice %arg9[%dma_start3A_2213, %dma_start3A_2214] : memref<8x128xf32, #tpu.memory_space<vmem>> -> memref<1x128xf32, #tpu.memory_space<vmem>>
      %dma_start3A_2216 = tpu.memref_squeeze %dma_start3A_2215 : memref<1x128xf32, #tpu.memory_space<vmem>> -> memref<128xf32, #tpu.memory_space<vmem>>
      %dma_start3A_2217 = arith.constant 0 : i32
      %dma_start3A_2218 = tpu.memref_slice %arg8[%dma_start3A, %dma_start3A_2217] : memref<8x128xi32, #tpu.memory_space<vmem>> -> memref<1x128xi32, #tpu.memory_space<vmem>>
      %dma_start3A_2219 = tpu.memref_squeeze %dma_start3A_2218 : memref<1x128xi32, #tpu.memory_space<vmem>> -> memref<128xi32, #tpu.memory_space<vmem>>
      %dma_start3A_2220 = arith.constant 0 : i32
      %dma_start3A_2221 = tpu.memref_slice %arg3[%dma_start3A_2220] : memref<1088000xf32, #tpu.memory_space<hbm>> -> memref<1088000xf32, #tpu.memory_space<hbm>>
      tpu.enqueue_indirect_dma source(%dma_start3A_2221 : memref<1088000xf32, #tpu.memory_space<hbm>>) target(%dma_start3A_2216 : memref<128xf32, #tpu.memory_space<vmem>>) offsets(%dma_start3A_2219 : memref<128xi32, #tpu.memory_space<vmem>>) semaphore(%arg10 : memref<!tpu.dma_semaphore, #tpu.memory_space<semaphore_mem>>)
    } else {
    }
    %eq3A_2067 = arith.constant 2 : i32
    %eq3A_2068 = arith.cmpi eq, %select_n3A_765, %eq3A_2067 : i32
    %convert_element_type3A_2069 = arith.extui %eq3A_2068 : i1 to i32
    %cond3A_2070 = arith.constant 0 : i32
    %cond3A_2071 = arith.cmpi ne, %convert_element_type3A_2069, %cond3A_2070 : i32
    scf.if %cond3A_2071 {
      %dma_start3A = arith.constant 3 : i32
      %dma_start3A_2213 = arith.constant 3 : i32
      %dma_start3A_2214 = arith.constant 0 : i32
      %dma_start3A_2215 = tpu.memref_slice %arg9[%dma_start3A_2213, %dma_start3A_2214] : memref<8x128xf32, #tpu.memory_space<vmem>> -> memref<1x128xf32, #tpu.memory_space<vmem>>
      %dma_start3A_2216 = tpu.memref_squeeze %dma_start3A_2215 : memref<1x128xf32, #tpu.memory_space<vmem>> -> memref<128xf32, #tpu.memory_space<vmem>>
      %dma_start3A_2217 = arith.constant 0 : i32
      %dma_start3A_2218 = tpu.memref_slice %arg8[%dma_start3A, %dma_start3A_2217] : memref<8x128xi32, #tpu.memory_space<vmem>> -> memref<1x128xi32, #tpu.memory_space<vmem>>
      %dma_start3A_2219 = tpu.memref_squeeze %dma_start3A_2218 : memref<1x128xi32, #tpu.memory_space<vmem>> -> memref<128xi32, #tpu.memory_space<vmem>>
      %dma_start3A_2220 = arith.constant 0 : i32
      %dma_start3A_2221 = tpu.memref_slice %arg4[%dma_start3A_2220] : memref<272000xf32, #tpu.memory_space<hbm>> -> memref<272000xf32, #tpu.memory_space<hbm>>
      tpu.enqueue_indirect_dma source(%dma_start3A_2221 : memref<272000xf32, #tpu.memory_space<hbm>>) target(%dma_start3A_2216 : memref<128xf32, #tpu.memory_space<vmem>>) offsets(%dma_start3A_2219 : memref<128xi32, #tpu.memory_space<vmem>>) semaphore(%arg10 : memref<!tpu.dma_semaphore, #tpu.memory_space<semaphore_mem>>)
    } else {
    }
    %eq3A_2072 = arith.constant 0 : i32
    %eq3A_2073 = arith.cmpi eq, %select_n3A_1018, %eq3A_2072 : i32
    %convert_element_type3A_2074 = arith.extui %eq3A_2073 : i1 to i32
    %cond3A_2075 = arith.constant 0 : i32
    %cond3A_2076 = arith.cmpi ne, %convert_element_type3A_2074, %cond3A_2075 : i32
    scf.if %cond3A_2076 {
      %dma_start3A = arith.constant 4 : i32
      %dma_start3A_2213 = arith.constant 4 : i32
      %dma_start3A_2214 = arith.constant 0 : i32
      %dma_start3A_2215 = tpu.memref_slice %arg9[%dma_start3A_2213, %dma_start3A_2214] : memref<8x128xf32, #tpu.memory_space<vmem>> -> memref<1x128xf32, #tpu.memory_space<vmem>>
      %dma_start3A_2216 = tpu.memref_squeeze %dma_start3A_2215 : memref<1x128xf32, #tpu.memory_space<vmem>> -> memref<128xf32, #tpu.memory_space<vmem>>
      %dma_start3A_2217 = arith.constant 0 : i32
      %dma_start3A_2218 = tpu.memref_slice %arg8[%dma_start3A, %dma_start3A_2217] : memref<8x128xi32, #tpu.memory_space<vmem>> -> memref<1x128xi32, #tpu.memory_space<vmem>>
      %dma_start3A_2219 = tpu.memref_squeeze %dma_start3A_2218 : memref<1x128xi32, #tpu.memory_space<vmem>> -> memref<128xi32, #tpu.memory_space<vmem>>
      %dma_start3A_2220 = arith.constant 0 : i32
      %dma_start3A_2221 = tpu.memref_slice %arg2[%dma_start3A_2220] : memref<4352000xf32, #tpu.memory_space<hbm>> -> memref<4352000xf32, #tpu.memory_space<hbm>>
      tpu.enqueue_indirect_dma source(%dma_start3A_2221 : memref<4352000xf32, #tpu.memory_space<hbm>>) target(%dma_start3A_2216 : memref<128xf32, #tpu.memory_space<vmem>>) offsets(%dma_start3A_2219 : memref<128xi32, #tpu.memory_space<vmem>>) semaphore(%arg10 : memref<!tpu.dma_semaphore, #tpu.memory_space<semaphore_mem>>)
    } else {
    }
    %eq3A_2077 = arith.constant 1 : i32
    %eq3A_2078 = arith.cmpi eq, %select_n3A_1018, %eq3A_2077 : i32
    %convert_element_type3A_2079 = arith.extui %eq3A_2078 : i1 to i32
    %cond3A_2080 = arith.constant 0 : i32
    %cond3A_2081 = arith.cmpi ne, %convert_element_type3A_2079, %cond3A_2080 : i32
    scf.if %cond3A_2081 {
      %dma_start3A = arith.constant 4 : i32
      %dma_start3A_2213 = arith.constant 4 : i32
      %dma_start3A_2214 = arith.constant 0 : i32
      %dma_start3A_2215 = tpu.memref_slice %arg9[%dma_start3A_2213, %dma_start3A_2214] : memref<8x128xf32, #tpu.memory_space<vmem>> -> memref<1x128xf32, #tpu.memory_space<vmem>>
      %dma_start3A_2216 = tpu.memref_squeeze %dma_start3A_2215 : memref<1x128xf32, #tpu.memory_space<vmem>> -> memref<128xf32, #tpu.memory_space<vmem>>
      %dma_start3A_2217 = arith.constant 0 : i32
      %dma_start3A_2218 = tpu.memref_slice %arg8[%dma_start3A, %dma_start3A_2217] : memref<8x128xi32, #tpu.memory_space<vmem>> -> memref<1x128xi32, #tpu.memory_space<vmem>>
      %dma_start3A_2219 = tpu.memref_squeeze %dma_start3A_2218 : memref<1x128xi32, #tpu.memory_space<vmem>> -> memref<128xi32, #tpu.memory_space<vmem>>
      %dma_start3A_2220 = arith.constant 0 : i32
      %dma_start3A_2221 = tpu.memref_slice %arg3[%dma_start3A_2220] : memref<1088000xf32, #tpu.memory_space<hbm>> -> memref<1088000xf32, #tpu.memory_space<hbm>>
      tpu.enqueue_indirect_dma source(%dma_start3A_2221 : memref<1088000xf32, #tpu.memory_space<hbm>>) target(%dma_start3A_2216 : memref<128xf32, #tpu.memory_space<vmem>>) offsets(%dma_start3A_2219 : memref<128xi32, #tpu.memory_space<vmem>>) semaphore(%arg10 : memref<!tpu.dma_semaphore, #tpu.memory_space<semaphore_mem>>)
    } else {
    }
    %eq3A_2082 = arith.constant 2 : i32
    %eq3A_2083 = arith.cmpi eq, %select_n3A_1018, %eq3A_2082 : i32
    %convert_element_type3A_2084 = arith.extui %eq3A_2083 : i1 to i32
    %cond3A_2085 = arith.constant 0 : i32
    %cond3A_2086 = arith.cmpi ne, %convert_element_type3A_2084, %cond3A_2085 : i32
    scf.if %cond3A_2086 {
      %dma_start3A = arith.constant 4 : i32
      %dma_start3A_2213 = arith.constant 4 : i32
      %dma_start3A_2214 = arith.constant 0 : i32
      %dma_start3A_2215 = tpu.memref_slice %arg9[%dma_start3A_2213, %dma_start3A_2214] : memref<8x128xf32, #tpu.memory_space<vmem>> -> memref<1x128xf32, #tpu.memory_space<vmem>>
      %dma_start3A_2216 = tpu.memref_squeeze %dma_start3A_2215 : memref<1x128xf32, #tpu.memory_space<vmem>> -> memref<128xf32, #tpu.memory_space<vmem>>
      %dma_start3A_2217 = arith.constant 0 : i32
      %dma_start3A_2218 = tpu.memref_slice %arg8[%dma_start3A, %dma_start3A_2217] : memref<8x128xi32, #tpu.memory_space<vmem>> -> memref<1x128xi32, #tpu.memory_space<vmem>>
      %dma_start3A_2219 = tpu.memref_squeeze %dma_start3A_2218 : memref<1x128xi32, #tpu.memory_space<vmem>> -> memref<128xi32, #tpu.memory_space<vmem>>
      %dma_start3A_2220 = arith.constant 0 : i32
      %dma_start3A_2221 = tpu.memref_slice %arg4[%dma_start3A_2220] : memref<272000xf32, #tpu.memory_space<hbm>> -> memref<272000xf32, #tpu.memory_space<hbm>>
      tpu.enqueue_indirect_dma source(%dma_start3A_2221 : memref<272000xf32, #tpu.memory_space<hbm>>) target(%dma_start3A_2216 : memref<128xf32, #tpu.memory_space<vmem>>) offsets(%dma_start3A_2219 : memref<128xi32, #tpu.memory_space<vmem>>) semaphore(%arg10 : memref<!tpu.dma_semaphore, #tpu.memory_space<semaphore_mem>>)
    } else {
    }
    %eq3A_2087 = arith.constant 0 : i32
    %eq3A_2088 = arith.cmpi eq, %select_n3A_1271, %eq3A_2087 : i32
    %convert_element_type3A_2089 = arith.extui %eq3A_2088 : i1 to i32
    %cond3A_2090 = arith.constant 0 : i32
    %cond3A_2091 = arith.cmpi ne, %convert_element_type3A_2089, %cond3A_2090 : i32
    scf.if %cond3A_2091 {
      %dma_start3A = arith.constant 5 : i32
      %dma_start3A_2213 = arith.constant 5 : i32
      %dma_start3A_2214 = arith.constant 0 : i32
      %dma_start3A_2215 = tpu.memref_slice %arg9[%dma_start3A_2213, %dma_start3A_2214] : memref<8x128xf32, #tpu.memory_space<vmem>> -> memref<1x128xf32, #tpu.memory_space<vmem>>
      %dma_start3A_2216 = tpu.memref_squeeze %dma_start3A_2215 : memref<1x128xf32, #tpu.memory_space<vmem>> -> memref<128xf32, #tpu.memory_space<vmem>>
      %dma_start3A_2217 = arith.constant 0 : i32
      %dma_start3A_2218 = tpu.memref_slice %arg8[%dma_start3A, %dma_start3A_2217] : memref<8x128xi32, #tpu.memory_space<vmem>> -> memref<1x128xi32, #tpu.memory_space<vmem>>
      %dma_start3A_2219 = tpu.memref_squeeze %dma_start3A_2218 : memref<1x128xi32, #tpu.memory_space<vmem>> -> memref<128xi32, #tpu.memory_space<vmem>>
      %dma_start3A_2220 = arith.constant 0 : i32
      %dma_start3A_2221 = tpu.memref_slice %arg2[%dma_start3A_2220] : memref<4352000xf32, #tpu.memory_space<hbm>> -> memref<4352000xf32, #tpu.memory_space<hbm>>
      tpu.enqueue_indirect_dma source(%dma_start3A_2221 : memref<4352000xf32, #tpu.memory_space<hbm>>) target(%dma_start3A_2216 : memref<128xf32, #tpu.memory_space<vmem>>) offsets(%dma_start3A_2219 : memref<128xi32, #tpu.memory_space<vmem>>) semaphore(%arg10 : memref<!tpu.dma_semaphore, #tpu.memory_space<semaphore_mem>>)
    } else {
    }
    %eq3A_2092 = arith.constant 1 : i32
    %eq3A_2093 = arith.cmpi eq, %select_n3A_1271, %eq3A_2092 : i32
    %convert_element_type3A_2094 = arith.extui %eq3A_2093 : i1 to i32
    %cond3A_2095 = arith.constant 0 : i32
    %cond3A_2096 = arith.cmpi ne, %convert_element_type3A_2094, %cond3A_2095 : i32
    scf.if %cond3A_2096 {
      %dma_start3A = arith.constant 5 : i32
      %dma_start3A_2213 = arith.constant 5 : i32
      %dma_start3A_2214 = arith.constant 0 : i32
      %dma_start3A_2215 = tpu.memref_slice %arg9[%dma_start3A_2213, %dma_start3A_2214] : memref<8x128xf32, #tpu.memory_space<vmem>> -> memref<1x128xf32, #tpu.memory_space<vmem>>
      %dma_start3A_2216 = tpu.memref_squeeze %dma_start3A_2215 : memref<1x128xf32, #tpu.memory_space<vmem>> -> memref<128xf32, #tpu.memory_space<vmem>>
      %dma_start3A_2217 = arith.constant 0 : i32
      %dma_start3A_2218 = tpu.memref_slice %arg8[%dma_start3A, %dma_start3A_2217] : memref<8x128xi32, #tpu.memory_space<vmem>> -> memref<1x128xi32, #tpu.memory_space<vmem>>
      %dma_start3A_2219 = tpu.memref_squeeze %dma_start3A_2218 : memref<1x128xi32, #tpu.memory_space<vmem>> -> memref<128xi32, #tpu.memory_space<vmem>>
      %dma_start3A_2220 = arith.constant 0 : i32
      %dma_start3A_2221 = tpu.memref_slice %arg3[%dma_start3A_2220] : memref<1088000xf32, #tpu.memory_space<hbm>> -> memref<1088000xf32, #tpu.memory_space<hbm>>
      tpu.enqueue_indirect_dma source(%dma_start3A_2221 : memref<1088000xf32, #tpu.memory_space<hbm>>) target(%dma_start3A_2216 : memref<128xf32, #tpu.memory_space<vmem>>) offsets(%dma_start3A_2219 : memref<128xi32, #tpu.memory_space<vmem>>) semaphore(%arg10 : memref<!tpu.dma_semaphore, #tpu.memory_space<semaphore_mem>>)
    } else {
    }
    %eq3A_2097 = arith.constant 2 : i32
    %eq3A_2098 = arith.cmpi eq, %select_n3A_1271, %eq3A_2097 : i32
    %convert_element_type3A_2099 = arith.extui %eq3A_2098 : i1 to i32
    %cond3A_2100 = arith.constant 0 : i32
    %cond3A_2101 = arith.cmpi ne, %convert_element_type3A_2099, %cond3A_2100 : i32
    scf.if %cond3A_2101 {
      %dma_start3A = arith.constant 5 : i32
      %dma_start3A_2213 = arith.constant 5 : i32
      %dma_start3A_2214 = arith.constant 0 : i32
      %dma_start3A_2215 = tpu.memref_slice %arg9[%dma_start3A_2213, %dma_start3A_2214] : memref<8x128xf32, #tpu.memory_space<vmem>> -> memref<1x128xf32, #tpu.memory_space<vmem>>
      %dma_start3A_2216 = tpu.memref_squeeze %dma_start3A_2215 : memref<1x128xf32, #tpu.memory_space<vmem>> -> memref<128xf32, #tpu.memory_space<vmem>>
      %dma_start3A_2217 = arith.constant 0 : i32
      %dma_start3A_2218 = tpu.memref_slice %arg8[%dma_start3A, %dma_start3A_2217] : memref<8x128xi32, #tpu.memory_space<vmem>> -> memref<1x128xi32, #tpu.memory_space<vmem>>
      %dma_start3A_2219 = tpu.memref_squeeze %dma_start3A_2218 : memref<1x128xi32, #tpu.memory_space<vmem>> -> memref<128xi32, #tpu.memory_space<vmem>>
      %dma_start3A_2220 = arith.constant 0 : i32
      %dma_start3A_2221 = tpu.memref_slice %arg4[%dma_start3A_2220] : memref<272000xf32, #tpu.memory_space<hbm>> -> memref<272000xf32, #tpu.memory_space<hbm>>
      tpu.enqueue_indirect_dma source(%dma_start3A_2221 : memref<272000xf32, #tpu.memory_space<hbm>>) target(%dma_start3A_2216 : memref<128xf32, #tpu.memory_space<vmem>>) offsets(%dma_start3A_2219 : memref<128xi32, #tpu.memory_space<vmem>>) semaphore(%arg10 : memref<!tpu.dma_semaphore, #tpu.memory_space<semaphore_mem>>)
    } else {
    }
    %eq3A_2102 = arith.constant 0 : i32
    %eq3A_2103 = arith.cmpi eq, %select_n3A_1524, %eq3A_2102 : i32
    %convert_element_type3A_2104 = arith.extui %eq3A_2103 : i1 to i32
    %cond3A_2105 = arith.constant 0 : i32
    %cond3A_2106 = arith.cmpi ne, %convert_element_type3A_2104, %cond3A_2105 : i32
    scf.if %cond3A_2106 {
      %dma_start3A = arith.constant 6 : i32
      %dma_start3A_2213 = arith.constant 6 : i32
      %dma_start3A_2214 = arith.constant 0 : i32
      %dma_start3A_2215 = tpu.memref_slice %arg9[%dma_start3A_2213, %dma_start3A_2214] : memref<8x128xf32, #tpu.memory_space<vmem>> -> memref<1x128xf32, #tpu.memory_space<vmem>>
      %dma_start3A_2216 = tpu.memref_squeeze %dma_start3A_2215 : memref<1x128xf32, #tpu.memory_space<vmem>> -> memref<128xf32, #tpu.memory_space<vmem>>
      %dma_start3A_2217 = arith.constant 0 : i32
      %dma_start3A_2218 = tpu.memref_slice %arg8[%dma_start3A, %dma_start3A_2217] : memref<8x128xi32, #tpu.memory_space<vmem>> -> memref<1x128xi32, #tpu.memory_space<vmem>>
      %dma_start3A_2219 = tpu.memref_squeeze %dma_start3A_2218 : memref<1x128xi32, #tpu.memory_space<vmem>> -> memref<128xi32, #tpu.memory_space<vmem>>
      %dma_start3A_2220 = arith.constant 0 : i32
      %dma_start3A_2221 = tpu.memref_slice %arg2[%dma_start3A_2220] : memref<4352000xf32, #tpu.memory_space<hbm>> -> memref<4352000xf32, #tpu.memory_space<hbm>>
      tpu.enqueue_indirect_dma source(%dma_start3A_2221 : memref<4352000xf32, #tpu.memory_space<hbm>>) target(%dma_start3A_2216 : memref<128xf32, #tpu.memory_space<vmem>>) offsets(%dma_start3A_2219 : memref<128xi32, #tpu.memory_space<vmem>>) semaphore(%arg10 : memref<!tpu.dma_semaphore, #tpu.memory_space<semaphore_mem>>)
    } else {
    }
    %eq3A_2107 = arith.constant 1 : i32
    %eq3A_2108 = arith.cmpi eq, %select_n3A_1524, %eq3A_2107 : i32
    %convert_element_type3A_2109 = arith.extui %eq3A_2108 : i1 to i32
    %cond3A_2110 = arith.constant 0 : i32
    %cond3A_2111 = arith.cmpi ne, %convert_element_type3A_2109, %cond3A_2110 : i32
    scf.if %cond3A_2111 {
      %dma_start3A = arith.constant 6 : i32
      %dma_start3A_2213 = arith.constant 6 : i32
      %dma_start3A_2214 = arith.constant 0 : i32
      %dma_start3A_2215 = tpu.memref_slice %arg9[%dma_start3A_2213, %dma_start3A_2214] : memref<8x128xf32, #tpu.memory_space<vmem>> -> memref<1x128xf32, #tpu.memory_space<vmem>>
      %dma_start3A_2216 = tpu.memref_squeeze %dma_start3A_2215 : memref<1x128xf32, #tpu.memory_space<vmem>> -> memref<128xf32, #tpu.memory_space<vmem>>
      %dma_start3A_2217 = arith.constant 0 : i32
      %dma_start3A_2218 = tpu.memref_slice %arg8[%dma_start3A, %dma_start3A_2217] : memref<8x128xi32, #tpu.memory_space<vmem>> -> memref<1x128xi32, #tpu.memory_space<vmem>>
      %dma_start3A_2219 = tpu.memref_squeeze %dma_start3A_2218 : memref<1x128xi32, #tpu.memory_space<vmem>> -> memref<128xi32, #tpu.memory_space<vmem>>
      %dma_start3A_2220 = arith.constant 0 : i32
      %dma_start3A_2221 = tpu.memref_slice %arg3[%dma_start3A_2220] : memref<1088000xf32, #tpu.memory_space<hbm>> -> memref<1088000xf32, #tpu.memory_space<hbm>>
      tpu.enqueue_indirect_dma source(%dma_start3A_2221 : memref<1088000xf32, #tpu.memory_space<hbm>>) target(%dma_start3A_2216 : memref<128xf32, #tpu.memory_space<vmem>>) offsets(%dma_start3A_2219 : memref<128xi32, #tpu.memory_space<vmem>>) semaphore(%arg10 : memref<!tpu.dma_semaphore, #tpu.memory_space<semaphore_mem>>)
    } else {
    }
    %eq3A_2112 = arith.constant 2 : i32
    %eq3A_2113 = arith.cmpi eq, %select_n3A_1524, %eq3A_2112 : i32
    %convert_element_type3A_2114 = arith.extui %eq3A_2113 : i1 to i32
    %cond3A_2115 = arith.constant 0 : i32
    %cond3A_2116 = arith.cmpi ne, %convert_element_type3A_2114, %cond3A_2115 : i32
    scf.if %cond3A_2116 {
      %dma_start3A = arith.constant 6 : i32
      %dma_start3A_2213 = arith.constant 6 : i32
      %dma_start3A_2214 = arith.constant 0 : i32
      %dma_start3A_2215 = tpu.memref_slice %arg9[%dma_start3A_2213, %dma_start3A_2214] : memref<8x128xf32, #tpu.memory_space<vmem>> -> memref<1x128xf32, #tpu.memory_space<vmem>>
      %dma_start3A_2216 = tpu.memref_squeeze %dma_start3A_2215 : memref<1x128xf32, #tpu.memory_space<vmem>> -> memref<128xf32, #tpu.memory_space<vmem>>
      %dma_start3A_2217 = arith.constant 0 : i32
      %dma_start3A_2218 = tpu.memref_slice %arg8[%dma_start3A, %dma_start3A_2217] : memref<8x128xi32, #tpu.memory_space<vmem>> -> memref<1x128xi32, #tpu.memory_space<vmem>>
      %dma_start3A_2219 = tpu.memref_squeeze %dma_start3A_2218 : memref<1x128xi32, #tpu.memory_space<vmem>> -> memref<128xi32, #tpu.memory_space<vmem>>
      %dma_start3A_2220 = arith.constant 0 : i32
      %dma_start3A_2221 = tpu.memref_slice %arg4[%dma_start3A_2220] : memref<272000xf32, #tpu.memory_space<hbm>> -> memref<272000xf32, #tpu.memory_space<hbm>>
      tpu.enqueue_indirect_dma source(%dma_start3A_2221 : memref<272000xf32, #tpu.memory_space<hbm>>) target(%dma_start3A_2216 : memref<128xf32, #tpu.memory_space<vmem>>) offsets(%dma_start3A_2219 : memref<128xi32, #tpu.memory_space<vmem>>) semaphore(%arg10 : memref<!tpu.dma_semaphore, #tpu.memory_space<semaphore_mem>>)
    } else {
    }
    %eq3A_2117 = arith.constant 0 : i32
    %eq3A_2118 = arith.cmpi eq, %select_n3A_1777, %eq3A_2117 : i32
    %convert_element_type3A_2119 = arith.extui %eq3A_2118 : i1 to i32
    %cond3A_2120 = arith.constant 0 : i32
    %cond3A_2121 = arith.cmpi ne, %convert_element_type3A_2119, %cond3A_2120 : i32
    scf.if %cond3A_2121 {
      %dma_start3A = arith.constant 7 : i32
      %dma_start3A_2213 = arith.constant 7 : i32
      %dma_start3A_2214 = arith.constant 0 : i32
      %dma_start3A_2215 = tpu.memref_slice %arg9[%dma_start3A_2213, %dma_start3A_2214] : memref<8x128xf32, #tpu.memory_space<vmem>> -> memref<1x128xf32, #tpu.memory_space<vmem>>
      %dma_start3A_2216 = tpu.memref_squeeze %dma_start3A_2215 : memref<1x128xf32, #tpu.memory_space<vmem>> -> memref<128xf32, #tpu.memory_space<vmem>>
      %dma_start3A_2217 = arith.constant 0 : i32
      %dma_start3A_2218 = tpu.memref_slice %arg8[%dma_start3A, %dma_start3A_2217] : memref<8x128xi32, #tpu.memory_space<vmem>> -> memref<1x128xi32, #tpu.memory_space<vmem>>
      %dma_start3A_2219 = tpu.memref_squeeze %dma_start3A_2218 : memref<1x128xi32, #tpu.memory_space<vmem>> -> memref<128xi32, #tpu.memory_space<vmem>>
      %dma_start3A_2220 = arith.constant 0 : i32
      %dma_start3A_2221 = tpu.memref_slice %arg2[%dma_start3A_2220] : memref<4352000xf32, #tpu.memory_space<hbm>> -> memref<4352000xf32, #tpu.memory_space<hbm>>
      tpu.enqueue_indirect_dma source(%dma_start3A_2221 : memref<4352000xf32, #tpu.memory_space<hbm>>) target(%dma_start3A_2216 : memref<128xf32, #tpu.memory_space<vmem>>) offsets(%dma_start3A_2219 : memref<128xi32, #tpu.memory_space<vmem>>) semaphore(%arg10 : memref<!tpu.dma_semaphore, #tpu.memory_space<semaphore_mem>>)
    } else {
    }
    %eq3A_2122 = arith.constant 1 : i32
    %eq3A_2123 = arith.cmpi eq, %select_n3A_1777, %eq3A_2122 : i32
    %convert_element_type3A_2124 = arith.extui %eq3A_2123 : i1 to i32
    %cond3A_2125 = arith.constant 0 : i32
    %cond3A_2126 = arith.cmpi ne, %convert_element_type3A_2124, %cond3A_2125 : i32
    scf.if %cond3A_2126 {
      %dma_start3A = arith.constant 7 : i32
      %dma_start3A_2213 = arith.constant 7 : i32
      %dma_start3A_2214 = arith.constant 0 : i32
      %dma_start3A_2215 = tpu.memref_slice %arg9[%dma_start3A_2213, %dma_start3A_2214] : memref<8x128xf32, #tpu.memory_space<vmem>> -> memref<1x128xf32, #tpu.memory_space<vmem>>
      %dma_start3A_2216 = tpu.memref_squeeze %dma_start3A_2215 : memref<1x128xf32, #tpu.memory_space<vmem>> -> memref<128xf32, #tpu.memory_space<vmem>>
      %dma_start3A_2217 = arith.constant 0 : i32
      %dma_start3A_2218 = tpu.memref_slice %arg8[%dma_start3A, %dma_start3A_2217] : memref<8x128xi32, #tpu.memory_space<vmem>> -> memref<1x128xi32, #tpu.memory_space<vmem>>
      %dma_start3A_2219 = tpu.memref_squeeze %dma_start3A_2218 : memref<1x128xi32, #tpu.memory_space<vmem>> -> memref<128xi32, #tpu.memory_space<vmem>>
      %dma_start3A_2220 = arith.constant 0 : i32
      %dma_start3A_2221 = tpu.memref_slice %arg3[%dma_start3A_2220] : memref<1088000xf32, #tpu.memory_space<hbm>> -> memref<1088000xf32, #tpu.memory_space<hbm>>
      tpu.enqueue_indirect_dma source(%dma_start3A_2221 : memref<1088000xf32, #tpu.memory_space<hbm>>) target(%dma_start3A_2216 : memref<128xf32, #tpu.memory_space<vmem>>) offsets(%dma_start3A_2219 : memref<128xi32, #tpu.memory_space<vmem>>) semaphore(%arg10 : memref<!tpu.dma_semaphore, #tpu.memory_space<semaphore_mem>>)
    } else {
    }
    %eq3A_2127 = arith.constant 2 : i32
    %eq3A_2128 = arith.cmpi eq, %select_n3A_1777, %eq3A_2127 : i32
    %convert_element_type3A_2129 = arith.extui %eq3A_2128 : i1 to i32
    %cond3A_2130 = arith.constant 0 : i32
    %cond3A_2131 = arith.cmpi ne, %convert_element_type3A_2129, %cond3A_2130 : i32
    scf.if %cond3A_2131 {
      %dma_start3A = arith.constant 7 : i32
      %dma_start3A_2213 = arith.constant 7 : i32
      %dma_start3A_2214 = arith.constant 0 : i32
      %dma_start3A_2215 = tpu.memref_slice %arg9[%dma_start3A_2213, %dma_start3A_2214] : memref<8x128xf32, #tpu.memory_space<vmem>> -> memref<1x128xf32, #tpu.memory_space<vmem>>
      %dma_start3A_2216 = tpu.memref_squeeze %dma_start3A_2215 : memref<1x128xf32, #tpu.memory_space<vmem>> -> memref<128xf32, #tpu.memory_space<vmem>>
      %dma_start3A_2217 = arith.constant 0 : i32
      %dma_start3A_2218 = tpu.memref_slice %arg8[%dma_start3A, %dma_start3A_2217] : memref<8x128xi32, #tpu.memory_space<vmem>> -> memref<1x128xi32, #tpu.memory_space<vmem>>
      %dma_start3A_2219 = tpu.memref_squeeze %dma_start3A_2218 : memref<1x128xi32, #tpu.memory_space<vmem>> -> memref<128xi32, #tpu.memory_space<vmem>>
      %dma_start3A_2220 = arith.constant 0 : i32
      %dma_start3A_2221 = tpu.memref_slice %arg4[%dma_start3A_2220] : memref<272000xf32, #tpu.memory_space<hbm>> -> memref<272000xf32, #tpu.memory_space<hbm>>
      tpu.enqueue_indirect_dma source(%dma_start3A_2221 : memref<272000xf32, #tpu.memory_space<hbm>>) target(%dma_start3A_2216 : memref<128xf32, #tpu.memory_space<vmem>>) offsets(%dma_start3A_2219 : memref<128xi32, #tpu.memory_space<vmem>>) semaphore(%arg10 : memref<!tpu.dma_semaphore, #tpu.memory_space<semaphore_mem>>)
    } else {
    }
    %dma_wait3A = arith.constant 0 : i32
    %dma_wait3A_2132 = arith.constant 0 : i32
    %dma_wait3A_2133 = arith.constant 0 : i32
    %dma_wait3A_2134 = tpu.memref_slice %arg9[%dma_wait3A_2132, %dma_wait3A_2133] : memref<8x128xf32, #tpu.memory_space<vmem>> -> memref<1x128xf32, #tpu.memory_space<vmem>>
    %dma_wait3A_2135 = tpu.memref_squeeze %dma_wait3A_2134 : memref<1x128xf32, #tpu.memory_space<vmem>> -> memref<128xf32, #tpu.memory_space<vmem>>
    %dma_wait3A_2136 = arith.constant 0 : i32
    %dma_wait3A_2137 = tpu.memref_slice %arg8[%dma_wait3A, %dma_wait3A_2136] : memref<8x128xi32, #tpu.memory_space<vmem>> -> memref<1x128xi32, #tpu.memory_space<vmem>>
    %dma_wait3A_2138 = tpu.memref_squeeze %dma_wait3A_2137 : memref<1x128xi32, #tpu.memory_space<vmem>> -> memref<128xi32, #tpu.memory_space<vmem>>
    %dma_wait3A_2139 = arith.constant 0 : i32
    %dma_wait3A_2140 = tpu.memref_slice %arg2[%dma_wait3A_2139] : memref<4352000xf32, #tpu.memory_space<hbm>> -> memref<4352000xf32, #tpu.memory_space<hbm>>
    tpu.wait_indirect_dma semaphore(%arg10 : memref<!tpu.dma_semaphore, #tpu.memory_space<semaphore_mem>>) src(%dma_wait3A_2140 : memref<4352000xf32, #tpu.memory_space<hbm>>) dst(%dma_wait3A_2135 : memref<128xf32, #tpu.memory_space<vmem>>)
    %dma_wait3A_2141 = arith.constant 1 : i32
    %dma_wait3A_2142 = arith.constant 1 : i32
    %dma_wait3A_2143 = arith.constant 0 : i32
    %dma_wait3A_2144 = tpu.memref_slice %arg9[%dma_wait3A_2142, %dma_wait3A_2143] : memref<8x128xf32, #tpu.memory_space<vmem>> -> memref<1x128xf32, #tpu.memory_space<vmem>>
    %dma_wait3A_2145 = tpu.memref_squeeze %dma_wait3A_2144 : memref<1x128xf32, #tpu.memory_space<vmem>> -> memref<128xf32, #tpu.memory_space<vmem>>
    %dma_wait3A_2146 = arith.constant 0 : i32
    %dma_wait3A_2147 = tpu.memref_slice %arg8[%dma_wait3A_2141, %dma_wait3A_2146] : memref<8x128xi32, #tpu.memory_space<vmem>> -> memref<1x128xi32, #tpu.memory_space<vmem>>
    %dma_wait3A_2148 = tpu.memref_squeeze %dma_wait3A_2147 : memref<1x128xi32, #tpu.memory_space<vmem>> -> memref<128xi32, #tpu.memory_space<vmem>>
    %dma_wait3A_2149 = arith.constant 0 : i32
    %dma_wait3A_2150 = tpu.memref_slice %arg2[%dma_wait3A_2149] : memref<4352000xf32, #tpu.memory_space<hbm>> -> memref<4352000xf32, #tpu.memory_space<hbm>>
    tpu.wait_indirect_dma semaphore(%arg10 : memref<!tpu.dma_semaphore, #tpu.memory_space<semaphore_mem>>) src(%dma_wait3A_2150 : memref<4352000xf32, #tpu.memory_space<hbm>>) dst(%dma_wait3A_2145 : memref<128xf32, #tpu.memory_space<vmem>>)
    %dma_wait3A_2151 = arith.constant 2 : i32
    %dma_wait3A_2152 = arith.constant 2 : i32
    %dma_wait3A_2153 = arith.constant 0 : i32
    %dma_wait3A_2154 = tpu.memref_slice %arg9[%dma_wait3A_2152, %dma_wait3A_2153] : memref<8x128xf32, #tpu.memory_space<vmem>> -> memref<1x128xf32, #tpu.memory_space<vmem>>
    %dma_wait3A_2155 = tpu.memref_squeeze %dma_wait3A_2154 : memref<1x128xf32, #tpu.memory_space<vmem>> -> memref<128xf32, #tpu.memory_space<vmem>>
    %dma_wait3A_2156 = arith.constant 0 : i32
    %dma_wait3A_2157 = tpu.memref_slice %arg8[%dma_wait3A_2151, %dma_wait3A_2156] : memref<8x128xi32, #tpu.memory_space<vmem>> -> memref<1x128xi32, #tpu.memory_space<vmem>>
    %dma_wait3A_2158 = tpu.memref_squeeze %dma_wait3A_2157 : memref<1x128xi32, #tpu.memory_space<vmem>> -> memref<128xi32, #tpu.memory_space<vmem>>
    %dma_wait3A_2159 = arith.constant 0 : i32
    %dma_wait3A_2160 = tpu.memref_slice %arg2[%dma_wait3A_2159] : memref<4352000xf32, #tpu.memory_space<hbm>> -> memref<4352000xf32, #tpu.memory_space<hbm>>
    tpu.wait_indirect_dma semaphore(%arg10 : memref<!tpu.dma_semaphore, #tpu.memory_space<semaphore_mem>>) src(%dma_wait3A_2160 : memref<4352000xf32, #tpu.memory_space<hbm>>) dst(%dma_wait3A_2155 : memref<128xf32, #tpu.memory_space<vmem>>)
    %dma_wait3A_2161 = arith.constant 3 : i32
    %dma_wait3A_2162 = arith.constant 3 : i32
    %dma_wait3A_2163 = arith.constant 0 : i32
    %dma_wait3A_2164 = tpu.memref_slice %arg9[%dma_wait3A_2162, %dma_wait3A_2163] : memref<8x128xf32, #tpu.memory_space<vmem>> -> memref<1x128xf32, #tpu.memory_space<vmem>>
    %dma_wait3A_2165 = tpu.memref_squeeze %dma_wait3A_2164 : memref<1x128xf32, #tpu.memory_space<vmem>> -> memref<128xf32, #tpu.memory_space<vmem>>
    %dma_wait3A_2166 = arith.constant 0 : i32
    %dma_wait3A_2167 = tpu.memref_slice %arg8[%dma_wait3A_2161, %dma_wait3A_2166] : memref<8x128xi32, #tpu.memory_space<vmem>> -> memref<1x128xi32, #tpu.memory_space<vmem>>
    %dma_wait3A_2168 = tpu.memref_squeeze %dma_wait3A_2167 : memref<1x128xi32, #tpu.memory_space<vmem>> -> memref<128xi32, #tpu.memory_space<vmem>>
    %dma_wait3A_2169 = arith.constant 0 : i32
    %dma_wait3A_2170 = tpu.memref_slice %arg2[%dma_wait3A_2169] : memref<4352000xf32, #tpu.memory_space<hbm>> -> memref<4352000xf32, #tpu.memory_space<hbm>>
    tpu.wait_indirect_dma semaphore(%arg10 : memref<!tpu.dma_semaphore, #tpu.memory_space<semaphore_mem>>) src(%dma_wait3A_2170 : memref<4352000xf32, #tpu.memory_space<hbm>>) dst(%dma_wait3A_2165 : memref<128xf32, #tpu.memory_space<vmem>>)
    %dma_wait3A_2171 = arith.constant 4 : i32
    %dma_wait3A_2172 = arith.constant 4 : i32
    %dma_wait3A_2173 = arith.constant 0 : i32
    %dma_wait3A_2174 = tpu.memref_slice %arg9[%dma_wait3A_2172, %dma_wait3A_2173] : memref<8x128xf32, #tpu.memory_space<vmem>> -> memref<1x128xf32, #tpu.memory_space<vmem>>
    %dma_wait3A_2175 = tpu.memref_squeeze %dma_wait3A_2174 : memref<1x128xf32, #tpu.memory_space<vmem>> -> memref<128xf32, #tpu.memory_space<vmem>>
    %dma_wait3A_2176 = arith.constant 0 : i32
    %dma_wait3A_2177 = tpu.memref_slice %arg8[%dma_wait3A_2171, %dma_wait3A_2176] : memref<8x128xi32, #tpu.memory_space<vmem>> -> memref<1x128xi32, #tpu.memory_space<vmem>>
    %dma_wait3A_2178 = tpu.memref_squeeze %dma_wait3A_2177 : memref<1x128xi32, #tpu.memory_space<vmem>> -> memref<128xi32, #tpu.memory_space<vmem>>
    %dma_wait3A_2179 = arith.constant 0 : i32
    %dma_wait3A_2180 = tpu.memref_slice %arg2[%dma_wait3A_2179] : memref<4352000xf32, #tpu.memory_space<hbm>> -> memref<4352000xf32, #tpu.memory_space<hbm>>
    tpu.wait_indirect_dma semaphore(%arg10 : memref<!tpu.dma_semaphore, #tpu.memory_space<semaphore_mem>>) src(%dma_wait3A_2180 : memref<4352000xf32, #tpu.memory_space<hbm>>) dst(%dma_wait3A_2175 : memref<128xf32, #tpu.memory_space<vmem>>)
    %dma_wait3A_2181 = arith.constant 5 : i32
    %dma_wait3A_2182 = arith.constant 5 : i32
    %dma_wait3A_2183 = arith.constant 0 : i32
    %dma_wait3A_2184 = tpu.memref_slice %arg9[%dma_wait3A_2182, %dma_wait3A_2183] : memref<8x128xf32, #tpu.memory_space<vmem>> -> memref<1x128xf32, #tpu.memory_space<vmem>>
    %dma_wait3A_2185 = tpu.memref_squeeze %dma_wait3A_2184 : memref<1x128xf32, #tpu.memory_space<vmem>> -> memref<128xf32, #tpu.memory_space<vmem>>
    %dma_wait3A_2186 = arith.constant 0 : i32
    %dma_wait3A_2187 = tpu.memref_slice %arg8[%dma_wait3A_2181, %dma_wait3A_2186] : memref<8x128xi32, #tpu.memory_space<vmem>> -> memref<1x128xi32, #tpu.memory_space<vmem>>
    %dma_wait3A_2188 = tpu.memref_squeeze %dma_wait3A_2187 : memref<1x128xi32, #tpu.memory_space<vmem>> -> memref<128xi32, #tpu.memory_space<vmem>>
    %dma_wait3A_2189 = arith.constant 0 : i32
    %dma_wait3A_2190 = tpu.memref_slice %arg2[%dma_wait3A_2189] : memref<4352000xf32, #tpu.memory_space<hbm>> -> memref<4352000xf32, #tpu.memory_space<hbm>>
    tpu.wait_indirect_dma semaphore(%arg10 : memref<!tpu.dma_semaphore, #tpu.memory_space<semaphore_mem>>) src(%dma_wait3A_2190 : memref<4352000xf32, #tpu.memory_space<hbm>>) dst(%dma_wait3A_2185 : memref<128xf32, #tpu.memory_space<vmem>>)
    %dma_wait3A_2191 = arith.constant 6 : i32
    %dma_wait3A_2192 = arith.constant 6 : i32
    %dma_wait3A_2193 = arith.constant 0 : i32
    %dma_wait3A_2194 = tpu.memref_slice %arg9[%dma_wait3A_2192, %dma_wait3A_2193] : memref<8x128xf32, #tpu.memory_space<vmem>> -> memref<1x128xf32, #tpu.memory_space<vmem>>
    %dma_wait3A_2195 = tpu.memref_squeeze %dma_wait3A_2194 : memref<1x128xf32, #tpu.memory_space<vmem>> -> memref<128xf32, #tpu.memory_space<vmem>>
    %dma_wait3A_2196 = arith.constant 0 : i32
    %dma_wait3A_2197 = tpu.memref_slice %arg8[%dma_wait3A_2191, %dma_wait3A_2196] : memref<8x128xi32, #tpu.memory_space<vmem>> -> memref<1x128xi32, #tpu.memory_space<vmem>>
    %dma_wait3A_2198 = tpu.memref_squeeze %dma_wait3A_2197 : memref<1x128xi32, #tpu.memory_space<vmem>> -> memref<128xi32, #tpu.memory_space<vmem>>
    %dma_wait3A_2199 = arith.constant 0 : i32
    %dma_wait3A_2200 = tpu.memref_slice %arg2[%dma_wait3A_2199] : memref<4352000xf32, #tpu.memory_space<hbm>> -> memref<4352000xf32, #tpu.memory_space<hbm>>
    tpu.wait_indirect_dma semaphore(%arg10 : memref<!tpu.dma_semaphore, #tpu.memory_space<semaphore_mem>>) src(%dma_wait3A_2200 : memref<4352000xf32, #tpu.memory_space<hbm>>) dst(%dma_wait3A_2195 : memref<128xf32, #tpu.memory_space<vmem>>)
    %dma_wait3A_2201 = arith.constant 7 : i32
    %dma_wait3A_2202 = arith.constant 7 : i32
    %dma_wait3A_2203 = arith.constant 0 : i32
    %dma_wait3A_2204 = tpu.memref_slice %arg9[%dma_wait3A_2202, %dma_wait3A_2203] : memref<8x128xf32, #tpu.memory_space<vmem>> -> memref<1x128xf32, #tpu.memory_space<vmem>>
    %dma_wait3A_2205 = tpu.memref_squeeze %dma_wait3A_2204 : memref<1x128xf32, #tpu.memory_space<vmem>> -> memref<128xf32, #tpu.memory_space<vmem>>
    %dma_wait3A_2206 = arith.constant 0 : i32
    %dma_wait3A_2207 = tpu.memref_slice %arg8[%dma_wait3A_2201, %dma_wait3A_2206] : memref<8x128xi32, #tpu.memory_space<vmem>> -> memref<1x128xi32, #tpu.memory_space<vmem>>
    %dma_wait3A_2208 = tpu.memref_squeeze %dma_wait3A_2207 : memref<1x128xi32, #tpu.memory_space<vmem>> -> memref<128xi32, #tpu.memory_space<vmem>>
    %dma_wait3A_2209 = arith.constant 0 : i32
    %dma_wait3A_2210 = tpu.memref_slice %arg2[%dma_wait3A_2209] : memref<4352000xf32, #tpu.memory_space<hbm>> -> memref<4352000xf32, #tpu.memory_space<hbm>>
    tpu.wait_indirect_dma semaphore(%arg10 : memref<!tpu.dma_semaphore, #tpu.memory_space<semaphore_mem>>) src(%dma_wait3A_2210 : memref<4352000xf32, #tpu.memory_space<hbm>>) dst(%dma_wait3A_2205 : memref<128xf32, #tpu.memory_space<vmem>>)
    %mul3A_2211 = arith.constant 8 : i32
    %mul3A_2212 = arith.muli %add3A, %mul3A_2211 : i32
    "tpu.region"() ({
      %run_scoped3A = tpu.sem_alloc : memref<!tpu.dma_semaphore, #tpu.memory_space<semaphore_mem>>
      %dma_start3A = arith.constant 0 : i32
      %dma_start3A_2213 = tpu.memref_slice %arg6[%mul3A_2212, %dma_start3A] : memref<256x128xf32, #tpu.memory_space<hbm>> -> memref<8x128xf32, #tpu.memory_space<hbm>>
      %dma_start3A_2214 = arith.constant 0 : i32
      %dma_start3A_2215 = tpu.memref_slice %arg6[%mul3A_2212, %dma_start3A_2214] : memref<256x128xf32, #tpu.memory_space<hbm>> -> memref<8x128xf32, #tpu.memory_space<hbm>>
      tpu.enqueue_dma source(%arg9 : memref<8x128xf32, #tpu.memory_space<vmem>>) target(%dma_start3A_2215 : memref<8x128xf32, #tpu.memory_space<hbm>>) target_semaphore(%run_scoped3A : memref<!tpu.dma_semaphore, #tpu.memory_space<semaphore_mem>>)
      %dma_wait3A_2216 = arith.constant 0 : i32
      %dma_wait3A_2217 = tpu.memref_slice %arg6[%mul3A_2212, %dma_wait3A_2216] : memref<256x128xf32, #tpu.memory_space<hbm>> -> memref<8x128xf32, #tpu.memory_space<hbm>>
      %dma_wait3A_2218 = arith.constant 0 : i32
      %dma_wait3A_2219 = tpu.memref_slice %arg6[%mul3A_2212, %dma_wait3A_2218] : memref<256x128xf32, #tpu.memory_space<hbm>> -> memref<8x128xf32, #tpu.memory_space<hbm>>
      tpu.wait_dma2 semaphore(%run_scoped3A : memref<!tpu.dma_semaphore, #tpu.memory_space<semaphore_mem>>) src(%arg9 : memref<8x128xf32, #tpu.memory_space<vmem>>) dst(%dma_wait3A_2219 : memref<8x128xf32, #tpu.memory_space<hbm>>)
      tpu.yield
    }) : () -> ()
    return
  }
}

module attributes {stable_mosaic.version = 14 : i64} {
  func.func @_tc_body(%arg0: i32, %arg1: memref<8x1x80x80xf32, #tpu.memory_space<vmem>>, %arg2: memref<8x1x40x40xf32, #tpu.memory_space<vmem>>, %arg3: memref<8x1x20x20xf32, #tpu.memory_space<vmem>>, %arg4: memref<256x128xf32, #tpu.memory_space<vmem>>, %arg5: memref<256x4xf32, #tpu.memory_space<vmem>>, %arg6: memref<4x256xf32, #tpu.memory_space<vmem>>, %arg7: memref<256x1xi32, #tpu.memory_space<vmem>>, %arg8: memref<1x1xf32, #tpu.memory_space<smem>>, %arg9: memref<1x1xf32, #tpu.memory_space<smem>>, %arg10: memref<1x1xf32, #tpu.memory_space<smem>>, %arg11: memref<1x1xf32, #tpu.memory_space<smem>>) attributes {dimension_semantics = [#tpu.dimension_semantics<arbitrary>], iteration_bounds = array<i64: 1>, scalar_prefetch = 0 : i64, scratch_operands = 0 : i64, tpu.core_type = #tpu.core_type<tc>, window_params = [{transform_indices = @transform_0, window_bounds = array<i64: 8, 1, 80, 80>}, {transform_indices = @transform_1, window_bounds = array<i64: 8, 1, 40, 40>}, {transform_indices = @transform_2, window_bounds = array<i64: 8, 1, 20, 20>}, {pipeline_mode = #tpu.pipeline_mode<synchronous>, transform_indices = @transform_3, window_bounds = array<i64: 256, 128>}, {pipeline_mode = #tpu.pipeline_mode<synchronous>, transform_indices = @transform_4, window_bounds = array<i64: 256, 4>}, {pipeline_mode = #tpu.pipeline_mode<synchronous>, transform_indices = @transform_5, window_bounds = array<i64: 4, 256>}, {pipeline_mode = #tpu.pipeline_mode<synchronous>, transform_indices = @transform_6, window_bounds = array<i64: 256, 1>}, {transform_indices = @transform_7, window_bounds = array<i64: 1, 1>}, {transform_indices = @transform_8, window_bounds = array<i64: 1, 1>}, {transform_indices = @transform_9, window_bounds = array<i64: 1, 1>}, {transform_indices = @transform_10, window_bounds = array<i64: 1, 1>}]} {
    %get3A = arith.constant 0 : index
    %get3A_0 = arith.constant 0 : index
    %get3A_1 = vector.load %arg5[%get3A, %get3A_0] : memref<256x4xf32, #tpu.memory_space<vmem>>, vector<256x4xf32>
    %get3A_2 = arith.constant 0 : index
    %get3A_3 = arith.constant 0 : index
    %get3A_4 = vector.load %arg6[%get3A_2, %get3A_3] : memref<4x256xf32, #tpu.memory_space<vmem>>, vector<4x256xf32>
    %get3A_5 = arith.constant 0 : index
    %get3A_6 = arith.constant 0 : index
    %get3A_7 = vector.load %arg4[%get3A_5, %get3A_6] : memref<256x128xf32, #tpu.memory_space<vmem>>, vector<256x128xf32>
    %get3A_8 = arith.constant 0 : index
    %get3A_9 = arith.constant 0 : index
    %get3A_10 = vector.load %arg7[%get3A_8, %get3A_9] : memref<256x1xi32, #tpu.memory_space<vmem>>, vector<256x1xi32>
    %slice3A = vector.extract_strided_slice %get3A_1 {offsets = [0, 0], sizes = [256, 1], strides = [1, 1]} : vector<256x4xf32> to vector<256x1xf32>
    %slice3A_11 = vector.extract_strided_slice %get3A_1 {offsets = [0, 1], sizes = [256, 1], strides = [1, 1]} : vector<256x4xf32> to vector<256x1xf32>
    %slice3A_12 = vector.extract_strided_slice %get3A_1 {offsets = [0, 2], sizes = [256, 1], strides = [1, 1]} : vector<256x4xf32> to vector<256x1xf32>
    %slice3A_13 = vector.extract_strided_slice %get3A_1 {offsets = [0, 3], sizes = [256, 1], strides = [1, 1]} : vector<256x4xf32> to vector<256x1xf32>
    %mul3A = arith.mulf %slice3A_12, %slice3A_13 : vector<256x1xf32>
    %lt3A = arith.constant 2.000000e-02 : f32
    %lt3A_14 = vector.broadcast %lt3A : f32 to vector<256x1xf32>
    %lt3A_15 = arith.cmpf olt, %mul3A, %lt3A_14 : vector<256x1xf32>
    %lt3A_16 = arith.constant 1.000000e-01 : f32
    %lt3A_17 = vector.broadcast %lt3A_16 : f32 to vector<256x1xf32>
    %lt3A_18 = arith.cmpf olt, %mul3A, %lt3A_17 : vector<256x1xf32>
    %jit3A = arith.constant 1 : i32
    %jit3A_19 = arith.constant 2 : i32
    %broadcast_in_dim3A = vector.broadcast %jit3A : i32 to vector<256x1xi32>
    %broadcast_in_dim3A_20 = vector.broadcast %jit3A_19 : i32 to vector<256x1xi32>
    %select_n3A = arith.select %lt3A_18, %broadcast_in_dim3A, %broadcast_in_dim3A_20 : vector<256x1xi1>, vector<256x1xi32>
    %jit3A_21 = arith.constant 0 : i32
    %broadcast_in_dim3A_22 = vector.broadcast %jit3A_21 : i32 to vector<256x1xi32>
    %select_n3A_23 = arith.select %lt3A_15, %broadcast_in_dim3A_22, %select_n3A : vector<256x1xi1>, vector<256x1xi32>
    %eq3A = arith.constant 0 : i32
    %eq3A_24 = vector.broadcast %eq3A : i32 to vector<256x1xi32>
    %eq3A_25 = arith.cmpi eq, %select_n3A_23, %eq3A_24 : vector<256x1xi32>
    %eq3A_26 = arith.constant 1 : i32
    %eq3A_27 = vector.broadcast %eq3A_26 : i32 to vector<256x1xi32>
    %eq3A_28 = arith.cmpi eq, %select_n3A_23, %eq3A_27 : vector<256x1xi32>
    %jit3A_29 = arith.constant 4.000000e+01 : f32
    %jit3A_30 = arith.constant 2.000000e+01 : f32
    %broadcast_in_dim3A_31 = vector.broadcast %jit3A_29 : f32 to vector<256x1xf32>
    %broadcast_in_dim3A_32 = vector.broadcast %jit3A_30 : f32 to vector<256x1xf32>
    %select_n3A_33 = arith.select %eq3A_28, %broadcast_in_dim3A_31, %broadcast_in_dim3A_32 : vector<256x1xi1>, vector<256x1xf32>
    %jit3A_34 = arith.constant 8.000000e+01 : f32
    %broadcast_in_dim3A_35 = vector.broadcast %jit3A_34 : f32 to vector<256x1xf32>
    %select_n3A_36 = arith.select %eq3A_25, %broadcast_in_dim3A_35, %select_n3A_33 : vector<256x1xi1>, vector<256x1xf32>
    %mul3A_37 = arith.mulf %slice3A, %select_n3A_36 : vector<256x1xf32>
    %sub3A = arith.constant 1.000000e+00 : f32
    %sub3A_38 = vector.broadcast %sub3A : f32 to vector<256x1xf32>
    %sub3A_39 = arith.subf %select_n3A_36, %sub3A_38 : vector<256x1xf32>
    %jit3A_40 = arith.constant 0.000000e+00 : f32
    %max3A = vector.broadcast %jit3A_40 : f32 to vector<256x1xf32>
    %max3A_41 = arith.maximumf %max3A, %mul3A_37 : vector<256x1xf32>
    %min3A = arith.minimumf %sub3A_39, %max3A_41 : vector<256x1xf32>
    %convert_element_type3A = arith.fptosi %min3A : vector<256x1xf32> to vector<256x1xi32>
    %convert_element_type3A_42 = arith.sitofp %convert_element_type3A : vector<256x1xi32> to vector<256x1xf32>
    %gt3A = arith.cmpf ogt, %convert_element_type3A_42, %min3A : vector<256x1xf32>
    %convert_element_type3A_43 = arith.extui %gt3A : vector<256x1xi1> to vector<256x1xi32>
    %sub3A_44 = arith.subi %convert_element_type3A, %convert_element_type3A_43 : vector<256x1xi32>
    %mul3A_45 = arith.mulf %slice3A_11, %select_n3A_36 : vector<256x1xf32>
    %sub3A_46 = arith.constant 1.000000e+00 : f32
    %sub3A_47 = vector.broadcast %sub3A_46 : f32 to vector<256x1xf32>
    %sub3A_48 = arith.subf %select_n3A_36, %sub3A_47 : vector<256x1xf32>
    %jit3A_49 = arith.constant 0.000000e+00 : f32
    %max3A_50 = vector.broadcast %jit3A_49 : f32 to vector<256x1xf32>
    %max3A_51 = arith.maximumf %max3A_50, %mul3A_45 : vector<256x1xf32>
    %min3A_52 = arith.minimumf %sub3A_48, %max3A_51 : vector<256x1xf32>
    %convert_element_type3A_53 = arith.fptosi %min3A_52 : vector<256x1xf32> to vector<256x1xi32>
    %convert_element_type3A_54 = arith.sitofp %convert_element_type3A_53 : vector<256x1xi32> to vector<256x1xf32>
    %gt3A_55 = arith.cmpf ogt, %convert_element_type3A_54, %min3A_52 : vector<256x1xf32>
    %convert_element_type3A_56 = arith.extui %gt3A_55 : vector<256x1xi1> to vector<256x1xi32>
    %sub3A_57 = arith.subi %convert_element_type3A_53, %convert_element_type3A_56 : vector<256x1xi32>
    %iota3A = tpu.iota {dimensions = array<i32: 0>} : vector<256x1xi32>
    %jit3A_58 = arith.constant 32 : i32
    %div3A = vector.broadcast %jit3A_58 : i32 to vector<256x1xi32>
    %div3A_59 = arith.divsi %iota3A, %div3A : vector<256x1xi32>
    %sign3A = arith.constant 0 : i32
    %sign3A_60 = vector.broadcast %sign3A : i32 to vector<256x1xi32>
    %sign3A_61 = arith.cmpi sgt, %iota3A, %sign3A_60 : vector<256x1xi32>
    %sign3A_62 = arith.extui %sign3A_61 : vector<256x1xi1> to vector<256x1xi32>
    %sign3A_63 = arith.constant 0 : i32
    %sign3A_64 = vector.broadcast %sign3A_63 : i32 to vector<256x1xi32>
    %sign3A_65 = arith.cmpi slt, %iota3A, %sign3A_64 : vector<256x1xi32>
    %sign3A_66 = arith.extui %sign3A_65 : vector<256x1xi1> to vector<256x1xi32>
    %sign3A_67 = arith.subi %sign3A_62, %sign3A_66 : vector<256x1xi32>
    %sign3A_68 = arith.constant 0 : i32
    %sign3A_69 = arith.cmpi sgt, %jit3A_58, %sign3A_68 : i32
    %sign3A_70 = arith.extui %sign3A_69 : i1 to i32
    %sign3A_71 = arith.constant 0 : i32
    %sign3A_72 = arith.cmpi slt, %jit3A_58, %sign3A_71 : i32
    %sign3A_73 = arith.extui %sign3A_72 : i1 to i32
    %sign3A_74 = arith.subi %sign3A_70, %sign3A_73 : i32
    %ne3A = vector.broadcast %sign3A_74 : i32 to vector<256x1xi32>
    %ne3A_75 = arith.cmpi ne, %sign3A_67, %ne3A : vector<256x1xi32>
    %rem3A = vector.broadcast %jit3A_58 : i32 to vector<256x1xi32>
    %rem3A_76 = arith.remsi %iota3A, %rem3A : vector<256x1xi32>
    %ne3A_77 = arith.constant 0 : i32
    %ne3A_78 = vector.broadcast %ne3A_77 : i32 to vector<256x1xi32>
    %ne3A_79 = arith.cmpi ne, %rem3A_76, %ne3A_78 : vector<256x1xi32>
    %and3A = arith.andi %ne3A_75, %ne3A_79 : vector<256x1xi1>
    %sub3A_80 = arith.constant 1 : i32
    %sub3A_81 = vector.broadcast %sub3A_80 : i32 to vector<256x1xi32>
    %sub3A_82 = arith.subi %div3A_59, %sub3A_81 : vector<256x1xi32>
    %select_n3A_83 = arith.select %and3A, %sub3A_82, %div3A_59 : vector<256x1xi1>, vector<256x1xi32>
    %mul3A_84 = arith.constant 3 : i32
    %mul3A_85 = vector.broadcast %mul3A_84 : i32 to vector<256x1xi32>
    %mul3A_86 = arith.muli %select_n3A_83, %mul3A_85 : vector<256x1xi32>
    %add3A = arith.addi %mul3A_86, %select_n3A_23 : vector<256x1xi32>
    %mul3A_87 = arith.constant 128 : i32
    %mul3A_88 = vector.broadcast %mul3A_87 : i32 to vector<256x1xi32>
    %mul3A_89 = arith.muli %add3A, %mul3A_88 : vector<256x1xi32>
    %add3A_90 = arith.addi %mul3A_89, %sub3A_57 : vector<256x1xi32>
    %mul3A_91 = arith.constant 128 : i32
    %mul3A_92 = vector.broadcast %mul3A_91 : i32 to vector<256x1xi32>
    %mul3A_93 = arith.muli %add3A_90, %mul3A_92 : vector<256x1xi32>
    %add3A_94 = arith.addi %mul3A_93, %sub3A_44 : vector<256x1xi32>
    %slice3A_95 = vector.extract_strided_slice %get3A_4 {offsets = [0, 0], sizes = [1, 256], strides = [1, 1]} : vector<4x256xf32> to vector<1x256xf32>
    %slice3A_96 = vector.extract_strided_slice %get3A_4 {offsets = [1, 0], sizes = [1, 256], strides = [1, 1]} : vector<4x256xf32> to vector<1x256xf32>
    %slice3A_97 = vector.extract_strided_slice %get3A_4 {offsets = [2, 0], sizes = [1, 256], strides = [1, 1]} : vector<4x256xf32> to vector<1x256xf32>
    %slice3A_98 = vector.extract_strided_slice %get3A_4 {offsets = [3, 0], sizes = [1, 256], strides = [1, 1]} : vector<4x256xf32> to vector<1x256xf32>
    %mul3A_99 = arith.mulf %slice3A_97, %slice3A_98 : vector<1x256xf32>
    %lt3A_100 = arith.constant 2.000000e-02 : f32
    %lt3A_101 = vector.broadcast %lt3A_100 : f32 to vector<1x256xf32>
    %lt3A_102 = arith.cmpf olt, %mul3A_99, %lt3A_101 : vector<1x256xf32>
    %lt3A_103 = arith.constant 1.000000e-01 : f32
    %lt3A_104 = vector.broadcast %lt3A_103 : f32 to vector<1x256xf32>
    %lt3A_105 = arith.cmpf olt, %mul3A_99, %lt3A_104 : vector<1x256xf32>
    %jit3A_106 = arith.constant 1 : i32
    %jit3A_107 = arith.constant 2 : i32
    %broadcast_in_dim3A_108 = vector.broadcast %jit3A_106 : i32 to vector<1x256xi32>
    %broadcast_in_dim3A_109 = vector.broadcast %jit3A_107 : i32 to vector<1x256xi32>
    %select_n3A_110 = arith.select %lt3A_105, %broadcast_in_dim3A_108, %broadcast_in_dim3A_109 : vector<1x256xi1>, vector<1x256xi32>
    %jit3A_111 = arith.constant 0 : i32
    %broadcast_in_dim3A_112 = vector.broadcast %jit3A_111 : i32 to vector<1x256xi32>
    %select_n3A_113 = arith.select %lt3A_102, %broadcast_in_dim3A_112, %select_n3A_110 : vector<1x256xi1>, vector<1x256xi32>
    %eq3A_114 = arith.constant 0 : i32
    %eq3A_115 = vector.broadcast %eq3A_114 : i32 to vector<1x256xi32>
    %eq3A_116 = arith.cmpi eq, %select_n3A_113, %eq3A_115 : vector<1x256xi32>
    %eq3A_117 = arith.constant 1 : i32
    %eq3A_118 = vector.broadcast %eq3A_117 : i32 to vector<1x256xi32>
    %eq3A_119 = arith.cmpi eq, %select_n3A_113, %eq3A_118 : vector<1x256xi32>
    %jit3A_120 = arith.constant 4.000000e+01 : f32
    %jit3A_121 = arith.constant 2.000000e+01 : f32
    %broadcast_in_dim3A_122 = vector.broadcast %jit3A_120 : f32 to vector<1x256xf32>
    %broadcast_in_dim3A_123 = vector.broadcast %jit3A_121 : f32 to vector<1x256xf32>
    %select_n3A_124 = arith.select %eq3A_119, %broadcast_in_dim3A_122, %broadcast_in_dim3A_123 : vector<1x256xi1>, vector<1x256xf32>
    %jit3A_125 = arith.constant 8.000000e+01 : f32
    %broadcast_in_dim3A_126 = vector.broadcast %jit3A_125 : f32 to vector<1x256xf32>
    %select_n3A_127 = arith.select %eq3A_116, %broadcast_in_dim3A_126, %select_n3A_124 : vector<1x256xi1>, vector<1x256xf32>
    %mul3A_128 = arith.mulf %slice3A_95, %select_n3A_127 : vector<1x256xf32>
    %sub3A_129 = arith.constant 1.000000e+00 : f32
    %sub3A_130 = vector.broadcast %sub3A_129 : f32 to vector<1x256xf32>
    %sub3A_131 = arith.subf %select_n3A_127, %sub3A_130 : vector<1x256xf32>
    %jit3A_132 = arith.constant 0.000000e+00 : f32
    %max3A_133 = vector.broadcast %jit3A_132 : f32 to vector<1x256xf32>
    %max3A_134 = arith.maximumf %max3A_133, %mul3A_128 : vector<1x256xf32>
    %min3A_135 = arith.minimumf %sub3A_131, %max3A_134 : vector<1x256xf32>
    %convert_element_type3A_136 = arith.fptosi %min3A_135 : vector<1x256xf32> to vector<1x256xi32>
    %convert_element_type3A_137 = arith.sitofp %convert_element_type3A_136 : vector<1x256xi32> to vector<1x256xf32>
    %gt3A_138 = arith.cmpf ogt, %convert_element_type3A_137, %min3A_135 : vector<1x256xf32>
    %convert_element_type3A_139 = arith.extui %gt3A_138 : vector<1x256xi1> to vector<1x256xi32>
    %sub3A_140 = arith.subi %convert_element_type3A_136, %convert_element_type3A_139 : vector<1x256xi32>
    %mul3A_141 = arith.mulf %slice3A_96, %select_n3A_127 : vector<1x256xf32>
    %sub3A_142 = arith.constant 1.000000e+00 : f32
    %sub3A_143 = vector.broadcast %sub3A_142 : f32 to vector<1x256xf32>
    %sub3A_144 = arith.subf %select_n3A_127, %sub3A_143 : vector<1x256xf32>
    %jit3A_145 = arith.constant 0.000000e+00 : f32
    %max3A_146 = vector.broadcast %jit3A_145 : f32 to vector<1x256xf32>
    %max3A_147 = arith.maximumf %max3A_146, %mul3A_141 : vector<1x256xf32>
    %min3A_148 = arith.minimumf %sub3A_144, %max3A_147 : vector<1x256xf32>
    %convert_element_type3A_149 = arith.fptosi %min3A_148 : vector<1x256xf32> to vector<1x256xi32>
    %convert_element_type3A_150 = arith.sitofp %convert_element_type3A_149 : vector<1x256xi32> to vector<1x256xf32>
    %gt3A_151 = arith.cmpf ogt, %convert_element_type3A_150, %min3A_148 : vector<1x256xf32>
    %convert_element_type3A_152 = arith.extui %gt3A_151 : vector<1x256xi1> to vector<1x256xi32>
    %sub3A_153 = arith.subi %convert_element_type3A_149, %convert_element_type3A_152 : vector<1x256xi32>
    %iota3A_154 = tpu.iota {dimensions = array<i32: 1>} : vector<1x256xi32>
    %jit3A_155 = arith.constant 32 : i32
    %div3A_156 = vector.broadcast %jit3A_155 : i32 to vector<1x256xi32>
    %div3A_157 = arith.divsi %iota3A_154, %div3A_156 : vector<1x256xi32>
    %sign3A_158 = arith.constant 0 : i32
    %sign3A_159 = vector.broadcast %sign3A_158 : i32 to vector<1x256xi32>
    %sign3A_160 = arith.cmpi sgt, %iota3A_154, %sign3A_159 : vector<1x256xi32>
    %sign3A_161 = arith.extui %sign3A_160 : vector<1x256xi1> to vector<1x256xi32>
    %sign3A_162 = arith.constant 0 : i32
    %sign3A_163 = vector.broadcast %sign3A_162 : i32 to vector<1x256xi32>
    %sign3A_164 = arith.cmpi slt, %iota3A_154, %sign3A_163 : vector<1x256xi32>
    %sign3A_165 = arith.extui %sign3A_164 : vector<1x256xi1> to vector<1x256xi32>
    %sign3A_166 = arith.subi %sign3A_161, %sign3A_165 : vector<1x256xi32>
    %sign3A_167 = arith.constant 0 : i32
    %sign3A_168 = arith.cmpi sgt, %jit3A_155, %sign3A_167 : i32
    %sign3A_169 = arith.extui %sign3A_168 : i1 to i32
    %sign3A_170 = arith.constant 0 : i32
    %sign3A_171 = arith.cmpi slt, %jit3A_155, %sign3A_170 : i32
    %sign3A_172 = arith.extui %sign3A_171 : i1 to i32
    %sign3A_173 = arith.subi %sign3A_169, %sign3A_172 : i32
    %ne3A_174 = vector.broadcast %sign3A_173 : i32 to vector<1x256xi32>
    %ne3A_175 = arith.cmpi ne, %sign3A_166, %ne3A_174 : vector<1x256xi32>
    %rem3A_176 = vector.broadcast %jit3A_155 : i32 to vector<1x256xi32>
    %rem3A_177 = arith.remsi %iota3A_154, %rem3A_176 : vector<1x256xi32>
    %ne3A_178 = arith.constant 0 : i32
    %ne3A_179 = vector.broadcast %ne3A_178 : i32 to vector<1x256xi32>
    %ne3A_180 = arith.cmpi ne, %rem3A_177, %ne3A_179 : vector<1x256xi32>
    %and3A_181 = arith.andi %ne3A_175, %ne3A_180 : vector<1x256xi1>
    %sub3A_182 = arith.constant 1 : i32
    %sub3A_183 = vector.broadcast %sub3A_182 : i32 to vector<1x256xi32>
    %sub3A_184 = arith.subi %div3A_157, %sub3A_183 : vector<1x256xi32>
    %select_n3A_185 = arith.select %and3A_181, %sub3A_184, %div3A_157 : vector<1x256xi1>, vector<1x256xi32>
    %mul3A_186 = arith.constant 3 : i32
    %mul3A_187 = vector.broadcast %mul3A_186 : i32 to vector<1x256xi32>
    %mul3A_188 = arith.muli %select_n3A_185, %mul3A_187 : vector<1x256xi32>
    %add3A_189 = arith.addi %mul3A_188, %select_n3A_113 : vector<1x256xi32>
    %mul3A_190 = arith.constant 128 : i32
    %mul3A_191 = vector.broadcast %mul3A_190 : i32 to vector<1x256xi32>
    %mul3A_192 = arith.muli %add3A_189, %mul3A_191 : vector<1x256xi32>
    %add3A_193 = arith.addi %mul3A_192, %sub3A_153 : vector<1x256xi32>
    %mul3A_194 = arith.constant 128 : i32
    %mul3A_195 = vector.broadcast %mul3A_194 : i32 to vector<1x256xi32>
    %mul3A_196 = arith.muli %add3A_193, %mul3A_195 : vector<1x256xi32>
    %add3A_197 = arith.addi %mul3A_196, %sub3A_140 : vector<1x256xi32>
    %iota3A_198 = tpu.iota {dimensions = array<i32: 0>} : vector<256x256xi32>
    %iota3A_199 = tpu.iota {dimensions = array<i32: 1>} : vector<256x256xi32>
    %eq3A_200 = vector.broadcast %add3A_94 : vector<256x1xi32> to vector<256x256xi32>
    %eq3A_201 = vector.broadcast %add3A_197 : vector<1x256xi32> to vector<256x256xi32>
    %eq3A_202 = arith.cmpi eq, %eq3A_200, %eq3A_201 : vector<256x256xi32>
    %lt3A_203 = arith.cmpi slt, %iota3A_199, %iota3A_198 : vector<256x256xi32>
    %and3A_204 = arith.andi %eq3A_202, %lt3A_203 : vector<256x256xi1>
    %reduce_or3A = arith.constant 1.000000e+00 : f32
    %reduce_or3A_205 = arith.constant 0.000000e+00 : f32
    %reduce_or3A_206 = vector.broadcast %reduce_or3A : f32 to vector<256x256xf32>
    %reduce_or3A_207 = vector.broadcast %reduce_or3A_205 : f32 to vector<256x256xf32>
    %reduce_or3A_208 = arith.select %and3A_204, %reduce_or3A_206, %reduce_or3A_207 : vector<256x256xi1>, vector<256x256xf32>
    %reduce_or3A_209 = arith.constant dense<0xFF800000> : vector<256xf32>
    %reduce_or3A_210 = vector.multi_reduction <maximumf>, %reduce_or3A_208, %reduce_or3A_209 [1] : vector<256x256xf32> to vector<256xf32>
    %reduce_or3A_211 = arith.constant 0.000000e+00 : f32
    %reduce_or3A_212 = vector.broadcast %reduce_or3A_211 : f32 to vector<256xf32>
    %reduce_or3A_213 = arith.cmpf ogt, %reduce_or3A_210, %reduce_or3A_212 : vector<256xf32>
    %broadcast_in_dim3A_214 = vector.shape_cast %reduce_or3A_213 : vector<256xi1> to vector<256x1xi1>
    %not3A = arith.constant dense<true> : vector<256x1xi1>
    %not3A_215 = arith.xori %broadcast_in_dim3A_214, %not3A : vector<256x1xi1>
    %slice3A_216 = vector.extract_strided_slice %get3A_7 {offsets = [0, 5], sizes = [256, 80], strides = [1, 1]} : vector<256x128xf32> to vector<256x80xf32>
    %iota3A_217 = tpu.iota {dimensions = array<i32: 1>} : vector<256x80xi32>
    %eq3A_218 = vector.broadcast %get3A_10 : vector<256x1xi32> to vector<256x80xi32>
    %eq3A_219 = arith.cmpi eq, %eq3A_218, %iota3A_217 : vector<256x80xi32>
    %convert_element_type3A_220 = arith.extui %eq3A_219 : vector<256x80xi1> to vector<256x80xi32>
    %convert_element_type3A_221 = arith.sitofp %convert_element_type3A_220 : vector<256x80xi32> to vector<256x80xf32>
    %max3A_222 = arith.constant 0.000000e+00 : f32
    %max3A_223 = vector.broadcast %max3A_222 : f32 to vector<256x80xf32>
    %max3A_224 = arith.maximumf %slice3A_216, %max3A_223 : vector<256x80xf32>
    %abs3A = math.absf %slice3A_216 : vector<256x80xf32>
    %neg3A = arith.constant 0.000000e+00 : f32
    %neg3A_225 = vector.broadcast %neg3A : f32 to vector<256x80xf32>
    %neg3A_226 = arith.subf %neg3A_225, %abs3A : vector<256x80xf32>
    %exp3A = math.exp %neg3A_226 : vector<256x80xf32>
    %log1p3A = math.log1p %exp3A : vector<256x80xf32>
    %add3A_227 = arith.addf %max3A_224, %log1p3A : vector<256x80xf32>
    %reduce_sum3A = arith.constant dense<0.000000e+00> : vector<256xf32>
    %reduce_sum3A_228 = vector.multi_reduction <add>, %add3A_227, %reduce_sum3A [1] : vector<256x80xf32> to vector<256xf32>
    %broadcast_in_dim3A_229 = vector.shape_cast %reduce_sum3A_228 : vector<256xf32> to vector<256x1xf32>
    %mul3A_230 = arith.mulf %convert_element_type3A_221, %slice3A_216 : vector<256x80xf32>
    %reduce_sum3A_231 = arith.constant dense<0.000000e+00> : vector<256xf32>
    %reduce_sum3A_232 = vector.multi_reduction <add>, %mul3A_230, %reduce_sum3A_231 [1] : vector<256x80xf32> to vector<256xf32>
    %broadcast_in_dim3A_233 = vector.shape_cast %reduce_sum3A_232 : vector<256xf32> to vector<256x1xf32>
    %sub3A_234 = arith.subf %broadcast_in_dim3A_229, %broadcast_in_dim3A_233 : vector<256x1xf32>
    %slice3A_235 = vector.extract_strided_slice %get3A_7 {offsets = [0, 0], sizes = [256, 4], strides = [1, 1]} : vector<256x128xf32> to vector<256x4xf32>
    %neg3A_236 = arith.constant 0.000000e+00 : f32
    %neg3A_237 = vector.broadcast %neg3A_236 : f32 to vector<256x4xf32>
    %neg3A_238 = arith.subf %neg3A_237, %slice3A_235 : vector<256x4xf32>
    %exp3A_239 = math.exp %neg3A_238 : vector<256x4xf32>
    %add3A_240 = arith.constant 1.000000e+00 : f32
    %add3A_241 = vector.broadcast %add3A_240 : f32 to vector<256x4xf32>
    %add3A_242 = arith.addf %add3A_241, %exp3A_239 : vector<256x4xf32>
    %div3A_243 = arith.constant 1.000000e+00 : f32
    %div3A_244 = vector.broadcast %div3A_243 : f32 to vector<256x4xf32>
    %div3A_245 = arith.divf %div3A_244, %add3A_242 : vector<256x4xf32>
    %get3A_246 = arith.constant 0 : index
    %get3A_247 = arith.constant 0 : index
    %get3A_248 = arith.constant 0 : index
    %get3A_249 = arith.constant 0 : index
    %get3A_250 = vector.load %arg1[%get3A_246, %get3A_247, %get3A_248, %get3A_249] : memref<8x1x80x80xf32, #tpu.memory_space<vmem>>, vector<8x1x80x80xf32>
    %max3A_251 = arith.constant 0.000000e+00 : f32
    %max3A_252 = vector.broadcast %max3A_251 : f32 to vector<8x1x80x80xf32>
    %max3A_253 = arith.maximumf %get3A_250, %max3A_252 : vector<8x1x80x80xf32>
    %abs3A_254 = math.absf %get3A_250 : vector<8x1x80x80xf32>
    %neg3A_255 = arith.constant 0.000000e+00 : f32
    %neg3A_256 = vector.broadcast %neg3A_255 : f32 to vector<8x1x80x80xf32>
    %neg3A_257 = arith.subf %neg3A_256, %abs3A_254 : vector<8x1x80x80xf32>
    %exp3A_258 = math.exp %neg3A_257 : vector<8x1x80x80xf32>
    %log1p3A_259 = math.log1p %exp3A_258 : vector<8x1x80x80xf32>
    %add3A_260 = arith.addf %max3A_253, %log1p3A_259 : vector<8x1x80x80xf32>
    %reduce_sum3A_261 = vector.shape_cast %add3A_260 : vector<8x1x80x80xf32> to vector<1x8x1x80x80xf32>
    %reduce_sum3A_262 = arith.constant dense<0.000000e+00> : vector<1xf32>
    %reduce_sum3A_263 = vector.multi_reduction <add>, %reduce_sum3A_261, %reduce_sum3A_262 [1, 2, 3, 4] : vector<1x8x1x80x80xf32> to vector<1xf32>
    %reduce_sum3A_264 = vector.shape_cast %reduce_sum3A_263 : vector<1xf32> to vector<1x1x1x1x1xf32>
    %reduce_sum3A_265 = vector.extract %reduce_sum3A_264[0, 0, 0, 0, 0] : f32 from vector<1x1x1x1x1xf32>
    %eq3A_266 = arith.constant 0 : i32
    %eq3A_267 = vector.broadcast %eq3A_266 : i32 to vector<256x1xi32>
    %eq3A_268 = arith.cmpi eq, %select_n3A_23, %eq3A_267 : vector<256x1xi32>
    %and3A_269 = arith.andi %not3A_215, %eq3A_268 : vector<256x1xi1>
    %convert_element_type3A_270 = arith.extui %and3A_269 : vector<256x1xi1> to vector<256x1xi32>
    %convert_element_type3A_271 = arith.sitofp %convert_element_type3A_270 : vector<256x1xi32> to vector<256x1xf32>
    %reduce_sum3A_272 = vector.shape_cast %convert_element_type3A_271 : vector<256x1xf32> to vector<1x256x1xf32>
    %reduce_sum3A_273 = arith.constant dense<0.000000e+00> : vector<1xf32>
    %reduce_sum3A_274 = vector.multi_reduction <add>, %reduce_sum3A_272, %reduce_sum3A_273 [1, 2] : vector<1x256x1xf32> to vector<1xf32>
    %reduce_sum3A_275 = vector.shape_cast %reduce_sum3A_274 : vector<1xf32> to vector<1x1x1xf32>
    %reduce_sum3A_276 = vector.extract %reduce_sum3A_275[0, 0, 0] : f32 from vector<1x1x1xf32>
    %slice3A_277 = vector.extract_strided_slice %get3A_7 {offsets = [0, 4], sizes = [256, 1], strides = [1, 1]} : vector<256x128xf32> to vector<256x1xf32>
    %mul3A_278 = arith.mulf %convert_element_type3A_271, %slice3A_277 : vector<256x1xf32>
    %reduce_sum3A_279 = vector.shape_cast %mul3A_278 : vector<256x1xf32> to vector<1x256x1xf32>
    %reduce_sum3A_280 = arith.constant dense<0.000000e+00> : vector<1xf32>
    %reduce_sum3A_281 = vector.multi_reduction <add>, %reduce_sum3A_279, %reduce_sum3A_280 [1, 2] : vector<1x256x1xf32> to vector<1xf32>
    %reduce_sum3A_282 = vector.shape_cast %reduce_sum3A_281 : vector<1xf32> to vector<1x1x1xf32>
    %reduce_sum3A_283 = vector.extract %reduce_sum3A_282[0, 0, 0] : f32 from vector<1x1x1xf32>
    %sub3A_284 = arith.subf %reduce_sum3A_265, %reduce_sum3A_283 : f32
    %div3A_285 = arith.constant 5.120000e+04 : f32
    %div3A_286 = arith.divf %sub3A_284, %div3A_285 : f32
    %slice3A_287 = vector.extract_strided_slice %div3A_245 {offsets = [0, 0], sizes = [256, 1], strides = [1, 1]} : vector<256x4xf32> to vector<256x1xf32>
    %convert_element_type3A_288 = arith.sitofp %sub3A_44 : vector<256x1xi32> to vector<256x1xf32>
    %add3A_289 = arith.addf %slice3A_287, %convert_element_type3A_288 : vector<256x1xf32>
    %div3A_290 = arith.constant 8.000000e+01 : f32
    %div3A_291 = vector.broadcast %div3A_290 : f32 to vector<256x1xf32>
    %div3A_292 = arith.divf %add3A_289, %div3A_291 : vector<256x1xf32>
    %slice3A_293 = vector.extract_strided_slice %div3A_245 {offsets = [0, 1], sizes = [256, 1], strides = [1, 1]} : vector<256x4xf32> to vector<256x1xf32>
    %convert_element_type3A_294 = arith.sitofp %sub3A_57 : vector<256x1xi32> to vector<256x1xf32>
    %add3A_295 = arith.addf %slice3A_293, %convert_element_type3A_294 : vector<256x1xf32>
    %div3A_296 = arith.constant 8.000000e+01 : f32
    %div3A_297 = vector.broadcast %div3A_296 : f32 to vector<256x1xf32>
    %div3A_298 = arith.divf %add3A_295, %div3A_297 : vector<256x1xf32>
    %slice3A_299 = vector.extract_strided_slice %div3A_245 {offsets = [0, 2], sizes = [256, 1], strides = [1, 1]} : vector<256x4xf32> to vector<256x1xf32>
    %slice3A_300 = vector.extract_strided_slice %div3A_245 {offsets = [0, 3], sizes = [256, 1], strides = [1, 1]} : vector<256x4xf32> to vector<256x1xf32>
    %concatenate3A = tpu.concatenate %div3A_292, %div3A_298, %slice3A_299, %slice3A_300 in 1 : vector<256x1xf32>, vector<256x1xf32>, vector<256x1xf32>, vector<256x1xf32> -> vector<256x4xf32>
    %sub3A_301 = arith.subf %concatenate3A, %get3A_1 : vector<256x4xf32>
    %abs3A_302 = math.absf %sub3A_301 : vector<256x4xf32>
    %lt3A_303 = arith.constant 1.000000e+00 : f32
    %lt3A_304 = vector.broadcast %lt3A_303 : f32 to vector<256x4xf32>
    %lt3A_305 = arith.cmpf olt, %abs3A_302, %lt3A_304 : vector<256x4xf32>
    %mul3A_306 = arith.constant 5.000000e-01 : f32
    %mul3A_307 = vector.broadcast %mul3A_306 : f32 to vector<256x4xf32>
    %mul3A_308 = arith.mulf %mul3A_307, %sub3A_301 : vector<256x4xf32>
    %mul3A_309 = arith.mulf %mul3A_308, %sub3A_301 : vector<256x4xf32>
    %sub3A_310 = arith.constant 5.000000e-01 : f32
    %sub3A_311 = vector.broadcast %sub3A_310 : f32 to vector<256x4xf32>
    %sub3A_312 = arith.subf %abs3A_302, %sub3A_311 : vector<256x4xf32>
    %select_n3A_313 = arith.select %lt3A_305, %mul3A_309, %sub3A_312 : vector<256x4xi1>, vector<256x4xf32>
    %mul3A_314 = vector.broadcast %convert_element_type3A_271 : vector<256x1xf32> to vector<256x4xf32>
    %mul3A_315 = arith.mulf %mul3A_314, %select_n3A_313 : vector<256x4xf32>
    %reduce_sum3A_316 = vector.shape_cast %mul3A_315 : vector<256x4xf32> to vector<1x256x4xf32>
    %reduce_sum3A_317 = arith.constant dense<0.000000e+00> : vector<1xf32>
    %reduce_sum3A_318 = vector.multi_reduction <add>, %reduce_sum3A_316, %reduce_sum3A_317 [1, 2] : vector<1x256x4xf32> to vector<1xf32>
    %reduce_sum3A_319 = vector.shape_cast %reduce_sum3A_318 : vector<1xf32> to vector<1x1x1xf32>
    %reduce_sum3A_320 = vector.extract %reduce_sum3A_319[0, 0, 0] : f32 from vector<1x1x1xf32>
    %mul3A_321 = arith.constant 4.000000e+00 : f32
    %mul3A_322 = arith.mulf %reduce_sum3A_276, %mul3A_321 : f32
    %max3A_323 = arith.constant 1.000000e+00 : f32
    %max3A_324 = arith.maximumf %mul3A_322, %max3A_323 : f32
    %div3A_325 = arith.divf %reduce_sum3A_320, %max3A_324 : f32
    %mul3A_326 = arith.mulf %convert_element_type3A_271, %sub3A_234 : vector<256x1xf32>
    %reduce_sum3A_327 = vector.shape_cast %mul3A_326 : vector<256x1xf32> to vector<1x256x1xf32>
    %reduce_sum3A_328 = arith.constant dense<0.000000e+00> : vector<1xf32>
    %reduce_sum3A_329 = vector.multi_reduction <add>, %reduce_sum3A_327, %reduce_sum3A_328 [1, 2] : vector<1x256x1xf32> to vector<1xf32>
    %reduce_sum3A_330 = vector.shape_cast %reduce_sum3A_329 : vector<1xf32> to vector<1x1x1xf32>
    %reduce_sum3A_331 = vector.extract %reduce_sum3A_330[0, 0, 0] : f32 from vector<1x1x1xf32>
    %mul3A_332 = arith.constant 8.000000e+01 : f32
    %mul3A_333 = arith.mulf %reduce_sum3A_276, %mul3A_332 : f32
    %max3A_334 = arith.constant 1.000000e+00 : f32
    %max3A_335 = arith.maximumf %mul3A_333, %max3A_334 : f32
    %div3A_336 = arith.divf %reduce_sum3A_331, %max3A_335 : f32
    %add3A_337 = arith.constant 0.000000e+00 : f32
    %add3A_338 = arith.addf %add3A_337, %div3A_286 : f32
    %add3A_339 = arith.constant 0.000000e+00 : f32
    %add3A_340 = arith.addf %add3A_339, %div3A_325 : f32
    %add3A_341 = arith.constant 0.000000e+00 : f32
    %add3A_342 = arith.addf %add3A_341, %div3A_336 : f32
    %get3A_343 = arith.constant 0 : index
    %get3A_344 = arith.constant 0 : index
    %get3A_345 = arith.constant 0 : index
    %get3A_346 = arith.constant 0 : index
    %get3A_347 = vector.load %arg2[%get3A_343, %get3A_344, %get3A_345, %get3A_346] : memref<8x1x40x40xf32, #tpu.memory_space<vmem>>, vector<8x1x40x40xf32>
    %max3A_348 = arith.constant 0.000000e+00 : f32
    %max3A_349 = vector.broadcast %max3A_348 : f32 to vector<8x1x40x40xf32>
    %max3A_350 = arith.maximumf %get3A_347, %max3A_349 : vector<8x1x40x40xf32>
    %abs3A_351 = math.absf %get3A_347 : vector<8x1x40x40xf32>
    %neg3A_352 = arith.constant 0.000000e+00 : f32
    %neg3A_353 = vector.broadcast %neg3A_352 : f32 to vector<8x1x40x40xf32>
    %neg3A_354 = arith.subf %neg3A_353, %abs3A_351 : vector<8x1x40x40xf32>
    %exp3A_355 = math.exp %neg3A_354 : vector<8x1x40x40xf32>
    %log1p3A_356 = math.log1p %exp3A_355 : vector<8x1x40x40xf32>
    %add3A_357 = arith.addf %max3A_350, %log1p3A_356 : vector<8x1x40x40xf32>
    %reduce_sum3A_358 = vector.shape_cast %add3A_357 : vector<8x1x40x40xf32> to vector<1x8x1x40x40xf32>
    %reduce_sum3A_359 = arith.constant dense<0.000000e+00> : vector<1xf32>
    %reduce_sum3A_360 = vector.multi_reduction <add>, %reduce_sum3A_358, %reduce_sum3A_359 [1, 2, 3, 4] : vector<1x8x1x40x40xf32> to vector<1xf32>
    %reduce_sum3A_361 = vector.shape_cast %reduce_sum3A_360 : vector<1xf32> to vector<1x1x1x1x1xf32>
    %reduce_sum3A_362 = vector.extract %reduce_sum3A_361[0, 0, 0, 0, 0] : f32 from vector<1x1x1x1x1xf32>
    %eq3A_363 = arith.constant 1 : i32
    %eq3A_364 = vector.broadcast %eq3A_363 : i32 to vector<256x1xi32>
    %eq3A_365 = arith.cmpi eq, %select_n3A_23, %eq3A_364 : vector<256x1xi32>
    %and3A_366 = arith.andi %not3A_215, %eq3A_365 : vector<256x1xi1>
    %convert_element_type3A_367 = arith.extui %and3A_366 : vector<256x1xi1> to vector<256x1xi32>
    %convert_element_type3A_368 = arith.sitofp %convert_element_type3A_367 : vector<256x1xi32> to vector<256x1xf32>
    %reduce_sum3A_369 = vector.shape_cast %convert_element_type3A_368 : vector<256x1xf32> to vector<1x256x1xf32>
    %reduce_sum3A_370 = arith.constant dense<0.000000e+00> : vector<1xf32>
    %reduce_sum3A_371 = vector.multi_reduction <add>, %reduce_sum3A_369, %reduce_sum3A_370 [1, 2] : vector<1x256x1xf32> to vector<1xf32>
    %reduce_sum3A_372 = vector.shape_cast %reduce_sum3A_371 : vector<1xf32> to vector<1x1x1xf32>
    %reduce_sum3A_373 = vector.extract %reduce_sum3A_372[0, 0, 0] : f32 from vector<1x1x1xf32>
    %slice3A_374 = vector.extract_strided_slice %get3A_7 {offsets = [0, 4], sizes = [256, 1], strides = [1, 1]} : vector<256x128xf32> to vector<256x1xf32>
    %mul3A_375 = arith.mulf %convert_element_type3A_368, %slice3A_374 : vector<256x1xf32>
    %reduce_sum3A_376 = vector.shape_cast %mul3A_375 : vector<256x1xf32> to vector<1x256x1xf32>
    %reduce_sum3A_377 = arith.constant dense<0.000000e+00> : vector<1xf32>
    %reduce_sum3A_378 = vector.multi_reduction <add>, %reduce_sum3A_376, %reduce_sum3A_377 [1, 2] : vector<1x256x1xf32> to vector<1xf32>
    %reduce_sum3A_379 = vector.shape_cast %reduce_sum3A_378 : vector<1xf32> to vector<1x1x1xf32>
    %reduce_sum3A_380 = vector.extract %reduce_sum3A_379[0, 0, 0] : f32 from vector<1x1x1xf32>
    %sub3A_381 = arith.subf %reduce_sum3A_362, %reduce_sum3A_380 : f32
    %div3A_382 = arith.constant 1.280000e+04 : f32
    %div3A_383 = arith.divf %sub3A_381, %div3A_382 : f32
    %slice3A_384 = vector.extract_strided_slice %div3A_245 {offsets = [0, 0], sizes = [256, 1], strides = [1, 1]} : vector<256x4xf32> to vector<256x1xf32>
    %convert_element_type3A_385 = arith.sitofp %sub3A_44 : vector<256x1xi32> to vector<256x1xf32>
    %add3A_386 = arith.addf %slice3A_384, %convert_element_type3A_385 : vector<256x1xf32>
    %div3A_387 = arith.constant 4.000000e+01 : f32
    %div3A_388 = vector.broadcast %div3A_387 : f32 to vector<256x1xf32>
    %div3A_389 = arith.divf %add3A_386, %div3A_388 : vector<256x1xf32>
    %slice3A_390 = vector.extract_strided_slice %div3A_245 {offsets = [0, 1], sizes = [256, 1], strides = [1, 1]} : vector<256x4xf32> to vector<256x1xf32>
    %convert_element_type3A_391 = arith.sitofp %sub3A_57 : vector<256x1xi32> to vector<256x1xf32>
    %add3A_392 = arith.addf %slice3A_390, %convert_element_type3A_391 : vector<256x1xf32>
    %div3A_393 = arith.constant 4.000000e+01 : f32
    %div3A_394 = vector.broadcast %div3A_393 : f32 to vector<256x1xf32>
    %div3A_395 = arith.divf %add3A_392, %div3A_394 : vector<256x1xf32>
    %slice3A_396 = vector.extract_strided_slice %div3A_245 {offsets = [0, 2], sizes = [256, 1], strides = [1, 1]} : vector<256x4xf32> to vector<256x1xf32>
    %slice3A_397 = vector.extract_strided_slice %div3A_245 {offsets = [0, 3], sizes = [256, 1], strides = [1, 1]} : vector<256x4xf32> to vector<256x1xf32>
    %concatenate3A_398 = tpu.concatenate %div3A_389, %div3A_395, %slice3A_396, %slice3A_397 in 1 : vector<256x1xf32>, vector<256x1xf32>, vector<256x1xf32>, vector<256x1xf32> -> vector<256x4xf32>
    %sub3A_399 = arith.subf %concatenate3A_398, %get3A_1 : vector<256x4xf32>
    %abs3A_400 = math.absf %sub3A_399 : vector<256x4xf32>
    %lt3A_401 = arith.constant 1.000000e+00 : f32
    %lt3A_402 = vector.broadcast %lt3A_401 : f32 to vector<256x4xf32>
    %lt3A_403 = arith.cmpf olt, %abs3A_400, %lt3A_402 : vector<256x4xf32>
    %mul3A_404 = arith.constant 5.000000e-01 : f32
    %mul3A_405 = vector.broadcast %mul3A_404 : f32 to vector<256x4xf32>
    %mul3A_406 = arith.mulf %mul3A_405, %sub3A_399 : vector<256x4xf32>
    %mul3A_407 = arith.mulf %mul3A_406, %sub3A_399 : vector<256x4xf32>
    %sub3A_408 = arith.constant 5.000000e-01 : f32
    %sub3A_409 = vector.broadcast %sub3A_408 : f32 to vector<256x4xf32>
    %sub3A_410 = arith.subf %abs3A_400, %sub3A_409 : vector<256x4xf32>
    %select_n3A_411 = arith.select %lt3A_403, %mul3A_407, %sub3A_410 : vector<256x4xi1>, vector<256x4xf32>
    %mul3A_412 = vector.broadcast %convert_element_type3A_368 : vector<256x1xf32> to vector<256x4xf32>
    %mul3A_413 = arith.mulf %mul3A_412, %select_n3A_411 : vector<256x4xf32>
    %reduce_sum3A_414 = vector.shape_cast %mul3A_413 : vector<256x4xf32> to vector<1x256x4xf32>
    %reduce_sum3A_415 = arith.constant dense<0.000000e+00> : vector<1xf32>
    %reduce_sum3A_416 = vector.multi_reduction <add>, %reduce_sum3A_414, %reduce_sum3A_415 [1, 2] : vector<1x256x4xf32> to vector<1xf32>
    %reduce_sum3A_417 = vector.shape_cast %reduce_sum3A_416 : vector<1xf32> to vector<1x1x1xf32>
    %reduce_sum3A_418 = vector.extract %reduce_sum3A_417[0, 0, 0] : f32 from vector<1x1x1xf32>
    %mul3A_419 = arith.constant 4.000000e+00 : f32
    %mul3A_420 = arith.mulf %reduce_sum3A_373, %mul3A_419 : f32
    %max3A_421 = arith.constant 1.000000e+00 : f32
    %max3A_422 = arith.maximumf %mul3A_420, %max3A_421 : f32
    %div3A_423 = arith.divf %reduce_sum3A_418, %max3A_422 : f32
    %mul3A_424 = arith.mulf %convert_element_type3A_368, %sub3A_234 : vector<256x1xf32>
    %reduce_sum3A_425 = vector.shape_cast %mul3A_424 : vector<256x1xf32> to vector<1x256x1xf32>
    %reduce_sum3A_426 = arith.constant dense<0.000000e+00> : vector<1xf32>
    %reduce_sum3A_427 = vector.multi_reduction <add>, %reduce_sum3A_425, %reduce_sum3A_426 [1, 2] : vector<1x256x1xf32> to vector<1xf32>
    %reduce_sum3A_428 = vector.shape_cast %reduce_sum3A_427 : vector<1xf32> to vector<1x1x1xf32>
    %reduce_sum3A_429 = vector.extract %reduce_sum3A_428[0, 0, 0] : f32 from vector<1x1x1xf32>
    %mul3A_430 = arith.constant 8.000000e+01 : f32
    %mul3A_431 = arith.mulf %reduce_sum3A_373, %mul3A_430 : f32
    %max3A_432 = arith.constant 1.000000e+00 : f32
    %max3A_433 = arith.maximumf %mul3A_431, %max3A_432 : f32
    %div3A_434 = arith.divf %reduce_sum3A_429, %max3A_433 : f32
    %add3A_435 = arith.addf %add3A_338, %div3A_383 : f32
    %add3A_436 = arith.addf %add3A_340, %div3A_423 : f32
    %add3A_437 = arith.addf %add3A_342, %div3A_434 : f32
    %get3A_438 = arith.constant 0 : index
    %get3A_439 = arith.constant 0 : index
    %get3A_440 = arith.constant 0 : index
    %get3A_441 = arith.constant 0 : index
    %get3A_442 = vector.load %arg3[%get3A_438, %get3A_439, %get3A_440, %get3A_441] : memref<8x1x20x20xf32, #tpu.memory_space<vmem>>, vector<8x1x20x20xf32>
    %max3A_443 = arith.constant 0.000000e+00 : f32
    %max3A_444 = vector.broadcast %max3A_443 : f32 to vector<8x1x20x20xf32>
    %max3A_445 = arith.maximumf %get3A_442, %max3A_444 : vector<8x1x20x20xf32>
    %abs3A_446 = math.absf %get3A_442 : vector<8x1x20x20xf32>
    %neg3A_447 = arith.constant 0.000000e+00 : f32
    %neg3A_448 = vector.broadcast %neg3A_447 : f32 to vector<8x1x20x20xf32>
    %neg3A_449 = arith.subf %neg3A_448, %abs3A_446 : vector<8x1x20x20xf32>
    %exp3A_450 = math.exp %neg3A_449 : vector<8x1x20x20xf32>
    %log1p3A_451 = math.log1p %exp3A_450 : vector<8x1x20x20xf32>
    %add3A_452 = arith.addf %max3A_445, %log1p3A_451 : vector<8x1x20x20xf32>
    %reduce_sum3A_453 = vector.shape_cast %add3A_452 : vector<8x1x20x20xf32> to vector<1x8x1x20x20xf32>
    %reduce_sum3A_454 = arith.constant dense<0.000000e+00> : vector<1xf32>
    %reduce_sum3A_455 = vector.multi_reduction <add>, %reduce_sum3A_453, %reduce_sum3A_454 [1, 2, 3, 4] : vector<1x8x1x20x20xf32> to vector<1xf32>
    %reduce_sum3A_456 = vector.shape_cast %reduce_sum3A_455 : vector<1xf32> to vector<1x1x1x1x1xf32>
    %reduce_sum3A_457 = vector.extract %reduce_sum3A_456[0, 0, 0, 0, 0] : f32 from vector<1x1x1x1x1xf32>
    %eq3A_458 = arith.constant 2 : i32
    %eq3A_459 = vector.broadcast %eq3A_458 : i32 to vector<256x1xi32>
    %eq3A_460 = arith.cmpi eq, %select_n3A_23, %eq3A_459 : vector<256x1xi32>
    %and3A_461 = arith.andi %not3A_215, %eq3A_460 : vector<256x1xi1>
    %convert_element_type3A_462 = arith.extui %and3A_461 : vector<256x1xi1> to vector<256x1xi32>
    %convert_element_type3A_463 = arith.sitofp %convert_element_type3A_462 : vector<256x1xi32> to vector<256x1xf32>
    %reduce_sum3A_464 = vector.shape_cast %convert_element_type3A_463 : vector<256x1xf32> to vector<1x256x1xf32>
    %reduce_sum3A_465 = arith.constant dense<0.000000e+00> : vector<1xf32>
    %reduce_sum3A_466 = vector.multi_reduction <add>, %reduce_sum3A_464, %reduce_sum3A_465 [1, 2] : vector<1x256x1xf32> to vector<1xf32>
    %reduce_sum3A_467 = vector.shape_cast %reduce_sum3A_466 : vector<1xf32> to vector<1x1x1xf32>
    %reduce_sum3A_468 = vector.extract %reduce_sum3A_467[0, 0, 0] : f32 from vector<1x1x1xf32>
    %slice3A_469 = vector.extract_strided_slice %get3A_7 {offsets = [0, 4], sizes = [256, 1], strides = [1, 1]} : vector<256x128xf32> to vector<256x1xf32>
    %mul3A_470 = arith.mulf %convert_element_type3A_463, %slice3A_469 : vector<256x1xf32>
    %reduce_sum3A_471 = vector.shape_cast %mul3A_470 : vector<256x1xf32> to vector<1x256x1xf32>
    %reduce_sum3A_472 = arith.constant dense<0.000000e+00> : vector<1xf32>
    %reduce_sum3A_473 = vector.multi_reduction <add>, %reduce_sum3A_471, %reduce_sum3A_472 [1, 2] : vector<1x256x1xf32> to vector<1xf32>
    %reduce_sum3A_474 = vector.shape_cast %reduce_sum3A_473 : vector<1xf32> to vector<1x1x1xf32>
    %reduce_sum3A_475 = vector.extract %reduce_sum3A_474[0, 0, 0] : f32 from vector<1x1x1xf32>
    %sub3A_476 = arith.subf %reduce_sum3A_457, %reduce_sum3A_475 : f32
    %div3A_477 = arith.constant 3.200000e+03 : f32
    %div3A_478 = arith.divf %sub3A_476, %div3A_477 : f32
    %slice3A_479 = vector.extract_strided_slice %div3A_245 {offsets = [0, 0], sizes = [256, 1], strides = [1, 1]} : vector<256x4xf32> to vector<256x1xf32>
    %convert_element_type3A_480 = arith.sitofp %sub3A_44 : vector<256x1xi32> to vector<256x1xf32>
    %add3A_481 = arith.addf %slice3A_479, %convert_element_type3A_480 : vector<256x1xf32>
    %div3A_482 = arith.constant 2.000000e+01 : f32
    %div3A_483 = vector.broadcast %div3A_482 : f32 to vector<256x1xf32>
    %div3A_484 = arith.divf %add3A_481, %div3A_483 : vector<256x1xf32>
    %slice3A_485 = vector.extract_strided_slice %div3A_245 {offsets = [0, 1], sizes = [256, 1], strides = [1, 1]} : vector<256x4xf32> to vector<256x1xf32>
    %convert_element_type3A_486 = arith.sitofp %sub3A_57 : vector<256x1xi32> to vector<256x1xf32>
    %add3A_487 = arith.addf %slice3A_485, %convert_element_type3A_486 : vector<256x1xf32>
    %div3A_488 = arith.constant 2.000000e+01 : f32
    %div3A_489 = vector.broadcast %div3A_488 : f32 to vector<256x1xf32>
    %div3A_490 = arith.divf %add3A_487, %div3A_489 : vector<256x1xf32>
    %slice3A_491 = vector.extract_strided_slice %div3A_245 {offsets = [0, 2], sizes = [256, 1], strides = [1, 1]} : vector<256x4xf32> to vector<256x1xf32>
    %slice3A_492 = vector.extract_strided_slice %div3A_245 {offsets = [0, 3], sizes = [256, 1], strides = [1, 1]} : vector<256x4xf32> to vector<256x1xf32>
    %concatenate3A_493 = tpu.concatenate %div3A_484, %div3A_490, %slice3A_491, %slice3A_492 in 1 : vector<256x1xf32>, vector<256x1xf32>, vector<256x1xf32>, vector<256x1xf32> -> vector<256x4xf32>
    %sub3A_494 = arith.subf %concatenate3A_493, %get3A_1 : vector<256x4xf32>
    %abs3A_495 = math.absf %sub3A_494 : vector<256x4xf32>
    %lt3A_496 = arith.constant 1.000000e+00 : f32
    %lt3A_497 = vector.broadcast %lt3A_496 : f32 to vector<256x4xf32>
    %lt3A_498 = arith.cmpf olt, %abs3A_495, %lt3A_497 : vector<256x4xf32>
    %mul3A_499 = arith.constant 5.000000e-01 : f32
    %mul3A_500 = vector.broadcast %mul3A_499 : f32 to vector<256x4xf32>
    %mul3A_501 = arith.mulf %mul3A_500, %sub3A_494 : vector<256x4xf32>
    %mul3A_502 = arith.mulf %mul3A_501, %sub3A_494 : vector<256x4xf32>
    %sub3A_503 = arith.constant 5.000000e-01 : f32
    %sub3A_504 = vector.broadcast %sub3A_503 : f32 to vector<256x4xf32>
    %sub3A_505 = arith.subf %abs3A_495, %sub3A_504 : vector<256x4xf32>
    %select_n3A_506 = arith.select %lt3A_498, %mul3A_502, %sub3A_505 : vector<256x4xi1>, vector<256x4xf32>
    %mul3A_507 = vector.broadcast %convert_element_type3A_463 : vector<256x1xf32> to vector<256x4xf32>
    %mul3A_508 = arith.mulf %mul3A_507, %select_n3A_506 : vector<256x4xf32>
    %reduce_sum3A_509 = vector.shape_cast %mul3A_508 : vector<256x4xf32> to vector<1x256x4xf32>
    %reduce_sum3A_510 = arith.constant dense<0.000000e+00> : vector<1xf32>
    %reduce_sum3A_511 = vector.multi_reduction <add>, %reduce_sum3A_509, %reduce_sum3A_510 [1, 2] : vector<1x256x4xf32> to vector<1xf32>
    %reduce_sum3A_512 = vector.shape_cast %reduce_sum3A_511 : vector<1xf32> to vector<1x1x1xf32>
    %reduce_sum3A_513 = vector.extract %reduce_sum3A_512[0, 0, 0] : f32 from vector<1x1x1xf32>
    %mul3A_514 = arith.constant 4.000000e+00 : f32
    %mul3A_515 = arith.mulf %reduce_sum3A_468, %mul3A_514 : f32
    %max3A_516 = arith.constant 1.000000e+00 : f32
    %max3A_517 = arith.maximumf %mul3A_515, %max3A_516 : f32
    %div3A_518 = arith.divf %reduce_sum3A_513, %max3A_517 : f32
    %mul3A_519 = arith.mulf %convert_element_type3A_463, %sub3A_234 : vector<256x1xf32>
    %reduce_sum3A_520 = vector.shape_cast %mul3A_519 : vector<256x1xf32> to vector<1x256x1xf32>
    %reduce_sum3A_521 = arith.constant dense<0.000000e+00> : vector<1xf32>
    %reduce_sum3A_522 = vector.multi_reduction <add>, %reduce_sum3A_520, %reduce_sum3A_521 [1, 2] : vector<1x256x1xf32> to vector<1xf32>
    %reduce_sum3A_523 = vector.shape_cast %reduce_sum3A_522 : vector<1xf32> to vector<1x1x1xf32>
    %reduce_sum3A_524 = vector.extract %reduce_sum3A_523[0, 0, 0] : f32 from vector<1x1x1xf32>
    %mul3A_525 = arith.constant 8.000000e+01 : f32
    %mul3A_526 = arith.mulf %reduce_sum3A_468, %mul3A_525 : f32
    %max3A_527 = arith.constant 1.000000e+00 : f32
    %max3A_528 = arith.maximumf %mul3A_526, %max3A_527 : f32
    %div3A_529 = arith.divf %reduce_sum3A_524, %max3A_528 : f32
    %add3A_530 = arith.addf %add3A_435, %div3A_478 : f32
    %add3A_531 = arith.addf %add3A_436, %div3A_518 : f32
    %add3A_532 = arith.addf %add3A_437, %div3A_529 : f32
    %swap3A = arith.constant 0 : index
    %swap3A_533 = arith.constant 0 : index
    %swap3A_534 = memref.load %arg9[%swap3A, %swap3A_533] : memref<1x1xf32, #tpu.memory_space<smem>>
    memref.store %add3A_530, %arg9[%swap3A, %swap3A_533] : memref<1x1xf32, #tpu.memory_space<smem>>
    %swap3A_535 = arith.constant 0 : index
    %swap3A_536 = arith.constant 0 : index
    %swap3A_537 = memref.load %arg10[%swap3A_535, %swap3A_536] : memref<1x1xf32, #tpu.memory_space<smem>>
    memref.store %add3A_531, %arg10[%swap3A_535, %swap3A_536] : memref<1x1xf32, #tpu.memory_space<smem>>
    %swap3A_538 = arith.constant 0 : index
    %swap3A_539 = arith.constant 0 : index
    %swap3A_540 = memref.load %arg11[%swap3A_538, %swap3A_539] : memref<1x1xf32, #tpu.memory_space<smem>>
    memref.store %add3A_532, %arg11[%swap3A_538, %swap3A_539] : memref<1x1xf32, #tpu.memory_space<smem>>
    %mul3A_541 = arith.constant 1.000000e+00 : f32
    %mul3A_542 = arith.mulf %mul3A_541, %add3A_530 : f32
    %mul3A_543 = arith.constant 5.000000e+00 : f32
    %mul3A_544 = arith.mulf %mul3A_543, %add3A_531 : f32
    %add3A_545 = arith.addf %mul3A_542, %mul3A_544 : f32
    %mul3A_546 = arith.constant 1.000000e+00 : f32
    %mul3A_547 = arith.mulf %mul3A_546, %add3A_532 : f32
    %add3A_548 = arith.addf %add3A_545, %mul3A_547 : f32
    %swap3A_549 = arith.constant 0 : index
    %swap3A_550 = arith.constant 0 : index
    %swap3A_551 = memref.load %arg8[%swap3A_549, %swap3A_550] : memref<1x1xf32, #tpu.memory_space<smem>>
    memref.store %add3A_548, %arg8[%swap3A_549, %swap3A_550] : memref<1x1xf32, #tpu.memory_space<smem>>
    return
  }
  func.func @transform_0(%arg0: i32) -> (i32, i32, i32, i32) {
    %c0_i32 = arith.constant 0 : i32
    %c4_i32 = arith.constant 4 : i32
    %c0_i32_0 = arith.constant 0 : i32
    %c0_i32_1 = arith.constant 0 : i32
    %c0_i32_2 = arith.constant 0 : i32
    return %c0_i32, %c4_i32, %c0_i32_0, %c0_i32_1 : i32, i32, i32, i32
  }
  func.func @transform_1(%arg0: i32) -> (i32, i32, i32, i32) {
    %c0_i32 = arith.constant 0 : i32
    %c4_i32 = arith.constant 4 : i32
    %c0_i32_0 = arith.constant 0 : i32
    %c0_i32_1 = arith.constant 0 : i32
    %c0_i32_2 = arith.constant 0 : i32
    return %c0_i32, %c4_i32, %c0_i32_0, %c0_i32_1 : i32, i32, i32, i32
  }
  func.func @transform_2(%arg0: i32) -> (i32, i32, i32, i32) {
    %c0_i32 = arith.constant 0 : i32
    %c4_i32 = arith.constant 4 : i32
    %c0_i32_0 = arith.constant 0 : i32
    %c0_i32_1 = arith.constant 0 : i32
    %c0_i32_2 = arith.constant 0 : i32
    return %c0_i32, %c4_i32, %c0_i32_0, %c0_i32_1 : i32, i32, i32, i32
  }
  func.func @transform_3(%arg0: i32) -> (i32, i32) {
    %c0_i32 = arith.constant 0 : i32
    %c0_i32_0 = arith.constant 0 : i32
    %c0_i32_1 = arith.constant 0 : i32
    return %c0_i32, %c0_i32_0 : i32, i32
  }
  func.func @transform_4(%arg0: i32) -> (i32, i32) {
    %c0_i32 = arith.constant 0 : i32
    %c0_i32_0 = arith.constant 0 : i32
    %c0_i32_1 = arith.constant 0 : i32
    return %c0_i32, %c0_i32_0 : i32, i32
  }
  func.func @transform_5(%arg0: i32) -> (i32, i32) {
    %c0_i32 = arith.constant 0 : i32
    %c0_i32_0 = arith.constant 0 : i32
    %c0_i32_1 = arith.constant 0 : i32
    return %c0_i32, %c0_i32_0 : i32, i32
  }
  func.func @transform_6(%arg0: i32) -> (i32, i32) {
    %c0_i32 = arith.constant 0 : i32
    %c0_i32_0 = arith.constant 0 : i32
    %c0_i32_1 = arith.constant 0 : i32
    return %c0_i32, %c0_i32_0 : i32, i32
  }
  func.func @transform_7(%arg0: i32) -> (i32, i32) {
    %c0_i32 = arith.constant 0 : i32
    %c0_i32_0 = arith.constant 0 : i32
    %c0_i32_1 = arith.constant 0 : i32
    return %c0_i32, %c0_i32_0 : i32, i32
  }
  func.func @transform_8(%arg0: i32) -> (i32, i32) {
    %c0_i32 = arith.constant 0 : i32
    %c0_i32_0 = arith.constant 0 : i32
    %c0_i32_1 = arith.constant 0 : i32
    return %c0_i32, %c0_i32_0 : i32, i32
  }
  func.func @transform_9(%arg0: i32) -> (i32, i32) {
    %c0_i32 = arith.constant 0 : i32
    %c0_i32_0 = arith.constant 0 : i32
    %c0_i32_1 = arith.constant 0 : i32
    return %c0_i32, %c0_i32_0 : i32, i32
  }
  func.func @transform_10(%arg0: i32) -> (i32, i32) {
    %c0_i32 = arith.constant 0 : i32
    %c0_i32_0 = arith.constant 0 : i32
    %c0_i32_1 = arith.constant 0 : i32
    return %c0_i32, %c0_i32_0 : i32, i32
  }
}

</mosaic_0001>

<sc_bundles>
// kernel: kernel.4.cloned.1.call-start
scs
__scs_entry_jumppad:
0x0: {  	(pc) =	sbr.rel $0x88, $3  }
0x1: {  	(tag) =	ssettag $0x0;
	lr =	simm.s32 $0x1  }
0x2: {  	[smem:$0x3F9C] =	sst lr;
	_ =	strace $0xD0000000  }
0x3: {  	_ = 	snop  }
0x4: {  	_ = 	snop  }
0x5: {  	_ = 	snop  }
0x6: {  	_ = 	snop  }
0x7: {  	_ = 	snop  }
__scs_overlays_trampoline_lowered:
0x8: {  	[smem:$0x3FAB] =	sst s0  }
0x9: {  	[smem:$0x3FAC] =	sst s1  }
0xa: {  	[smem:$0x3FAD] =	sst s2  }
0xb: {  	[smem:$0x3FAE] =	sst s3  }
0xc: {  	[smem:$0x3FAF] =	sst s4  }
0xd: {  	[smem:$0x3FB0] =	sst s5  }
0xe: {  	[smem:$0x3FB1] =	sst s6  }
0xf: {  	[smem:$0x3FB2] =	sst s7  }
0x10: {  	[smem:$0x3FB3] =	sst s8  }
0x11: {  	[smem:$0x3FB4] =	sst s9;
	s0 =	simm.s32 @!p0 $0x0  }
0x12: {  	s1 =	sld [smem:$0x3F9A];
	s0 =	simm.s32 @p0 $0x1  }
0x13: {  	[smem:$0x3FB5] =	sst s0;
	s0 =	simm.s32 @!p1 $0x0  }
0x14: {  	s2 =	sld [smem:$0x3F99];
	s0 =	simm.s32 @p1 $0x1  }
0x15: {  	[smem:$0x3FB6] =	sst s0;
	s0 =	simm.s32 @!p2 $0x0  }
0x16: {  	s3 =	sld [smem:$0x3FDB];
	s0 =	simm.s32 @p2 $0x1  }
0x17: {  	s4 =	simm.s32 $0x1BF5;
	[smem:$0x3FB8] =	sst s0  }
0x18: {  	s0 =	sld [smem:$0x3F9B];
	_ =	swait.ge [sflag:s4], $0x0  }
0x19: {  	s7 =	sld [smem:$0x3F9C]  }
0x1a: {  	s8 =	sadd.s32 $0xFFFFE003, lr  }
0x1b: {  	s9 =	sadd.s32 $0xFFFFFEF7, lr;
	s5 =	simm.s32 $0xFFFFFFFF;
	p2 =	slt.u32 s8, $0xFFFFF086  }
0x1c: {  	p1 =	slt.u32 s9, $0xF7A;
	s5 =	simm.s32 @!p2 $0x0  }
0x1d: {  	s5 =	simm.s32 @p1 $0x1;
	p0 =	seq.s32 s7, s2  }
0x1e: {  	s7 =	smul.u32 @!p0 $0xF7A, s2;
	p2 =	seq.s32 @!p0 s5, $0x0  }
0x1f: {  	s9 =	smul.u32 $0xF7A, s1;
	s8 =	simm.s32 @!p0 $0x1BF5;
	p2 =	por !p2, p0  }
0x20: {  	[sflag:s8] =	ssyncset.s32 @!p0 $0xFFFFF086;
	s6 =	sadd.s32 @!p0 s3, s7;
	s7 =	simm.s32 @!p0 $0x108  }
0x21: {  	s3 =	sadd.s32 s3, s9;
	s6 =	sadd.s32 @!p0 $0x88, s6;
	s7 =	simm.s32 @p2 $0x1082  }
0x22: {  	[simem:s7], [sflag:s8] =	dma.local @!p0 [hbm:s6], $0xF7A  }
0x23: {  	s9 =	sor.u32 $0xD0000000, s2;
	s6 =	simm.s32 $0x108;
	_ =	swait.ge @!p0 [sflag:s8], $0x0  }
0x24: {  	s3 =	sadd.s32 $0x88, s3;
	s6 =	simm.s32 @!p1 $0x1082;
	[sflag:s4] =	ssyncset.s32 $0xFFFFF086  }
0x25: {  	[simem:s6], [sflag:s4] =	dma.local [hbm:s3], $0xF7A  }
0x26: {  	[smem:$0x3F9C] =	sst s1;
	(tag) =	ssettag s2;
	_ =	strace s9  }
0x27: {  	s1 =	sld [smem:$0x3FAC]  }
0x28: {  	s2 =	sld [smem:$0x3FAD]  }
0x29: {  	s4 =	sld [smem:$0x3FAF]  }
0x2a: {  	p0 =	seq.s32 s5, $0x0;
	s5 =	sld [smem:$0x3FB0]  }
0x2b: {  	s6 =	sld [smem:$0x3FB1]  }
0x2c: {  	s7 =	sld [smem:$0x3FB2]  }
0x2d: {  	s3 =	simm.s32 $0x108;
	s8 =	sld [smem:$0x3FB3]  }
0x2e: {  	s3 =	simm.s32 @!p0 $0x1082;
	s9 =	sld [smem:$0x3FB4]  }
0x2f: {  	lr =	sadd.s32 s0, s3;
	s0 =	sld [smem:$0x3FAB]  }
0x30: {  	s3 =	sld [smem:$0x3FAE]  }
0x31: {  	[smem:$0x3FB7] =	sst s10  }
0x32: {  	s10 =	sld [smem:$0x3FB5];
	_ =	sdelay $0x3  }
0x33: {  	p0 =	seq.s32 s10, $0x1;
	s10 =	sld [smem:$0x3FB7];
	_ =	sdelay $0x3  }
0x34: {  	[smem:$0x3FB7] =	sst s10  }
0x35: {  	s10 =	sld [smem:$0x3FB6];
	_ =	sdelay $0x3  }
0x36: {  	p1 =	seq.s32 s10, $0x1;
	s10 =	sld [smem:$0x3FB7];
	_ =	sdelay $0x3  }
0x37: {  	[smem:$0x3FB7] =	sst s10  }
0x38: {  	s10 =	sld [smem:$0x3FB8]  }
0x39: {  	_ = 	snop;
	(pc) =	sbr.ind lr, $3  }
0x3a: {  	_ = 	snop  }
0x3b: {  	_ = 	snop  }
0x3c: {  	p2 =	seq.s32 s10, $0x1;
	s10 =	sld [smem:$0x3FB7]  }
0x3d: {  	_ =	shalt  }
0x3e: {  	_ =	shalt  }
0x3f: {  	_ =	shalt  }
0x40: {  	_ =	shalt  }
0x41: {  	_ =	shalt  }
0x42: {  	_ =	shalt  }
0x43: {  	_ =	shalt  }
0x44: {  	_ =	shalt  }
0x45: {  	_ =	shalt  }
0x46: {  	_ =	shalt  }
0x47: {  	_ =	shalt  }
0x48: {  	_ =	shalt  }
0x49: {  	_ =	shalt  }
0x4a: {  	_ =	shalt  }
0x4b: {  	_ =	shalt  }
0x4c: {  	_ =	shalt  }
0x4d: {  	_ =	shalt  }
0x4e: {  	_ =	shalt  }
0x4f: {  	_ =	shalt  }
0x50: {  	_ =	shalt  }
0x51: {  	_ =	shalt  }
0x52: {  	_ =	shalt  }
0x53: {  	_ =	shalt  }
0x54: {  	_ =	shalt  }
0x55: {  	_ =	shalt  }
0x56: {  	_ =	shalt  }
0x57: {  	_ =	shalt  }
0x58: {  	_ =	shalt  }
0x59: {  	_ =	shalt  }
0x5a: {  	_ =	shalt  }
0x5b: {  	_ =	shalt  }
0x5c: {  	_ =	shalt  }
0x5d: {  	_ =	shalt  }
0x5e: {  	_ =	shalt  }
0x5f: {  	_ =	shalt  }
0x60: {  	_ =	shalt  }
0x61: {  	_ =	shalt  }
0x62: {  	_ =	shalt  }
0x63: {  	_ =	shalt  }
0x64: {  	_ =	shalt  }
0x65: {  	_ =	shalt  }
0x66: {  	_ =	shalt  }
0x67: {  	_ =	shalt  }
0x68: {  	_ =	shalt  }
0x69: {  	_ =	shalt  }
0x6a: {  	_ =	shalt  }
0x6b: {  	_ =	shalt  }
0x6c: {  	_ =	shalt  }
0x6d: {  	_ =	shalt  }
0x6e: {  	_ =	shalt  }
0x6f: {  	_ =	shalt  }
0x70: {  	_ =	shalt  }
0x71: {  	_ =	shalt  }
0x72: {  	_ =	shalt  }
0x73: {  	_ =	shalt  }
0x74: {  	_ =	shalt  }
0x75: {  	_ =	shalt  }
0x76: {  	_ =	shalt  }
0x77: {  	_ =	shalt  }
0x78: {  	_ =	shalt  }
0x79: {  	_ =	shalt  }
0x7a: {  	_ =	shalt  }
0x7b: {  	_ =	shalt  }
0x7c: {  	_ =	shalt  }
0x7d: {  	_ =	shalt  }
0x7e: {  	_ =	shalt  }
0x7f: {  	_ =	shalt  }
0x80: {  	_ =	shalt  }
0x81: {  	_ =	shalt  }
0x82: {  	_ =	shalt  }
0x83: {  	_ =	shalt  }
0x84: {  	_ =	shalt  }
0x85: {  	_ =	shalt  }
0x86: {  	_ =	shalt  }
0x87: {  	_ =	shalt  }
.Lfunc_end0:
.L_simem_size_0:
called_computation_lowered:
.L_overlay_start_0:
0x88: {  	s2 =	sld [smem:$0x3FD9]  }
0x89: {  	s3 =	sld [smem:$0x3FFE];
	_ =	sdelay $0x1  }
0x8a: {  	s1 =	srdreg.scid  }
0x8b: {  	s0 =	sand.u32 $0x1, s1  }
0x8c: {  	s16 =	sshll.u32 s0, $0xA;
	s2 =	sadd.s32 s3, s2  }
0x8d: {  	s2 =	sadd.s32 s2, s16  }
0x8e: {  	[smem:$0x3FC3] =	sst s2  }
0x8f: {  	_ = 	snop  }
0x90: {  	(tm) =	ssettm $0x1  }
0x91: {  	s17 =	sld [smem:$0x3FFB];
	_ =	sdelay $0x3  }
0x92: {  	_ =	strace s17  }
0x93: {  	s2 =	sld [smem:$0x3FFC];
	_ =	sdelay $0x3  }
0x94: {  	_ =	strace s2  }
0x95: {  	s2 =	sld [smem:$0x3FFD];
	_ =	sdelay $0x3  }
0x96: {  	_ =	strace s2  }
0x97: {  	_ =	strace $0x8FFFFFFF  }
0x98: {  	s18 =	sld [smem:$0x3FDB];
	_ =	sdelay $0x1  }
0x99: {  	s19 =	simm.s32 $_scs_section_size  }
0x9a: {  	s4 =	simm.s32 $_size__tile_overlayer_lowered;
	s5 =	simm.s32 $_tile_overlayer_lowered  }
0x9b: {  	s22 =	simm.s32 $0x1BFF;
	s21 =	sshll.u32 s5, $0x1;
	s2 =	sadd.s32 s19, s18  }
0x9c: {  	s6 =	simm.s32 $0x0;
	s20 =	sshll.u32 s4, $0x1;
	s4 =	sadd.s32 s21, s2  }
0x9d: {  	[timem:s6], [sflag:s22] =	dma.local [hbm:s4], s20  }
0x9e: {  	_ =	swait.ge [sflag:s22], s20  }
0x9f: {  	s3 =	ssub.s32 $0x0, s20;
	[sflag:s22] =	ssyncset.done $0x0  }
0xa0: {  	[sflag:s22] =	ssyncadd.s32 s3;
	_ =	sdelay $0x1  }
0xa1: {  	s23 =	simm.s32 $0x1B8B  }
0xa2: {  	_ =	swait.ge [sflag:s23], $0x1  }
0xa3: {  	[sflag:s23] =	ssyncset.done $0x0  }
0xa4: {  	s25 =	simm.s32 $0x1B8E;
	s24 =	sld [smem:$0x3FFE];
	[sflag:s23] =	ssyncadd.s32 $0xFFFFFFFF  }
0xa5: {  	s26 =	simm.s32 $execute0_lowered;
	[smem:$0x3FD2] =	sst s25  }
0xa6: {  	s4 =	sshll.u32 s26, $0x1;
	_ =	strace $0x80000046;
	[dreg:$0x1] =	wrdreg $0xFFFFFFFF  }
0xa7: {  	s28 =	simm.s32 $_size_execute0_lowered;
	s2 =	sadd.s32 s2, s4;
	[dreg:$0x0] =	wrdreg $0x0  }
0xa8: {  	s4 =	sshll.u32 s28, $0x1;
	[dreg:$0x2] =	wrdreg s2  }
0xa9: {  	[dreg:$0x3] =	wrdreg s4  }
0xaa: {  	[dreg:$0x4] =	wrdreg $0xC0  }
0xab: {  	_ =	task [dreg:s6], $0x5FFFF  }
0xac: {  	[dreg:$0x1] =	wrdreg $0xFFFFFFFF  }
0xad: {  	[dreg:$0x0] =	wrdreg $0x60  }
0xae: {  	[dreg:$0x2] =	wrdreg s24  }
0xaf: {  	[dreg:$0x3] =	wrdreg $0x9  }
0xb0: {  	_ =	task.clear_ibuf [dreg:s6], $0x4FFFF;
	_ =	strace $0x90000046  }
0xb1: {  	s29 =	simm.s32 $0x9;
	_ =	strace $0x80000048  }
0xb2: {  	_ =	swait.ge [sflag:s29], $0x1  }
0xb3: {  	[sflag:s29] =	ssyncadd.s32 $0xFFFFFFFF  }
0xb4: {  	_ =	strace $0x90000048  }
0xb5: {  	_ =	sfence  }
0xb6: {  	s30 =	sld [smem:$0x0];
	_ =	sdelay $0x2  }
0xb7: {  	s31 =	sshll.u32 s1, $0xD;
	s1 =	sshrl.u32 s1, $0x2  }
0xb8: {  	s3 =	sand.u32 $0x4000, s31;
	s1 =	sadd.s32 s1, s30  }
0xb9: {  	s0 =	sor.u32 s3, s0;
	s1 =	sshll.u32 s1, $0x11  }
0xba: {  	s0 =	sor.u32 s1, s0  }
0xbb: {  	s0 =	sadd.s32 $0x8F2B, s0  }
0xbc: {  	[sflag:s0] =	ssyncadd.remote.s32 $0x1  }
0xbd: {  	_ =	sfence.sel $0xFFFF  }
0xbe: {  	[dreg:$0x0] =	wrdreg $0xFFFFFFFF;
	(pc) =	sbr.abs _section_cstart, $3  }
0xbf: {  	[dreg:$0x1] =	wrdreg $0xFFFFFFFF  }
0xc0: {  	_ =	task.clear_ibuf [dreg:s6], $0x2FFFF;
	_ =	strace $0x9FFFFFFF  }
0xc1: {  	(tm) =	ssettm $0x7FFFFFFF  }
tec
execute0_lowered:
.L_overlay_start_1:
0x0: {  	(tag) =	ssettag $0x1  }
0x1: {  	s2 =	rddreg [dreg:$0x0];
	s5 =	simm.s32 $0x0  }
0x2: {  	s13 =	simm.s32 $0x100;
	[smem:$0x7FF] =	sst s5  }
0x3: {  	s14 =	simm.s32 $0x500;
	_ =	strace $0x80000047;
	[dreg:$0x4] =	wrdreg s13  }
0x4: {  	s16 =	sadd.s32 $0xD6A00, s2;
	[dreg:$0x5] =	wrdreg s14  }
0x5: {  	s15 =	simm.s32 $0x180;
	[dreg:$0x12] =	wrdreg s16  }
0x6: {  	s18 =	sadd.s32 $0x1C5C00, s2;
	[dreg:$0x6] =	wrdreg s15  }
0x7: {  	s17 =	simm.s32 $0x580;
	[dreg:$0x13] =	wrdreg s18  }
0x8: {  	s0 =	srdreg.scid;
	s19 =	simm.s32 $0x200;
	[dreg:$0x7] =	wrdreg s17  }
0x9: {  	s4 =	stileid.u32;
	s20 =	simm.s32 $0x600;
	[dreg:$0x8] =	wrdreg s19  }
0xa: {  	s21 =	simm.s32 $0x280;
	s23 =	simm.s32 $0x680;
	[dreg:$0x9] =	wrdreg s20  }
0xb: {  	s24 =	simm.s32 $0x300;
	s26 =	simm.s32 $0x700;
	[dreg:$0xa] =	wrdreg s21  }
0xc: {  	s28 =	simm.s32 $0x380;
	s29 =	simm.s32 $0x780;
	[dreg:$0xb] =	wrdreg s23  }
0xd: {  	s30 =	simm.s32 $0x400;
	s9 =	simm.s32 $0x1;
	[dreg:$0xc] =	wrdreg s24  }
0xe: {  	s31 =	simm.s32 $0x800;
	s0 =	sand.u32 $0x1, s0;
	[dreg:$0xd] =	wrdreg s26  }
0xf: {  	s1 =	sshll.u32 s4, $0x1;
	s5 =	sadd.s32 $0x1E7000, s2;
	[dreg:$0xe] =	wrdreg s28  }
0x10: {  	s25 =	sshrl.u32 s4, $0x1;
	s1 =	sor.u32 s0, s1;
	[dreg:$0xf] =	wrdreg s29  }
0x11: {  	v1 =	vimm.s32 $0x53525150;
	s0 =	ssub.s32 $0x2, s0;
	[dreg:$0x10] =	wrdreg s30;
	s3 =	sshll.u32 s1, $0x2  }
0x12: {  	v3 =	vunpack.c.0.s8.s32 v1;
	[dreg:$0x11] =	wrdreg s31;
	s1 =	sshll.u32 s1, $0x7;
	s3 =	sadd.s32 s3, s2  }
0x13: {  	v0 =	vlaneseq.u32;
	vm0 =	vcmask $0xF00;
	vm15 =	vcmask $0x1310;
	s22 =	sshrl.u32 s0, $0x1;
	s1 =	sadd.s32 s1, s2;
	s3 =	sadd.s32 $0x1EF600, s3  }
0x14: {  	v1 =	vor.u32 $0x10, v0;
	v2 =	vor.u32 $0x20, v0;
	v5 =	vnsel vm0, $0x0, v3;
	s0 =	ssub.s32 s0, s22;
	s1 =	sadd.s32 $0x1EF800, s1;
	[dreg:$0x2] =	wrdreg s3  }
0x15: {  	v4 =	vor.u32 $0x40, v0;
	s6 =	smul.u32 $0x55, s25;
	v3 =	vor.u32 $0x30, v0;
	v5 =	vsel vm15, $0x54, v5;
	s2 =	smax.u32 s0, $0x1;
	[dreg:$0x3] =	wrdreg s1  }
.LBB2_1:
0x16: {  	[dreg:$0x14] =	wrdreg s2  }
0x17: {  	s0 =	rddreg [dreg:$0x2];
	s1 =	simm.s32 $0x0;
	s3 =	simm.s32 $0x2  }
0x18: {  	[tilespmem:s1], [sflag:$0x2] =	stream.linear.gather [hbm4b:s0+s1], $0x20, $0x38;
	[tilespmem:$0x880] =	vst v63  }
0x19: {  	_ =	swait.ge [sflag:s3], $0x20  }
0x1a: {  	[sflag:s3] =	ssyncset.done $0x0  }
0x1b: {  	[sflag:s3] =	ssyncadd.s32 $0xFFFFFFE0  }
0x1c: {  	v6 =	vld [tilespmem:$0x0];
	_ =	sdelay $0x4  }
0x1d: {  	(v2sf) =	vpush v6, $0x0  }
0x1e: {  	(v2sf) =	vpush v6, $0x1  }
0x1f: {  	(v2sf) =	vpush v6, $0x2  }
0x20: {  	(v2sf) =	vpush v6, $0x3;
	_ =	sdelay $0x7  }
0x21: {  	(v2sf) =	vpush v6, $0x4  }
0x22: {  	(v2sf) =	vpush v6, $0x5;
	_ =	sdelay $0x2  }
0x23: {  	s4 =	spop (v2sf);
	(v2sf) =	vpush v6, $0x6  }
0x24: {  	s7 =	spop (v2sf);
	(v2sf) =	vpush v6, $0x7  }
0x25: {  	s8 =	spop (v2sf)  }
0x26: {  	s11 =	spop (v2sf)  }
0x27: {  	(v2sf) =	vpush v6, $0x8;
	s2 =	smul.f32 s11, s8;
	_ =	sdelay $0x1  }
0x28: {  	(v2sf) =	vpush v6, $0x9;
	p2 =	slt.f32 s2, $1.999999960e-02;
	p1 =	slt.f32 s2, $1.000000010e-01  }
0x29: {  	_ = 	snop  }
0x2a: {  	s2 =	simm.s32 @!p1 $0x0;
	p0 =	por !p2, !p2  }
0x2b: {  	s2 =	simm.s32 @p1 $0x1;
	p0 =	por !p0, !p1  }
0x2c: {  	[smem:$0x7F4] =	sst s2;
	p0 =	por !p0, !p0;
	s2 =	simm.f32 $4.000000000e+01  }
0x2d: {  	s10 =	spop (v2sf);
	s3 =	simm.s32 @!p2 $0x0;
	s2 =	simm.s32 @!p0 $0x41A00000  }
0x2e: {  	s13 =	spop (v2sf);
	s3 =	simm.s32 @p2 $0x1;
	s2 =	simm.s32 @p2 $0x42A00000  }
0x2f: {  	[smem:$0x7F3] =	sst s3;
	s0 =	smul.f32 s2, s4  }
0x30: {  	s12 =	sadd.f32 $-1.000000000e+00, s2;
	s1 =	smul.f32 s2, s7  }
0x31: {  	s0 =	smax.f32 s0, $0.0e+00;
	s15 =	spop (v2sf)  }
0x32: {  	s1 =	smax.f32 s1, $0.0e+00;
	s16 =	spop (v2sf)  }
0x33: {  	(v2sf) =	vpush v6, $0xA;
	s0 =	smin.f32 s12, s0;
	s15 =	smul.f32 s16, s15  }
0x34: {  	s17 =	simm.s32 $0x28;
	(v2sf) =	vpush v6, $0xB;
	s18 =	smin.f32 s12, s1;
	s14 =	scvt.f32.s32 s0  }
0x35: {  	s26 =	simm.s32 $0x1;
	s20 =	spop (v2sf);
	p3 =	slt.f32 s15, $1.000000010e-01  }
0x36: {  	s17 =	simm.s32 @!p0 $0x14;
	(v2sf) =	vpush v6, $0xC;
	s16 =	scvt.s32.f32 s14;
	p4 =	slt.f32 s15, $1.999999960e-02  }
0x37: {  	s1 =	simm.f32 $4.000000000e+01;
	s21 =	spop (v2sf);
	s3 =	simm.s32 @!p3 $0x0  }
0x38: {  	(v2sf) =	vpush v6, $0xD;
	p0 =	slt.f32 s0, s16;
	p6 =	por !p4, !p4;
	s3 =	simm.s32 @p3 $0x1  }
0x39: {  	(v2sf) =	vpush v6, $0xE;
	s16 =	scvt.f32.s32 s18;
	p1 =	por !p6, !p3;
	[smem:$0x7F6] =	sst s3  }
0x3a: {  	s26 =	simm.s32 @!p0 $0x0;
	p0 =	por !p1, !p1;
	s3 =	simm.s32 @!p4 $0x0  }
0x3b: {  	(v2sf) =	vpush v6, $0xF;
	s19 =	scvt.s32.f32 s16;
	s1 =	simm.s32 @!p0 $0x41A00000;
	s3 =	simm.s32 @p4 $0x1  }
0x3c: {  	s22 =	simm.s32 $0x28;
	s1 =	simm.s32 @p4 $0x42A00000;
	[smem:$0x7F5] =	sst s3  }
0x3d: {  	s22 =	simm.s32 @!p0 $0x14;
	p1 =	slt.f32 s18, s19;
	s11 =	smul.f32 s1, s10  }
0x3e: {  	s22 =	simm.s32 @p4 $0x50;
	s3 =	sadd.f32 $-1.000000000e+00, s1;
	s1 =	smul.f32 s1, s13  }
0x3f: {  	s14 =	ssub.s32 s14, s26;
	s26 =	smul.u32 s6, s22;
	s11 =	smax.f32 s11, $0.0e+00  }
0x40: {  	s1 =	smax.f32 s1, $0.0e+00;
	s11 =	smin.f32 s3, s11  }
0x41: {  	s1 =	smin.f32 s3, s1;
	s19 =	scvt.f32.s32 s11  }
0x42: {  	v6 =	vld [tilespmem:$0x10];
	s4 =	spop (v2sf);
	s30 =	scvt.f32.s32 s1  }
0x43: {  	s23 =	simm.s32 $0x1;
	s7 =	spop (v2sf);
	s18 =	scvt.s32.f32 s19  }
0x44: {  	s31 =	simm.s32 $0x1;
	s2 =	smul.f32 s7, s4;
	s8 =	scvt.s32.f32 s30  }
0x45: {  	s28 =	simm.s32 $0x28;
	s10 =	spop (v2sf);
	p0 =	slt.f32 s11, s18  }
0x46: {  	s0 =	simm.s32 $0x1;
	p3 =	slt.f32 s2, $1.999999960e-02;
	p5 =	slt.f32 s2, $1.000000010e-01  }
0x47: {  	s0 =	simm.s32 @!p1 $0x0;
	(v2sf) =	vpush v6, $0x0;
	p1 =	slt.f32 s1, s8;
	s11 =	spop (v2sf)  }
0x48: {  	s18 =	simm.f32 $4.000000000e+01;
	s24 =	spop (v2sf);
	s1 =	simm.s32 @!p5 $0x0  }
0x49: {  	(v2sf) =	vpush v6, $0x1;
	s23 =	simm.s32 @!p0 $0x0;
	p2 =	por !p3, !p3;
	s31 =	simm.s32 @!p1 $0x0  }
0x4a: {  	(v2sf) =	vpush v6, $0x2;
	s25 =	spop (v2sf);
	s3 =	simm.s32 @!p3 $0x0;
	s1 =	simm.s32 @p5 $0x1  }
0x4b: {  	(v2sf) =	vpush v6, $0x3;
	p0 =	por !p2, !p5;
	s3 =	simm.s32 @p3 $0x1;
	s13 =	smul.f32 s25, s24  }
0x4c: {  	[smem:$0x7F8] =	sst s1;
	p0 =	por !p0, !p0;
	s1 =	simm.f32 $4.000000000e+01  }
0x4d: {  	s19 =	ssub.s32 s19, s23;
	[smem:$0x7F7] =	sst s3;
	s1 =	simm.s32 @!p0 $0x41A00000  }
0x4e: {  	s28 =	simm.s32 @!p0 $0x14;
	p1 =	slt.f32 s13, $1.000000010e-01;
	s1 =	simm.s32 @p3 $0x42A00000  }
0x4f: {  	p5 =	slt.f32 s13, $1.999999960e-02;
	s28 =	simm.s32 @p3 $0x50;
	s12 =	smul.f32 s1, s20  }
0x50: {  	s29 =	sadd.f32 $-1.000000000e+00, s1;
	s1 =	smul.f32 s1, s21;
	s3 =	simm.s32 @!p1 $0x0  }
0x51: {  	p6 =	por !p5, !p5;
	s23 =	smul.u32 s28, s28;
	s3 =	simm.s32 @p1 $0x1  }
0x52: {  	p0 =	por !p6, !p1;
	s12 =	smax.f32 s12, $0.0e+00;
	[smem:$0x7FA] =	sst s3  }
0x53: {  	s1 =	smax.f32 s1, $0.0e+00;
	p2 =	por !p0, !p0;
	s3 =	simm.s32 @!p5 $0x0  }
0x54: {  	s12 =	smin.f32 s29, s12;
	s15 =	smin.f32 s29, s1;
	s18 =	simm.s32 @!p2 $0x41A00000  }
0x55: {  	s3 =	simm.s32 @p5 $0x1;
	s20 =	scvt.f32.s32 s12;
	s1 =	scvt.f32.s32 s15  }
0x56: {  	s18 =	simm.s32 @p5 $0x42A00000;
	[smem:$0x7F9] =	sst s3;
	s29 =	spop (v2sf)  }
0x57: {  	s2 =	smul.f32 s18, s10;
	s25 =	sadd.f32 $-1.000000000e+00, s18  }
0x58: {  	(v2sf) =	vpush v6, $0x4;
	s8 =	spop (v2sf);
	s4 =	scvt.s32.f32 s20  }
0x59: {  	s21 =	scvt.s32.f32 s1;
	s10 =	spop (v2sf)  }
0x5a: {  	s2 =	smax.f32 s2, $0.0e+00;
	s7 =	spop (v2sf)  }
0x5b: {  	s24 =	simm.s32 $0x1;
	p1 =	slt.f32 s12, s4;
	s12 =	smin.f32 s25, s2  }
0x5c: {  	(v2sf) =	vpush v6, $0x5;
	s2 =	simm.s32 $0x1;
	s7 =	smul.f32 s7, s10;
	s13 =	scvt.f32.s32 s12  }
0x5d: {  	(v2sf) =	vpush v6, $0x6;
	s24 =	simm.s32 @!p1 $0x0;
	p1 =	slt.f32 s15, s21;
	s15 =	simm.s32 $0x28  }
0x5e: {  	(v2sf) =	vpush v6, $0x7;
	s21 =	smul.f32 s18, s11;
	s11 =	simm.f32 $4.000000000e+01;
	p6 =	slt.f32 s7, $1.999999960e-02  }
0x5f: {  	p0 =	slt.f32 s7, $1.000000010e-01;
	s15 =	simm.s32 @!p2 $0x14;
	s4 =	scvt.s32.f32 s13  }
0x60: {  	s2 =	simm.s32 @!p1 $0x0;
	s10 =	smax.f32 s21, $0.0e+00;
	p2 =	por !p6, !p6  }
0x61: {  	s3 =	simm.s32 @!p0 $0x0;
	s10 =	smin.f32 s25, s10;
	p1 =	por !p2, !p0  }
0x62: {  	s3 =	simm.s32 @p0 $0x1;
	s25 =	scvt.f32.s32 s10;
	p0 =	por !p1, !p1  }
0x63: {  	p1 =	slt.f32 s12, s4;
	s4 =	sld [smem:$0x7F3];
	s11 =	simm.s32 @!p0 $0x41A00000  }
0x64: {  	s18 =	simm.s32 $0x1;
	[smem:$0x7FB] =	sst s3;
	s11 =	simm.s32 @p6 $0x42A00000  }
0x65: {  	s18 =	simm.s32 @!p1 $0x0;
	s12 =	smul.f32 s11, s29;
	s29 =	scvt.s32.f32 s25  }
0x66: {  	s21 =	sadd.f32 $-1.000000000e+00, s11;
	p1 =	seq.s32 s4, $0x1;
	s8 =	smul.f32 s11, s8  }
0x67: {  	s17 =	simm.s32 @p1 $0x50;
	s4 =	spop (v2sf);
	s7 =	smax.f32 s12, $0.0e+00  }
0x68: {  	p1 =	slt.f32 s10, s29;
	s11 =	smul.u32 s6, s17  }
0x69: {  	s30 =	sadd.s32 s30, s26;
	s8 =	smax.f32 s8, $0.0e+00;
	s7 =	smin.f32 s21, s7  }
0x6a: {  	s26 =	simm.s32 $0x1;
	s8 =	smin.f32 s21, s8;
	s12 =	scvt.f32.s32 s7  }
0x6b: {  	s10 =	sadd.s32 s16, s11;
	s21 =	scvt.f32.s32 s8;
	s11 =	spop (v2sf)  }
0x6c: {  	(v2sf) =	vpush v6, $0x8;
	s0 =	ssub.s32 s10, s0;
	s10 =	spop (v2sf);
	s3 =	scvt.s32.f32 s12  }
0x6d: {  	s29 =	simm.s32 $0x1;
	s0 =	smul.u32 s17, s0;
	s16 =	spop (v2sf)  }
0x6e: {  	s29 =	simm.s32 @!p1 $0x0;
	(v2sf) =	vpush v6, $0x9;
	p1 =	slt.f32 s7, s3;
	s3 =	smul.f32 s16, s10  }
0x6f: {  	p2 =	por p6, p6;
	(v2sf) =	vpush v6, $0xA;
	s16 =	simm.s32 $0x28;
	s10 =	smul.u32 s17, s17  }
0x70: {  	(v2sf) =	vpush v6, $0xB;
	s7 =	scvt.s32.f32 s21;
	s17 =	simm.s32 $0x1;
	p4 =	slt.f32 s3, $1.000000010e-01  }
0x71: {  	s0 =	sadd.s32 s0, s14;
	s16 =	simm.s32 @!p0 $0x14;
	p6 =	slt.f32 s3, $1.999999960e-02;
	v7 =	vmul.u32 s10, v0  }
0x72: {  	p0 =	slt.f32 s8, s7;
	s17 =	simm.s32 @!p1 $0x0;
	v8 =	vmul.u32 s10, v1;
	s3 =	simm.s32 @!p4 $0x0  }
0x73: {  	v9 =	vmul.u32 s10, v2;
	s7 =	simm.f32 $4.000000000e+01;
	p1 =	por !p6, !p6;
	v7 =	vadd.s32 s0, v7;
	s3 =	simm.s32 @p4 $0x1  }
0x74: {  	v35 =	vmul.u32 s10, v3;
	s26 =	simm.s32 @!p0 $0x0;
	p4 =	por !p1, !p4;
	[tilespmem:$0x80] =	vst v7;
	v7 =	vadd.s32 s0, v8;
	[smem:$0x7FC] =	sst s3  }
0x75: {  	v36 =	vmul.u32 s10, v4;
	s3 =	ssub.s32 s30, s31;
	p0 =	por !p4, !p4;
	[tilespmem:$0x90] =	vst v7;
	v7 =	vadd.s32 s0, v9;
	s31 =	smul.u32 s6, s28  }
0x76: {  	v37 =	vmul.u32 s10, v5;
	s10 =	smul.u32 s22, s22;
	s7 =	simm.s32 @!p0 $0x41A00000;
	[tilespmem:$0xA0] =	vst v7;
	v7 =	vadd.s32 s0, v35  }
0x77: {  	s3 =	smul.u32 s22, s3;
	[tilespmem:$0xB0] =	vst v7;
	v7 =	vadd.s32 s0, v36;
	s7 =	simm.s32 @p6 $0x42A00000;
	s1 =	sadd.s32 s1, s31  }
0x78: {  	[tilespmem:$0xC0] =	vst v7;
	v7 =	vadd.s32 s0, v37;
	s4 =	smul.f32 s7, s4;
	s30 =	ssub.s32 s1, s2  }
0x79: {  	v38 =	vmov s0;
	[tilespmem:$0xD0] =	vst v7;
	v7 =	vmul.u32 s10, v0;
	s8 =	smul.u32 s28, s30  }
0x7a: {  	[tilespmem:$0xE0] =	vst v38;
	v39 =	vmul.u32 s10, v1;
	s31 =	sadd.f32 $-1.000000000e+00, s7;
	s3 =	sadd.s32 s3, s19;
	s28 =	smul.f32 s7, s11  }
0x7b: {  	s15 =	simm.s32 @p5 $0x50;
	[tilespmem:$0xF0] =	vst v38;
	v40 =	vmul.u32 s10, v2;
	s2 =	spop (v2sf);
	s22 =	smax.f32 s4, $0.0e+00;
	v7 =	vadd.s32 s3, v7  }
0x7c: {  	s14 =	simm.s32 $0x28;
	v41 =	vmul.u32 s10, v3;
	s4 =	smin.f32 s31, s22;
	s0 =	smax.f32 s28, $0.0e+00;
	[tilespmem:$0x100] =	vst v7;
	v7 =	vadd.s32 s3, v39  }
0x7d: {  	s16 =	simm.s32 @p2 $0x50;
	v42 =	vmul.u32 s10, v4;
	s22 =	spop (v2sf);
	s19 =	scvt.f32.s32 s4;
	[tilespmem:$0x110] =	vst v7;
	v7 =	vadd.s32 s3, v40  }
0x7e: {  	v43 =	vmul.u32 s10, v5;
	s14 =	simm.s32 @!p0 $0x14;
	s7 =	smin.f32 s31, s0;
	s30 =	spop (v2sf);
	[tilespmem:$0x120] =	vst v7;
	v7 =	vadd.s32 s3, v41  }
0x7f: {  	s14 =	simm.s32 @p6 $0x50;
	(v2sf) =	vpush v6, $0xC;
	s0 =	scvt.f32.s32 s7;
	s31 =	spop (v2sf);
	[tilespmem:$0x130] =	vst v7;
	v7 =	vadd.s32 s3, v42  }
0x80: {  	s1 =	simm.s32 $0x1;
	s10 =	scvt.s32.f32 s19;
	s11 =	smul.f32 s31, s30;
	[tilespmem:$0x140] =	vst v7;
	v7 =	vadd.s32 s3, v43  }
0x81: {  	v44 =	vmov s3;
	(v2sf) =	vpush v6, $0xD;
	s28 =	ssub.s32 s20, s24;
	s20 =	simm.s32 $0x1;
	s31 =	smul.u32 s6, s15;
	[tilespmem:$0x150] =	vst v7;
	v7 =	vmul.u32 s23, v0  }
0x82: {  	v45 =	vmul.u32 s23, v1;
	[tilespmem:$0x160] =	vst v44;
	(v2sf) =	vpush v6, $0xE;
	s30 =	scvt.s32.f32 s0;
	s3 =	sadd.s32 s8, s28;
	p0 =	slt.f32 s4, s10  }
0x83: {  	v46 =	vmul.u32 s23, v2;
	[tilespmem:$0x170] =	vst v44;
	(v2sf) =	vpush v6, $0xF;
	p3 =	slt.f32 s11, $1.999999960e-02;
	p4 =	slt.f32 s11, $1.000000010e-01;
	s10 =	sadd.s32 s25, s31;
	v7 =	vadd.s32 s3, v7  }
0x84: {  	s11 =	smul.u32 s15, s15;
	s8 =	simm.f32 $4.000000000e+01;
	p1 =	slt.f32 s7, s30;
	v6 =	vadd.s32 s3, v45;
	[tilespmem:$0x180] =	vst v7;
	v7 =	vmul.u32 s23, v3  }
0x85: {  	v47 =	vmul.u32 s23, v4;
	s30 =	smul.u32 s6, s14;
	s1 =	simm.s32 @!p0 $0x0;
	s4 =	simm.s32 @!p4 $0x0;
	[tilespmem:$0x190] =	vst v6;
	v6 =	vadd.s32 s3, v46  }
0x86: {  	v48 =	vmul.u32 s23, v5;
	p5 =	por !p3, !p3;
	s4 =	simm.s32 @p4 $0x1;
	s20 =	simm.s32 @!p1 $0x0;
	[tilespmem:$0x1A0] =	vst v6;
	v6 =	vadd.s32 s3, v7  }
0x87: {  	p0 =	por !p5, !p4;
	[smem:$0x7FD] =	sst s4;
	s4 =	ssub.s32 s10, s29;
	[tilespmem:$0x1B0] =	vst v6;
	v6 =	vadd.s32 s3, v47  }
0x88: {  	s0 =	sadd.s32 s0, s30;
	s1 =	ssub.s32 s19, s1;
	s4 =	smul.u32 s15, s4;
	[tilespmem:$0x1C0] =	vst v6;
	v6 =	vadd.s32 s3, v48  }
0x89: {  	p0 =	por !p0, !p0;
	s0 =	ssub.s32 s0, s20;
	s15 =	ssub.s32 s13, s18;
	v7 =	vmov s3;
	[tilespmem:$0x1D0] =	vst v6;
	v6 =	vmul.u32 s11, v0  }
0x8a: {  	v49 =	vmul.u32 s11, v1;
	s8 =	simm.s32 @!p0 $0x41A00000;
	s18 =	smul.u32 s6, s16;
	[tilespmem:$0x1E0] =	vst v7;
	s3 =	sadd.s32 s4, s15  }
0x8b: {  	s19 =	sld [smem:$0x7F3];
	s0 =	smul.u32 s14, s0;
	s8 =	simm.s32 @p3 $0x42A00000;
	[tilespmem:$0x1F0] =	vst v7;
	v7 =	vmul.u32 s11, v2;
	v6 =	vadd.s32 s3, v6  }
0x8c: {  	v50 =	vmul.u32 s11, v3;
	s20 =	sld [smem:$0x7F4];
	s2 =	smul.f32 s8, s2;
	[tilespmem:$0x200] =	vst v6;
	v6 =	vadd.s32 s3, v49  }
0x8d: {  	s23 =	sadd.f32 $-1.000000000e+00, s8;
	s8 =	smul.f32 s8, s22;
	[tilespmem:$0x210] =	vst v6;
	v6 =	vadd.s32 s3, v7;
	v7 =	vmul.u32 s11, v4  }
0x8e: {  	v51 =	vmul.u32 s11, v5;
	s10 =	sadd.s32 s21, s18;
	s21 =	smul.u32 s14, s14;
	s15 =	spop (v2sf);
	[tilespmem:$0x220] =	vst v6;
	v6 =	vadd.s32 s3, v50  }
0x8f: {  	s10 =	ssub.s32 s10, s26;
	s26 =	smul.u32 s16, s16;
	s2 =	smax.f32 s2, $0.0e+00;
	[tilespmem:$0x230] =	vst v6;
	v6 =	vadd.s32 s3, v7  }
0x90: {  	s12 =	ssub.s32 s12, s17;
	s25 =	smul.u32 s16, s10;
	s18 =	spop (v2sf);
	[tilespmem:$0x240] =	vst v6;
	v6 =	vadd.s32 s3, v51  }
0x91: {  	p5 =	por p2, p2;
	s24 =	smin.f32 s23, s2;
	s29 =	spop (v2sf);
	v7 =	vmov s3;
	[tilespmem:$0x250] =	vst v6;
	v6 =	vmul.u32 s26, v0  }
0x92: {  	v52 =	vmul.u32 s26, v1;
	s2 =	scvt.f32.s32 s24;
	s7 =	sadd.s32 s25, s12;
	s31 =	spop (v2sf);
	[tilespmem:$0x260] =	vst v7  }
0x93: {  	s13 =	simm.s32 $0x28;
	s8 =	smax.f32 s8, $0.0e+00;
	[tilespmem:$0x270] =	vst v7;
	v7 =	vmul.u32 s26, v2;
	s3 =	smul.f32 s31, s29;
	v6 =	vadd.s32 s7, v6  }
0x94: {  	s13 =	simm.s32 @!p0 $0x14;
	s4 =	smin.f32 s23, s8;
	v53 =	vmul.u32 s26, v3;
	s28 =	scvt.s32.f32 s2;
	[tilespmem:$0x280] =	vst v6;
	v6 =	vadd.s32 s7, v52  }
0x95: {  	s13 =	simm.s32 @p3 $0x50;
	s22 =	scvt.f32.s32 s4;
	p2 =	slt.f32 s3, $1.999999960e-02;
	[tilespmem:$0x290] =	vst v6;
	v6 =	vadd.s32 s7, v7;
	v7 =	vmul.u32 s26, v4  }
0x96: {  	s0 =	sadd.s32 s0, s1;
	v54 =	vmul.u32 s26, v5;
	p0 =	slt.f32 s24, s28;
	p4 =	slt.f32 s3, $1.000000010e-01;
	[tilespmem:$0x2A0] =	vst v6;
	v6 =	vadd.s32 s7, v53  }
0x97: {  	s8 =	rddreg [dreg:$0x12];
	s11 =	simm.s32 $0x1;
	p1 =	por !p2, !p2;
	[tilespmem:$0x2B0] =	vst v6;
	v6 =	vadd.s32 s7, v7  }
0x98: {  	s23 =	scvt.s32.f32 s22;
	s11 =	simm.s32 @!p0 $0x0;
	p0 =	por !p1, !p4;
	[tilespmem:$0x2C0] =	vst v6;
	v6 =	vadd.s32 s7, v54  }
0x99: {  	s12 =	simm.f32 $4.000000000e+01;
	s24 =	smul.u32 s6, s13;
	p1 =	por !p0, !p0;
	v7 =	vmov s7;
	[tilespmem:$0x2D0] =	vst v6;
	v6 =	vmul.u32 s21, v0  }
0x9a: {  	v55 =	vmul.u32 s21, v1;
	s3 =	simm.s32 $0x1;
	p0 =	slt.f32 s4, s23;
	s12 =	simm.s32 @!p1 $0x41A00000;
	[tilespmem:$0x2E0] =	vst v7  }
0x9b: {  	s26 =	sadd.s32 s22, s24;
	s22 =	sld [smem:$0x7F5];
	[tilespmem:$0x2F0] =	vst v7;
	v7 =	vmul.u32 s21, v2;
	s12 =	simm.s32 @p2 $0x42A00000;
	v6 =	vadd.s32 s0, v6  }
0x9c: {  	v56 =	vmul.u32 s21, v3;
	s24 =	sld [smem:$0x7F6];
	s3 =	simm.s32 @!p0 $0x0;
	s28 =	smul.f32 s12, s18;
	[tilespmem:$0x300] =	vst v6;
	v6 =	vadd.s32 s0, v55  }
0x9d: {  	s25 =	smul.u32 s13, s13;
	s3 =	ssub.s32 s26, s3;
	s30 =	sadd.f32 $-1.000000000e+00, s12;
	[tilespmem:$0x310] =	vst v6;
	v6 =	vadd.s32 s0, v7;
	v7 =	vmul.u32 s21, v4  }
0x9e: {  	v57 =	vmul.u32 s21, v5;
	s29 =	smul.f32 s12, s15;
	s12 =	ssub.s32 s2, s11;
	s7 =	smax.f32 s28, $0.0e+00;
	[tilespmem:$0x320] =	vst v6;
	v6 =	vadd.s32 s0, v56  }
0x9f: {  	s2 =	simm.s32 $0x28;
	s3 =	smul.u32 s13, s3;
	s7 =	smin.f32 s30, s7;
	[tilespmem:$0x330] =	vst v6;
	v6 =	vadd.s32 s0, v7  }
0xa0: {  	s2 =	simm.s32 @!p1 $0x14;
	s4 =	smax.f32 s29, $0.0e+00;
	s31 =	scvt.f32.s32 s7;
	[tilespmem:$0x340] =	vst v6;
	v6 =	vadd.s32 s0, v57  }
0xa1: {  	s23 =	rddreg [dreg:$0x5];
	s2 =	simm.s32 @p2 $0x50;
	s4 =	smin.f32 s30, s4;
	v7 =	vmov s0;
	[tilespmem:$0x350] =	vst v6;
	v6 =	vmul.u32 s25, v0  }
0xa2: {  	v58 =	vmul.u32 s25, v1;
	s10 =	scvt.f32.s32 s4;
	s13 =	scvt.s32.f32 s31;
	[tilespmem:$0x360] =	vst v7;
	s0 =	sadd.s32 s3, s12  }
0xa3: {  	s26 =	sld [smem:$0x7F7];
	s15 =	smul.u32 s6, s2;
	[tilespmem:$0x370] =	vst v7;
	v7 =	vmul.u32 s25, v2;
	v6 =	vadd.s32 s0, v6  }
0xa4: {  	v59 =	vmul.u32 s25, v3;
	s14 =	scvt.s32.f32 s10;
	p0 =	slt.f32 s7, s13;
	[tilespmem:$0x380] =	vst v6;
	v6 =	vadd.s32 s0, v58  }
0xa5: {  	s28 =	rddreg [dreg:$0x7];
	s3 =	simm.s32 $0x1;
	[tilespmem:$0x390] =	vst v6;
	v6 =	vadd.s32 s0, v7;
	v7 =	vmul.u32 s25, v4  }
0xa6: {  	v60 =	vmul.u32 s25, v5;
	s16 =	sadd.s32 s31, s15;
	s3 =	simm.s32 @!p0 $0x0;
	p0 =	slt.f32 s4, s14;
	[tilespmem:$0x3A0] =	vst v6;
	v6 =	vadd.s32 s0, v59  }
0xa7: {  	s17 =	smul.u32 s2, s2;
	s4 =	simm.s32 $0x1;
	s1 =	ssub.s32 s16, s3;
	[tilespmem:$0x3B0] =	vst v6;
	v6 =	vadd.s32 s0, v7  }
0xa8: {  	s29 =	sld [smem:$0x7F8];
	s4 =	simm.s32 @!p0 $0x0;
	s1 =	smul.u32 s2, s1;
	[tilespmem:$0x3C0] =	vst v6;
	v6 =	vadd.s32 s0, v60  }
0xa9: {  	s30 =	rddreg [dreg:$0x8];
	s18 =	ssub.s32 s10, s4;
	v7 =	vmov s0;
	[tilespmem:$0x3D0] =	vst v6;
	v6 =	vmul.u32 s17, v0  }
0xaa: {  	s21 =	rddreg [dreg:$0x4];
	v61 =	vmul.u32 s17, v1;
	[tilespmem:$0x3E0] =	vst v7;
	s0 =	sadd.s32 s1, s18  }
0xab: {  	s31 =	sld [smem:$0x7F9];
	[tilespmem:$0x3F0] =	vst v7;
	v7 =	vmul.u32 s17, v2;
	v6 =	vadd.s32 s0, v6  }
0xac: {  	v62 =	vmul.u32 s17, v3;
	s15 =	rddreg [dreg:$0xa];
	[tilespmem:$0x400] =	vst v6;
	v6 =	vadd.s32 s0, v61  }
0xad: {  	s13 =	rddreg [dreg:$0x9];
	[tilespmem:$0x410] =	vst v6;
	v6 =	vadd.s32 s0, v7;
	v7 =	vmul.u32 s17, v4  }
0xae: {  	s14 =	sld [smem:$0x7FA];
	[tilespmem:$0x420] =	vst v6;
	v6 =	vadd.s32 s0, v62  }
0xaf: {  	s16 =	rddreg [dreg:$0xb];
	[tilespmem:$0x430] =	vst v6;
	v6 =	vadd.s32 s0, v7  }
0xb0: {  	s11 =	simm.s32 $0x80;
	v63 =	vmul.u32 s17, v5;
	s12 =	simm.s32 $0x480;
	s10 =	rddreg [dreg:$0x13];
	v7 =	vmov s0;
	[tilespmem:$0x440] =	vst v6  }
0xb1: {  	p0 =	seq.s32 s19, $0x1;
	s25 =	rddreg [dreg:$0x6];
	s1 =	smov.u32 s10;
	[tilespmem:$0x460] =	vst v7  }
0xb2: {  	s1 =	smov.u32 @p0 s8;
	p0 =	seq.s32 s20, $0x1;
	v6 =	vadd.s32 s0, v63;
	s0 =	smov.u32 s5;
	[tilespmem:$0x470] =	vst v7  }
0xb3: {  	[tilespmem:$0x450] =	vst v6;
	s0 =	smov.u32 @p0 s1;
	s1 =	smov.u32 s10;
	p0 =	seq.s32 s22, $0x1  }
0xb4: {  	[tilespmem:s12], [sflag:$0x1] =	stream.indirect.gather [hbm4b:s0+s11], $0x1, s11, s11, $0xb8;
	[tilespmem:$0x880] =	vst v63  }
0xb5: {  	s1 =	smov.u32 @p0 s8;
	s0 =	smov.u32 s5;
	p0 =	seq.s32 s24, $0x1  }
0xb6: {  	s2 =	smov.u32 s5;
	s19 =	rddreg [dreg:$0xd];
	s0 =	smov.u32 @p0 s1  }
0xb7: {  	[tilespmem:s23], [sflag:$0x1] =	stream.indirect.gather [hbm4b:s0+s11], $0x1, s21, s11, $0xb8;
	[tilespmem:$0x880] =	vst v63  }
0xb8: {  	s18 =	rddreg [dreg:$0xc];
	p0 =	seq.s32 s26, $0x1;
	s0 =	smov.u32 s10  }
0xb9: {  	s17 =	sld [smem:$0x7FB];
	s0 =	smov.u32 @p0 s8;
	p0 =	seq.s32 s29, $0x1  }
0xba: {  	s2 =	smov.u32 @p0 s0;
	s0 =	smov.u32 s10;
	p0 =	seq.s32 s31, $0x1  }
0xbb: {  	[tilespmem:s28], [sflag:$0x1] =	stream.indirect.gather [hbm4b:s2+s11], $0x1, s25, s11, $0xb8;
	[tilespmem:$0x880] =	vst v63  }
0xbc: {  	s1 =	smov.u32 s5;
	s0 =	smov.u32 @p0 s8;
	p0 =	seq.s32 s14, $0x1  }
0xbd: {  	s20 =	sld [smem:$0x7FC];
	s1 =	smov.u32 @p0 s0;
	s0 =	smov.u32 s10  }
0xbe: {  	[tilespmem:s13], [sflag:$0x1] =	stream.indirect.gather [hbm4b:s1+s11], $0x1, s30, s11, $0xb8;
	[tilespmem:$0x880] =	vst v63  }
0xbf: {  	s2 =	smov.u32 s5;
	p0 =	seq.s32 s17, $0x1;
	s0 =	smov.u32 @p5 s8  }
0xc0: {  	s23 =	sld [smem:$0x7FD];
	s2 =	smov.u32 @p0 s0;
	s0 =	smov.u32 s10  }
0xc1: {  	s1 =	smov.u32 s5;
	p0 =	seq.s32 s20, $0x1;
	s0 =	smov.u32 @p6 s8  }
0xc2: {  	[tilespmem:s16], [sflag:$0x1] =	stream.indirect.gather [hbm4b:s2+s11], $0x1, s15, s11, $0xb8;
	[tilespmem:$0x880] =	vst v63  }
0xc3: {  	s22 =	rddreg [dreg:$0xf];
	s1 =	smov.u32 @p0 s0;
	s0 =	smov.u32 s10  }
0xc4: {  	[tilespmem:s19], [sflag:$0x1] =	stream.indirect.gather [hbm4b:s1+s11], $0x1, s18, s11, $0xb8;
	[tilespmem:$0x880] =	vst v63  }
0xc5: {  	s2 =	smov.u32 s5;
	p0 =	seq.s32 s23, $0x1;
	s0 =	smov.u32 @p3 s8  }
0xc6: {  	s24 =	rddreg [dreg:$0x10];
	s2 =	smov.u32 @p0 s0;
	s0 =	smov.u32 s10  }
0xc7: {  	s21 =	rddreg [dreg:$0xe];
	s1 =	smov.u32 s5;
	s0 =	smov.u32 @p2 s8  }
0xc8: {  	[tilespmem:s22], [sflag:$0x1] =	stream.indirect.gather [hbm4b:s2+s11], $0x1, s21, s11, $0xb8;
	[tilespmem:$0x880] =	vst v63  }
0xc9: {  	s25 =	rddreg [dreg:$0x11];
	s1 =	smov.u32 @p4 s0  }
0xca: {  	[tilespmem:s25], [sflag:$0x1] =	stream.indirect.gather [hbm4b:s1+s11], $0x1, s24, s11, $0xb8;
	[tilespmem:$0x880] =	vst v63  }
0xcb: {  	s26 =	rddreg [dreg:$0x14];
	_ =	swait.ge [sflag:s9], $0x80  }
0xcc: {  	[sflag:s9] =	ssyncset.done $0x0  }
0xcd: {  	[sflag:s9] =	ssyncadd.s32 $0xFFFFFF80  }
0xce: {  	_ =	swait.ge [sflag:s9], $0x80  }
0xcf: {  	[sflag:s9] =	ssyncset.done $0x0  }
0xd0: {  	[sflag:s9] =	ssyncadd.s32 $0xFFFFFF80  }
0xd1: {  	_ =	swait.ge [sflag:s9], $0x80  }
0xd2: {  	[sflag:s9] =	ssyncset.done $0x0  }
0xd3: {  	[sflag:s9] =	ssyncadd.s32 $0xFFFFFF80  }
0xd4: {  	_ =	swait.ge [sflag:s9], $0x80  }
0xd5: {  	[sflag:s9] =	ssyncset.done $0x0  }
0xd6: {  	[sflag:s9] =	ssyncadd.s32 $0xFFFFFF80  }
0xd7: {  	_ =	swait.ge [sflag:s9], $0x80  }
0xd8: {  	[sflag:s9] =	ssyncset.done $0x0  }
0xd9: {  	[sflag:s9] =	ssyncadd.s32 $0xFFFFFF80  }
0xda: {  	_ =	swait.ge [sflag:s9], $0x80  }
0xdb: {  	[sflag:s9] =	ssyncset.done $0x0  }
0xdc: {  	[sflag:s9] =	ssyncadd.s32 $0xFFFFFF80  }
0xdd: {  	_ =	swait.ge [sflag:s9], $0x80  }
0xde: {  	[sflag:s9] =	ssyncset.done $0x0  }
0xdf: {  	[sflag:s9] =	ssyncadd.s32 $0xFFFFFF80  }
0xe0: {  	s29 =	simm.s32 $0x0;
	_ =	swait.ge [sflag:s9], $0x80  }
0xe1: {  	s30 =	simm.s32 $0x2;
	p0 =	sne.s32 s26, $0x1;
	[sflag:s9] =	ssyncset.done $0x0  }
.Ltmp0:
0xe2: {  	s28 =	rddreg [dreg:$0x3];
	[sflag:s9] =	ssyncadd.s32 $0xFFFFFF80;
	(pc) =	sbr.rel @p0 .LBB2_1-.Ltmp0, $4  }
0xe3: {  	[hbm4b:s28+s29] =	stream.linear.scatter [tilespmem:s12], [sflag:$0x2], $0x400, $0x38;
	[tilespmem:$0x880] =	vst v63  }
0xe4: {  	_ =	swait.ge [sflag:s30], $0x400  }
0xe5: {  	s31 =	simm.s32 $0x2;
	[sflag:s30] =	ssyncset.done $0x0  }
0xe6: {  	s2 =	sadd.s32 $0xFFFFFFFF, s26;
	[sflag:s31] =	ssyncadd.s32 $0xFFFFFC00  }
0xe7: {  	_ =	sfence.sel $0x180000  }
0xe8: {  	[bflag:$0x0] =	sbarrier.arrive $0xFFFF  }
0xe9: {  	_ =	strace $0x90000047  }
0xea: {  	s0 =	stileid.u32;
	[bflag:$0x2] =	sbarrier.arrive $0xFFFF  }
0xeb: {  	p0 =	sne.s32 s0, $0x0;
	s0 =	rddreg [dreg:$0x1]  }
0xec: {  	s0 =	sadd.s32 @!p0 $0x100000, s0  }
0xed: {  	[sflag:s0] =	ssyncadd.tile.s32 @!p0 $0x1;
	_ =	shalt  }
.Lfunc_end2:
_tile_overlayer_lowered:
.L_overlay_start_2:
0xee: {  	(tag) =	ssettag $0x2  }
0xef: {  	s0 =	rddreg [dreg:$0x0];
	s2 =	stileid.u32  }
0xf0: {  	s1 =	rddreg [dreg:$0x1];
	p0 =	sne.s32 s2, $0x0  }
0xf1: {  	s3 =	rddreg [dreg:$0x2];
	[bflag:$0x3] =	sbarrier.arrive $0xFFFF;
	s2 =	simm.s32 @!p0 $0x1C02  }
0xf2: {  	[timem:s3], [sflag:s2] =	dma.local @!p0 [hbm:s0], s1  }
0xf3: {  	s0 =	simm.s32 @!p0 $0x2  }
0xf4: {  	_ =	swait.ge @!p0 [sflag:s0], s1  }
0xf5: {  	s1 =	ssub.s32 @!p0 $0x0, s1;
	[sflag:s0] =	ssyncset.done @!p0 $0x0  }
0xf6: {  	[sflag:s0] =	ssyncadd.s32 @!p0 s1  }
0xf7: {  	[bflag:$0x3] =	sbarrier.arrive $0xFFFF  }
0xf8: {  	_ =	shalt  }

</sc_bundles>
